<compile_context>
chip_gen: v7x
topology: tpu7x:2x2x1
jax: 0.10.2.dev20260603
libtpu: 0.0.44.dev20260713+nightly
codegen_flags: <defaults>
</compile_context>

<pallas_src>
import functools

import jax
import jax.numpy as jnp
from jax import lax
from jax.experimental import pallas as pl
from jax.experimental.pallas import tpu as pltpu
from jax.experimental.pallas import tpu_sc as plsc


@functools.lru_cache(maxsize=None)
def _build(N, S, V, D):
    info = plsc.get_sparse_core_info()
    L = info.num_lanes
    NW = info.num_cores * info.num_subcores
    assert N % NW == 0
    BW = N // NW
    mesh = plsc.VectorSubcoreMesh(core_axis_name="c", subcore_axis_name="s")

    @functools.partial(
        pl.kernel,
        mesh=mesh,
        out_type=jax.ShapeDtypeStruct((S, D // 8, N // 128, 1024), jnp.float32),
        scratch_types=[
            pltpu.VMEM((S, BW), jnp.int32),
            pltpu.VMEM((BW, D), jnp.float32),
            pltpu.VMEM((BW, D), jnp.float32),
            pltpu.VMEM((D // 8, BW // 128, 1024), jnp.float32),
            pltpu.VMEM((D // 8, BW // 128, 1024), jnp.float32),
            pltpu.SemaphoreType.DMA,
            pltpu.SemaphoreType.DMA,
        ],
        compiler_params=pltpu.CompilerParams(
            use_tc_tiling_on_sc=False, needs_layout_passes=False
        ),
    )
    def emb(
        xt_hbm, table_hbm, yt_hbm, idx_v, rows0_v, rows1_v, trans0_v, trans1_v,
        semg, sems,
    ):
        wid = lax.axis_index("s") * info.num_cores + lax.axis_index("c")
        b0 = wid * BW
        pltpu.sync_copy(xt_hbm.at[:, pl.ds(b0, BW)], idx_v)

        def scale_row(s, carry):
            @plsc.parallel_loop(0, BW // L, 1)
            def sbody(g):
                sl = (s, pl.ds(g * L, L))
                idx_v[sl] = idx_v[sl] * 4

            return carry

        lax.fori_loop(0, S, scale_row, 0)

        iota = lax.iota(jnp.int32, L)
        rots = [(iota + c) & (L - 1) for c in range(L)]
        dcols = [iota + t * L for t in range(D // L)]
        dtiles = [dcol >> 3 for dcol in dcols]
        dinners = [(dcol & 7) * 128 for dcol in dcols]

        def gather(s, rows_v):
            pltpu.async_copy(table_hbm.at[idx_v.at[s]], rows_v, semg)

        def drain_gather(rows_v):
            pltpu.make_async_copy(table_hbm.at[idx_v.at[0]], rows_v, semg).wait()

        bt0 = wid * (BW // 128)

        def drain_store(trans_v):
            pltpu.make_async_copy(
                trans_v, yt_hbm.at[0].at[:, pl.ds(bt0, BW // 128)], sems
            ).wait()

        def transpose(rows_v, trans_v):
            @plsc.parallel_loop(0, BW // L, 1)
            def tbody(j0):
                base = j0 * L
                for c in range(L):
                    b_idx = rots[c] + base
                    bt = b_idx >> 7
                    b128 = b_idx & 127
                    for t in range(D // L):
                        v = plsc.load_gather(rows_v, [b_idx, dcols[t]])
                        plsc.store_scatter(
                            trans_v, [dtiles[t], bt, dinners[t] + b128], v
                        )

        def store(s, trans_v):
            pltpu.async_copy(
                trans_v, yt_hbm.at[s].at[:, pl.ds(bt0, BW // 128)], sems
            )

        gather(0, rows0_v)

        def body(i, carry):
            g = i * 2
            gather(g + 1, rows1_v)
            drain_gather(rows0_v)

            @pl.when(g >= 2)
            def _():
                drain_store(trans0_v)

            transpose(rows0_v, trans0_v)
            store(g, trans0_v)

            @pl.when(g + 2 < S)
            def _():
                gather(g + 2, rows0_v)

            drain_gather(rows1_v)

            @pl.when(g >= 2)
            def _():
                drain_store(trans1_v)

            transpose(rows1_v, trans1_v)
            store(g + 1, trans1_v)
            return carry

        lax.fori_loop(0, S // 2, body, 0)
        drain_store(trans0_v)
        drain_store(trans1_v)

    return emb


def kernel(x, table):
    N, S = x.shape
    V, D = table.shape
    pad = 128 // D * D - D if D < 128 else 0
    tablep = jnp.pad(table, ((0, 0), (0, pad))).reshape(-1, D)
    yt4 = _build(N, S, V, D)(x.T, tablep)
    yt5 = yt4.reshape(S, D // 8, N // 128, 8, 128)
    return yt5.transpose(2, 4, 0, 1, 3).reshape(N, S, D)

# --- scband reference (transcript-rebuilt; emitter-appended) ---
"""Pipeline reference for scband-nn-embedding-15126874816583 (READ-ONLY COPY).

The authoritative reference and input builder live on the scoring server;
editing this copy changes nothing except your own understanding.
"""

import jax, jax.numpy as jnp
import numpy as np

NUM_EMBEDDINGS = 1000000
EMBEDDING_DIM = 32

def setup_inputs(seed: int = 0) -> dict:
    key = jax.random.key(seed)
    k1, k2 = jax.random.split(key)
    x = jax.random.randint(k1, (16384, 50), 0, NUM_EMBEDDINGS, dtype=jnp.int64 if jax.config.jax_enable_x64 else jnp.int32)
    table = jax.random.normal(k2, (NUM_EMBEDDINGS, EMBEDDING_DIM), dtype=jnp.float32)
    return {"x": x, "table": table}

def reference(x, table):
    # Faithful translation of tf.nn.embedding_lookup with no max_norm/padding_idx
    embedded = jnp.take(table, x, axis=0)
    return embedded

if __name__ == "__main__":
    import jax
    _d = setup_inputs()
    print(jax.jit(kernel)(*tuple(_d.values())))

</pallas_src>

<mosaic_0001>
#map = affine_map<(d0, d1) -> (0, 0)>
#map1 = affine_map<(d0, d1) -> (0, 0, 0, 0)>
module attributes {stable_mosaic.version = 14 : i64} {
  func.func @emb(%arg0: i32, %arg1: i32, %arg2: memref<50x16384xi32, #tpu.memory_space<hbm>>, %arg3: memref<4000000x32xf32, #tpu.memory_space<hbm>>, %arg4: memref<50x4x128x1024xf32, #tpu.memory_space<hbm>>, %arg5: memref<50x512xi32, #tpu.memory_space<vmem>>, %arg6: memref<512x32xf32, #tpu.memory_space<vmem>>, %arg7: memref<512x32xf32, #tpu.memory_space<vmem>>, %arg8: memref<4x4x1024xf32, #tpu.memory_space<vmem>>, %arg9: memref<4x4x1024xf32, #tpu.memory_space<vmem>>, %arg10: memref<!tpu.dma_semaphore, #tpu.memory_space<semaphore_mem>>, %arg11: memref<!tpu.dma_semaphore, #tpu.memory_space<semaphore_mem>>) attributes {dimension_semantics = [#tpu.dimension_semantics<core_parallel>, #tpu.dimension_semantics<subcore_parallel>], iteration_bounds = array<i64: 2, 16>, scalar_prefetch = 0 : i64, scratch_operands = 7 : i64, tpu.core_type = #tpu.core_type<sc_vector_subcore>, window_params = [{transform_indices = #map}, {transform_indices = #map}, {transform_indices = #map1}]} {
    %mul3A = arith.constant 2 : i32
    %mul3A_0 = arith.muli %arg1, %mul3A : i32
    %add3A = arith.addi %mul3A_0, %arg0 : i32
    %mul3A_1 = arith.constant 512 : i32
    %mul3A_2 = arith.muli %add3A, %mul3A_1 : i32
    "tpu.region"() ({
      %run_scoped3A = tpu.sem_alloc : memref<!tpu.dma_semaphore, #tpu.memory_space<semaphore_mem>>
      %dma_start3A_173 = arith.constant 0 : i32
      %dma_start3A_174 = tpu.memref_slice %arg2[%dma_start3A_173, %mul3A_2] : memref<50x16384xi32, #tpu.memory_space<hbm>> -> memref<50x512xi32, #tpu.memory_space<hbm>>
      %dma_start3A_175 = arith.constant 0 : i32
      %dma_start3A_176 = tpu.memref_slice %arg2[%dma_start3A_175, %mul3A_2] : memref<50x16384xi32, #tpu.memory_space<hbm>> -> memref<50x512xi32, #tpu.memory_space<hbm>>
      tpu.enqueue_dma source(%dma_start3A_176 : memref<50x512xi32, #tpu.memory_space<hbm>>) target(%arg5 : memref<50x512xi32, #tpu.memory_space<vmem>>) target_semaphore(%run_scoped3A : memref<!tpu.dma_semaphore, #tpu.memory_space<semaphore_mem>>)
      %dma_wait3A_177 = arith.constant 0 : i32
      %dma_wait3A_178 = tpu.memref_slice %arg2[%dma_wait3A_177, %mul3A_2] : memref<50x16384xi32, #tpu.memory_space<hbm>> -> memref<50x512xi32, #tpu.memory_space<hbm>>
      %dma_wait3A_179 = arith.constant 0 : i32
      %dma_wait3A_180 = tpu.memref_slice %arg2[%dma_wait3A_179, %mul3A_2] : memref<50x16384xi32, #tpu.memory_space<hbm>> -> memref<50x512xi32, #tpu.memory_space<hbm>>
      tpu.wait_dma2 semaphore(%run_scoped3A : memref<!tpu.dma_semaphore, #tpu.memory_space<semaphore_mem>>) src(%dma_wait3A_180 : memref<50x512xi32, #tpu.memory_space<hbm>>) dst(%arg5 : memref<50x512xi32, #tpu.memory_space<vmem>>)
      tpu.yield
    }) : () -> ()
    %scan3A = arith.constant 0 : i32
    %scan3A_3 = arith.constant 0 : i32
    %scan3A_4 = arith.constant 50 : i32
    %scan3A_5 = arith.addi %scan3A_3, %scan3A_4 : i32
    %scan3A_6 = arith.constant 1 : i32
    scf.for %scan3A_173 = %scan3A_3 to %scan3A_5 step %scan3A_6  : i32 {
      %parallel_loop3A = arith.constant 0 : i32
      %parallel_loop3A_174 = arith.constant 32 : i32
      %parallel_loop3A_175 = arith.constant 1 : i32
      scf.for %parallel_loop3A_176 = %parallel_loop3A to %parallel_loop3A_174 step %parallel_loop3A_175  : i32 {
        %parallel_loop3A_177 = arith.constant 16 : i32
        %parallel_loop3A_178 = arith.muli %parallel_loop3A_176, %parallel_loop3A_177 : i32
        %parallel_loop3A_179 = arith.index_cast %scan3A_173 : i32 to index
        %parallel_loop3A_180 = arith.index_cast %parallel_loop3A_178 : i32 to index
        %parallel_loop3A_181 = tpu.vector_load %arg5[%parallel_loop3A_179, %parallel_loop3A_180] {strides = array<i32>} : memref<50x512xi32, #tpu.memory_space<vmem>>, vector<16xi32>,
        %parallel_loop3A_182 = arith.constant 4 : i32
        %parallel_loop3A_183 = vector.broadcast %parallel_loop3A_182 : i32 to vector<16xi32>
        %parallel_loop3A_184 = arith.muli %parallel_loop3A_181, %parallel_loop3A_183 : vector<16xi32>
        %parallel_loop3A_185 = arith.index_cast %scan3A_173 : i32 to index
        %parallel_loop3A_186 = arith.index_cast %parallel_loop3A_178 : i32 to index
        %parallel_loop3A_187 = tpu.vector_load %arg5[%parallel_loop3A_185, %parallel_loop3A_186] {strides = array<i32>} : memref<50x512xi32, #tpu.memory_space<vmem>>, vector<16xi32>,
        tpu.vector_store %arg5[%parallel_loop3A_185, %parallel_loop3A_186], %parallel_loop3A_184 {strides = array<i32>} : memref<50x512xi32, #tpu.memory_space<vmem>>, vector<16xi32>,
      } {sc.loop_unroll_factor = 1 : i64, sc.parallel_access}
    }
    %scan3A_7 = arith.constant 50 : i32
    %iota3A = tpu.iota {dimensions = array<i32: 0>} : vector<16xi32>
    %add3A_8 = arith.constant 0 : i32
    %add3A_9 = vector.broadcast %add3A_8 : i32 to vector<16xi32>
    %add3A_10 = arith.addi %iota3A, %add3A_9 : vector<16xi32>
    %and3A = arith.constant 15 : i32
    %and3A_11 = vector.broadcast %and3A : i32 to vector<16xi32>
    %and3A_12 = arith.andi %add3A_10, %and3A_11 : vector<16xi32>
    %add3A_13 = arith.constant 1 : i32
    %add3A_14 = vector.broadcast %add3A_13 : i32 to vector<16xi32>
    %add3A_15 = arith.addi %iota3A, %add3A_14 : vector<16xi32>
    %and3A_16 = arith.constant 15 : i32
    %and3A_17 = vector.broadcast %and3A_16 : i32 to vector<16xi32>
    %and3A_18 = arith.andi %add3A_15, %and3A_17 : vector<16xi32>
    %add3A_19 = arith.constant 2 : i32
    %add3A_20 = vector.broadcast %add3A_19 : i32 to vector<16xi32>
    %add3A_21 = arith.addi %iota3A, %add3A_20 : vector<16xi32>
    %and3A_22 = arith.constant 15 : i32
    %and3A_23 = vector.broadcast %and3A_22 : i32 to vector<16xi32>
    %and3A_24 = arith.andi %add3A_21, %and3A_23 : vector<16xi32>
    %add3A_25 = arith.constant 3 : i32
    %add3A_26 = vector.broadcast %add3A_25 : i32 to vector<16xi32>
    %add3A_27 = arith.addi %iota3A, %add3A_26 : vector<16xi32>
    %and3A_28 = arith.constant 15 : i32
    %and3A_29 = vector.broadcast %and3A_28 : i32 to vector<16xi32>
    %and3A_30 = arith.andi %add3A_27, %and3A_29 : vector<16xi32>
    %add3A_31 = arith.constant 4 : i32
    %add3A_32 = vector.broadcast %add3A_31 : i32 to vector<16xi32>
    %add3A_33 = arith.addi %iota3A, %add3A_32 : vector<16xi32>
    %and3A_34 = arith.constant 15 : i32
    %and3A_35 = vector.broadcast %and3A_34 : i32 to vector<16xi32>
    %and3A_36 = arith.andi %add3A_33, %and3A_35 : vector<16xi32>
    %add3A_37 = arith.constant 5 : i32
    %add3A_38 = vector.broadcast %add3A_37 : i32 to vector<16xi32>
    %add3A_39 = arith.addi %iota3A, %add3A_38 : vector<16xi32>
    %and3A_40 = arith.constant 15 : i32
    %and3A_41 = vector.broadcast %and3A_40 : i32 to vector<16xi32>
    %and3A_42 = arith.andi %add3A_39, %and3A_41 : vector<16xi32>
    %add3A_43 = arith.constant 6 : i32
    %add3A_44 = vector.broadcast %add3A_43 : i32 to vector<16xi32>
    %add3A_45 = arith.addi %iota3A, %add3A_44 : vector<16xi32>
    %and3A_46 = arith.constant 15 : i32
    %and3A_47 = vector.broadcast %and3A_46 : i32 to vector<16xi32>
    %and3A_48 = arith.andi %add3A_45, %and3A_47 : vector<16xi32>
    %add3A_49 = arith.constant 7 : i32
    %add3A_50 = vector.broadcast %add3A_49 : i32 to vector<16xi32>
    %add3A_51 = arith.addi %iota3A, %add3A_50 : vector<16xi32>
    %and3A_52 = arith.constant 15 : i32
    %and3A_53 = vector.broadcast %and3A_52 : i32 to vector<16xi32>
    %and3A_54 = arith.andi %add3A_51, %and3A_53 : vector<16xi32>
    %add3A_55 = arith.constant 8 : i32
    %add3A_56 = vector.broadcast %add3A_55 : i32 to vector<16xi32>
    %add3A_57 = arith.addi %iota3A, %add3A_56 : vector<16xi32>
    %and3A_58 = arith.constant 15 : i32
    %and3A_59 = vector.broadcast %and3A_58 : i32 to vector<16xi32>
    %and3A_60 = arith.andi %add3A_57, %and3A_59 : vector<16xi32>
    %add3A_61 = arith.constant 9 : i32
    %add3A_62 = vector.broadcast %add3A_61 : i32 to vector<16xi32>
    %add3A_63 = arith.addi %iota3A, %add3A_62 : vector<16xi32>
    %and3A_64 = arith.constant 15 : i32
    %and3A_65 = vector.broadcast %and3A_64 : i32 to vector<16xi32>
    %and3A_66 = arith.andi %add3A_63, %and3A_65 : vector<16xi32>
    %add3A_67 = arith.constant 10 : i32
    %add3A_68 = vector.broadcast %add3A_67 : i32 to vector<16xi32>
    %add3A_69 = arith.addi %iota3A, %add3A_68 : vector<16xi32>
    %and3A_70 = arith.constant 15 : i32
    %and3A_71 = vector.broadcast %and3A_70 : i32 to vector<16xi32>
    %and3A_72 = arith.andi %add3A_69, %and3A_71 : vector<16xi32>
    %add3A_73 = arith.constant 11 : i32
    %add3A_74 = vector.broadcast %add3A_73 : i32 to vector<16xi32>
    %add3A_75 = arith.addi %iota3A, %add3A_74 : vector<16xi32>
    %and3A_76 = arith.constant 15 : i32
    %and3A_77 = vector.broadcast %and3A_76 : i32 to vector<16xi32>
    %and3A_78 = arith.andi %add3A_75, %and3A_77 : vector<16xi32>
    %add3A_79 = arith.constant 12 : i32
    %add3A_80 = vector.broadcast %add3A_79 : i32 to vector<16xi32>
    %add3A_81 = arith.addi %iota3A, %add3A_80 : vector<16xi32>
    %and3A_82 = arith.constant 15 : i32
    %and3A_83 = vector.broadcast %and3A_82 : i32 to vector<16xi32>
    %and3A_84 = arith.andi %add3A_81, %and3A_83 : vector<16xi32>
    %add3A_85 = arith.constant 13 : i32
    %add3A_86 = vector.broadcast %add3A_85 : i32 to vector<16xi32>
    %add3A_87 = arith.addi %iota3A, %add3A_86 : vector<16xi32>
    %and3A_88 = arith.constant 15 : i32
    %and3A_89 = vector.broadcast %and3A_88 : i32 to vector<16xi32>
    %and3A_90 = arith.andi %add3A_87, %and3A_89 : vector<16xi32>
    %add3A_91 = arith.constant 14 : i32
    %add3A_92 = vector.broadcast %add3A_91 : i32 to vector<16xi32>
    %add3A_93 = arith.addi %iota3A, %add3A_92 : vector<16xi32>
    %and3A_94 = arith.constant 15 : i32
    %and3A_95 = vector.broadcast %and3A_94 : i32 to vector<16xi32>
    %and3A_96 = arith.andi %add3A_93, %and3A_95 : vector<16xi32>
    %add3A_97 = arith.constant 15 : i32
    %add3A_98 = vector.broadcast %add3A_97 : i32 to vector<16xi32>
    %add3A_99 = arith.addi %iota3A, %add3A_98 : vector<16xi32>
    %and3A_100 = arith.constant 15 : i32
    %and3A_101 = vector.broadcast %and3A_100 : i32 to vector<16xi32>
    %and3A_102 = arith.andi %add3A_99, %and3A_101 : vector<16xi32>
    %add3A_103 = arith.constant 0 : i32
    %add3A_104 = vector.broadcast %add3A_103 : i32 to vector<16xi32>
    %add3A_105 = arith.addi %iota3A, %add3A_104 : vector<16xi32>
    %add3A_106 = arith.constant 16 : i32
    %add3A_107 = vector.broadcast %add3A_106 : i32 to vector<16xi32>
    %add3A_108 = arith.addi %iota3A, %add3A_107 : vector<16xi32>
    %shift_right_arithmetic3A = arith.constant 3 : i32
    %shift_right_arithmetic3A_109 = vector.broadcast %shift_right_arithmetic3A : i32 to vector<16xi32>
    %shift_right_arithmetic3A_110 = arith.shrsi %add3A_105, %shift_right_arithmetic3A_109 : vector<16xi32>
    %shift_right_arithmetic3A_111 = arith.constant 3 : i32
    %shift_right_arithmetic3A_112 = vector.broadcast %shift_right_arithmetic3A_111 : i32 to vector<16xi32>
    %shift_right_arithmetic3A_113 = arith.shrsi %add3A_108, %shift_right_arithmetic3A_112 : vector<16xi32>
    %and3A_114 = arith.constant 7 : i32
    %and3A_115 = vector.broadcast %and3A_114 : i32 to vector<16xi32>
    %and3A_116 = arith.andi %add3A_105, %and3A_115 : vector<16xi32>
    %mul3A_117 = arith.constant 128 : i32
    %mul3A_118 = vector.broadcast %mul3A_117 : i32 to vector<16xi32>
    %mul3A_119 = arith.muli %and3A_116, %mul3A_118 : vector<16xi32>
    %and3A_120 = arith.constant 7 : i32
    %and3A_121 = vector.broadcast %and3A_120 : i32 to vector<16xi32>
    %and3A_122 = arith.andi %add3A_108, %and3A_121 : vector<16xi32>
    %mul3A_123 = arith.constant 128 : i32
    %mul3A_124 = vector.broadcast %mul3A_123 : i32 to vector<16xi32>
    %mul3A_125 = arith.muli %and3A_122, %mul3A_124 : vector<16xi32>
    %mul3A_126 = arith.constant 4 : i32
    %mul3A_127 = arith.muli %add3A, %mul3A_126 : i32
    %dma_start3A = arith.constant 0 : i32
    %dma_start3A_128 = arith.constant 0 : i32
    %dma_start3A_129 = tpu.memref_slice %arg5[%dma_start3A, %dma_start3A_128] : memref<50x512xi32, #tpu.memory_space<vmem>> -> memref<1x512xi32, #tpu.memory_space<vmem>>
    %dma_start3A_130 = tpu.memref_squeeze %dma_start3A_129 : memref<1x512xi32, #tpu.memory_space<vmem>> -> memref<512xi32, #tpu.memory_space<vmem>>
    %dma_start3A_131 = arith.constant 0 : i32
    %dma_start3A_132 = arith.constant 0 : i32
    %dma_start3A_133 = tpu.memref_slice %arg3[%dma_start3A_131, %dma_start3A_132] : memref<4000000x32xf32, #tpu.memory_space<hbm>> -> memref<4000000x32xf32, #tpu.memory_space<hbm>>
    tpu.enqueue_indirect_dma source(%dma_start3A_133 : memref<4000000x32xf32, #tpu.memory_space<hbm>>) target(%arg6 : memref<512x32xf32, #tpu.memory_space<vmem>>) offsets(%dma_start3A_130 : memref<512xi32, #tpu.memory_space<vmem>>) semaphore(%arg10 : memref<!tpu.dma_semaphore, #tpu.memory_space<semaphore_mem>>)
    %scan3A_134 = arith.constant 0 : i32
    %scan3A_135 = arith.constant 0 : i32
    %scan3A_136 = arith.constant 25 : i32
    %scan3A_137 = arith.addi %scan3A_135, %scan3A_136 : i32
    %scan3A_138 = arith.constant 1 : i32
    scf.for %scan3A_173 = %scan3A_135 to %scan3A_137 step %scan3A_138  : i32 {
      %mul3A_174 = arith.constant 2 : i32
      %mul3A_175 = arith.muli %scan3A_173, %mul3A_174 : i32
      %add3A_176 = arith.constant 1 : i32
      %add3A_177 = arith.addi %mul3A_175, %add3A_176 : i32
      %dma_start3A_178 = arith.constant 0 : i32
      %dma_start3A_179 = tpu.memref_slice %arg5[%add3A_177, %dma_start3A_178] : memref<50x512xi32, #tpu.memory_space<vmem>> -> memref<1x512xi32, #tpu.memory_space<vmem>>
      %dma_start3A_180 = tpu.memref_squeeze %dma_start3A_179 : memref<1x512xi32, #tpu.memory_space<vmem>> -> memref<512xi32, #tpu.memory_space<vmem>>
      %dma_start3A_181 = arith.constant 0 : i32
      %dma_start3A_182 = arith.constant 0 : i32
      %dma_start3A_183 = tpu.memref_slice %arg3[%dma_start3A_181, %dma_start3A_182] : memref<4000000x32xf32, #tpu.memory_space<hbm>> -> memref<4000000x32xf32, #tpu.memory_space<hbm>>
      tpu.enqueue_indirect_dma source(%dma_start3A_183 : memref<4000000x32xf32, #tpu.memory_space<hbm>>) target(%arg7 : memref<512x32xf32, #tpu.memory_space<vmem>>) offsets(%dma_start3A_180 : memref<512xi32, #tpu.memory_space<vmem>>) semaphore(%arg10 : memref<!tpu.dma_semaphore, #tpu.memory_space<semaphore_mem>>)
      %dma_wait3A_184 = arith.constant 0 : i32
      %dma_wait3A_185 = arith.constant 0 : i32
      %dma_wait3A_186 = tpu.memref_slice %arg5[%dma_wait3A_184, %dma_wait3A_185] : memref<50x512xi32, #tpu.memory_space<vmem>> -> memref<1x512xi32, #tpu.memory_space<vmem>>
      %dma_wait3A_187 = tpu.memref_squeeze %dma_wait3A_186 : memref<1x512xi32, #tpu.memory_space<vmem>> -> memref<512xi32, #tpu.memory_space<vmem>>
      %dma_wait3A_188 = arith.constant 0 : i32
      %dma_wait3A_189 = arith.constant 0 : i32
      %dma_wait3A_190 = tpu.memref_slice %arg3[%dma_wait3A_188, %dma_wait3A_189] : memref<4000000x32xf32, #tpu.memory_space<hbm>> -> memref<4000000x32xf32, #tpu.memory_space<hbm>>
      tpu.wait_indirect_dma semaphore(%arg10 : memref<!tpu.dma_semaphore, #tpu.memory_space<semaphore_mem>>) src(%dma_wait3A_190 : memref<4000000x32xf32, #tpu.memory_space<hbm>>) dst(%arg6 : memref<512x32xf32, #tpu.memory_space<vmem>>)
      %ge3A = arith.constant 2 : i32
      %ge3A_191 = arith.cmpi sge, %mul3A_175, %ge3A : i32
      %convert_element_type3A = arith.extui %ge3A_191 : i1 to i32
      %cond3A = arith.constant 0 : i32
      %cond3A_192 = arith.cmpi ne, %convert_element_type3A, %cond3A : i32
      scf.if %cond3A_192 {
        %dma_wait3A_250 = arith.constant 0 : i32
        %dma_wait3A_251 = arith.constant 0 : i32
        %dma_wait3A_252 = arith.constant 0 : i32
        %dma_wait3A_253 = arith.constant 0 : i32
        %dma_wait3A_254 = tpu.memref_slice %arg4[%dma_wait3A_250, %dma_wait3A_251, %dma_wait3A_252, %dma_wait3A_253] : memref<50x4x128x1024xf32, #tpu.memory_space<hbm>> -> memref<1x4x128x1024xf32, #tpu.memory_space<hbm>>
        %dma_wait3A_255 = tpu.memref_squeeze %dma_wait3A_254 : memref<1x4x128x1024xf32, #tpu.memory_space<hbm>> -> memref<4x128x1024xf32, #tpu.memory_space<hbm>>
        %dma_wait3A_256 = arith.constant 0 : i32
        %dma_wait3A_257 = arith.constant 0 : i32
        %dma_wait3A_258 = tpu.memref_slice %dma_wait3A_255[%dma_wait3A_256, %mul3A_127, %dma_wait3A_257] : memref<4x128x1024xf32, #tpu.memory_space<hbm>> -> memref<4x4x1024xf32, #tpu.memory_space<hbm>>
        %dma_wait3A_259 = arith.constant 0 : i32
        %dma_wait3A_260 = arith.constant 0 : i32
        %dma_wait3A_261 = arith.constant 0 : i32
        %dma_wait3A_262 = tpu.memref_slice %arg4[%dma_wait3A_250, %dma_wait3A_259, %dma_wait3A_260, %dma_wait3A_261] : memref<50x4x128x1024xf32, #tpu.memory_space<hbm>> -> memref<1x4x128x1024xf32, #tpu.memory_space<hbm>>
        %dma_wait3A_263 = tpu.memref_squeeze %dma_wait3A_262 : memref<1x4x128x1024xf32, #tpu.memory_space<hbm>> -> memref<4x128x1024xf32, #tpu.memory_space<hbm>>
        %dma_wait3A_264 = arith.constant 0 : i32
        %dma_wait3A_265 = arith.constant 0 : i32
        %dma_wait3A_266 = tpu.memref_slice %dma_wait3A_263[%dma_wait3A_264, %mul3A_127, %dma_wait3A_265] : memref<4x128x1024xf32, #tpu.memory_space<hbm>> -> memref<4x4x1024xf32, #tpu.memory_space<hbm>>
        tpu.wait_dma2 semaphore(%arg11 : memref<!tpu.dma_semaphore, #tpu.memory_space<semaphore_mem>>) src(%arg8 : memref<4x4x1024xf32, #tpu.memory_space<vmem>>) dst(%dma_wait3A_266 : memref<4x4x1024xf32, #tpu.memory_space<hbm>>)
      } else {
      }
      %parallel_loop3A = arith.constant 0 : i32
      %parallel_loop3A_193 = arith.constant 32 : i32
      %parallel_loop3A_194 = arith.constant 1 : i32
      scf.for %parallel_loop3A_250 = %parallel_loop3A to %parallel_loop3A_193 step %parallel_loop3A_194  : i32 {
        %parallel_loop3A_251 = arith.constant 16 : i32
        %parallel_loop3A_252 = arith.muli %parallel_loop3A_250, %parallel_loop3A_251 : i32
        %parallel_loop3A_253 = vector.broadcast %parallel_loop3A_252 : i32 to vector<16xi32>
        %parallel_loop3A_254 = arith.addi %and3A_12, %parallel_loop3A_253 : vector<16xi32>
        %parallel_loop3A_255 = arith.constant 7 : i32
        %parallel_loop3A_256 = vector.broadcast %parallel_loop3A_255 : i32 to vector<16xi32>
        %parallel_loop3A_257 = arith.shrsi %parallel_loop3A_254, %parallel_loop3A_256 : vector<16xi32>
        %parallel_loop3A_258 = arith.constant 127 : i32
        %parallel_loop3A_259 = vector.broadcast %parallel_loop3A_258 : i32 to vector<16xi32>
        %parallel_loop3A_260 = arith.andi %parallel_loop3A_254, %parallel_loop3A_259 : vector<16xi32>
        %parallel_loop3A_261 = tpu.vector_load_idx %arg6[%parallel_loop3A_254, %add3A_105] : memref<512x32xf32, #tpu.memory_space<vmem>>[vector<16xi32>, vector<16xi32>], vector<16xf32>,
        %parallel_loop3A_262 = arith.addi %mul3A_119, %parallel_loop3A_260 : vector<16xi32>
        tpu.vector_store_idx %arg8[%shift_right_arithmetic3A_110, %parallel_loop3A_257, %parallel_loop3A_262], %parallel_loop3A_261 : memref<4x4x1024xf32, #tpu.memory_space<vmem>>[vector<16xi32>, vector<16xi32>, vector<16xi32>], vector<16xf32>,
        %parallel_loop3A_263 = tpu.vector_load_idx %arg6[%parallel_loop3A_254, %add3A_108] : memref<512x32xf32, #tpu.memory_space<vmem>>[vector<16xi32>, vector<16xi32>], vector<16xf32>,
        %parallel_loop3A_264 = arith.addi %mul3A_125, %parallel_loop3A_260 : vector<16xi32>
        tpu.vector_store_idx %arg8[%shift_right_arithmetic3A_113, %parallel_loop3A_257, %parallel_loop3A_264], %parallel_loop3A_263 : memref<4x4x1024xf32, #tpu.memory_space<vmem>>[vector<16xi32>, vector<16xi32>, vector<16xi32>], vector<16xf32>,
        %parallel_loop3A_265 = vector.broadcast %parallel_loop3A_252 : i32 to vector<16xi32>
        %parallel_loop3A_266 = arith.addi %and3A_18, %parallel_loop3A_265 : vector<16xi32>
        %parallel_loop3A_267 = arith.constant 7 : i32
        %parallel_loop3A_268 = vector.broadcast %parallel_loop3A_267 : i32 to vector<16xi32>
        %parallel_loop3A_269 = arith.shrsi %parallel_loop3A_266, %parallel_loop3A_268 : vector<16xi32>
        %parallel_loop3A_270 = arith.constant 127 : i32
        %parallel_loop3A_271 = vector.broadcast %parallel_loop3A_270 : i32 to vector<16xi32>
        %parallel_loop3A_272 = arith.andi %parallel_loop3A_266, %parallel_loop3A_271 : vector<16xi32>
        %parallel_loop3A_273 = tpu.vector_load_idx %arg6[%parallel_loop3A_266, %add3A_105] : memref<512x32xf32, #tpu.memory_space<vmem>>[vector<16xi32>, vector<16xi32>], vector<16xf32>,
        %parallel_loop3A_274 = arith.addi %mul3A_119, %parallel_loop3A_272 : vector<16xi32>
        tpu.vector_store_idx %arg8[%shift_right_arithmetic3A_110, %parallel_loop3A_269, %parallel_loop3A_274], %parallel_loop3A_273 : memref<4x4x1024xf32, #tpu.memory_space<vmem>>[vector<16xi32>, vector<16xi32>, vector<16xi32>], vector<16xf32>,
        %parallel_loop3A_275 = tpu.vector_load_idx %arg6[%parallel_loop3A_266, %add3A_108] : memref<512x32xf32, #tpu.memory_space<vmem>>[vector<16xi32>, vector<16xi32>], vector<16xf32>,
        %parallel_loop3A_276 = arith.addi %mul3A_125, %parallel_loop3A_272 : vector<16xi32>
        tpu.vector_store_idx %arg8[%shift_right_arithmetic3A_113, %parallel_loop3A_269, %parallel_loop3A_276], %parallel_loop3A_275 : memref<4x4x1024xf32, #tpu.memory_space<vmem>>[vector<16xi32>, vector<16xi32>, vector<16xi32>], vector<16xf32>,
        %parallel_loop3A_277 = vector.broadcast %parallel_loop3A_252 : i32 to vector<16xi32>
        %parallel_loop3A_278 = arith.addi %and3A_24, %parallel_loop3A_277 : vector<16xi32>
        %parallel_loop3A_279 = arith.constant 7 : i32
        %parallel_loop3A_280 = vector.broadcast %parallel_loop3A_279 : i32 to vector<16xi32>
        %parallel_loop3A_281 = arith.shrsi %parallel_loop3A_278, %parallel_loop3A_280 : vector<16xi32>
        %parallel_loop3A_282 = arith.constant 127 : i32
        %parallel_loop3A_283 = vector.broadcast %parallel_loop3A_282 : i32 to vector<16xi32>
        %parallel_loop3A_284 = arith.andi %parallel_loop3A_278, %parallel_loop3A_283 : vector<16xi32>
        %parallel_loop3A_285 = tpu.vector_load_idx %arg6[%parallel_loop3A_278, %add3A_105] : memref<512x32xf32, #tpu.memory_space<vmem>>[vector<16xi32>, vector<16xi32>], vector<16xf32>,
        %parallel_loop3A_286 = arith.addi %mul3A_119, %parallel_loop3A_284 : vector<16xi32>
        tpu.vector_store_idx %arg8[%shift_right_arithmetic3A_110, %parallel_loop3A_281, %parallel_loop3A_286], %parallel_loop3A_285 : memref<4x4x1024xf32, #tpu.memory_space<vmem>>[vector<16xi32>, vector<16xi32>, vector<16xi32>], vector<16xf32>,
        %parallel_loop3A_287 = tpu.vector_load_idx %arg6[%parallel_loop3A_278, %add3A_108] : memref<512x32xf32, #tpu.memory_space<vmem>>[vector<16xi32>, vector<16xi32>], vector<16xf32>,
        %parallel_loop3A_288 = arith.addi %mul3A_125, %parallel_loop3A_284 : vector<16xi32>
        tpu.vector_store_idx %arg8[%shift_right_arithmetic3A_113, %parallel_loop3A_281, %parallel_loop3A_288], %parallel_loop3A_287 : memref<4x4x1024xf32, #tpu.memory_space<vmem>>[vector<16xi32>, vector<16xi32>, vector<16xi32>], vector<16xf32>,
        %parallel_loop3A_289 = vector.broadcast %parallel_loop3A_252 : i32 to vector<16xi32>
        %parallel_loop3A_290 = arith.addi %and3A_30, %parallel_loop3A_289 : vector<16xi32>
        %parallel_loop3A_291 = arith.constant 7 : i32
        %parallel_loop3A_292 = vector.broadcast %parallel_loop3A_291 : i32 to vector<16xi32>
        %parallel_loop3A_293 = arith.shrsi %parallel_loop3A_290, %parallel_loop3A_292 : vector<16xi32>
        %parallel_loop3A_294 = arith.constant 127 : i32
        %parallel_loop3A_295 = vector.broadcast %parallel_loop3A_294 : i32 to vector<16xi32>
        %parallel_loop3A_296 = arith.andi %parallel_loop3A_290, %parallel_loop3A_295 : vector<16xi32>
        %parallel_loop3A_297 = tpu.vector_load_idx %arg6[%parallel_loop3A_290, %add3A_105] : memref<512x32xf32, #tpu.memory_space<vmem>>[vector<16xi32>, vector<16xi32>], vector<16xf32>,
        %parallel_loop3A_298 = arith.addi %mul3A_119, %parallel_loop3A_296 : vector<16xi32>
        tpu.vector_store_idx %arg8[%shift_right_arithmetic3A_110, %parallel_loop3A_293, %parallel_loop3A_298], %parallel_loop3A_297 : memref<4x4x1024xf32, #tpu.memory_space<vmem>>[vector<16xi32>, vector<16xi32>, vector<16xi32>], vector<16xf32>,
        %parallel_loop3A_299 = tpu.vector_load_idx %arg6[%parallel_loop3A_290, %add3A_108] : memref<512x32xf32, #tpu.memory_space<vmem>>[vector<16xi32>, vector<16xi32>], vector<16xf32>,
        %parallel_loop3A_300 = arith.addi %mul3A_125, %parallel_loop3A_296 : vector<16xi32>
        tpu.vector_store_idx %arg8[%shift_right_arithmetic3A_113, %parallel_loop3A_293, %parallel_loop3A_300], %parallel_loop3A_299 : memref<4x4x1024xf32, #tpu.memory_space<vmem>>[vector<16xi32>, vector<16xi32>, vector<16xi32>], vector<16xf32>,
        %parallel_loop3A_301 = vector.broadcast %parallel_loop3A_252 : i32 to vector<16xi32>
        %parallel_loop3A_302 = arith.addi %and3A_36, %parallel_loop3A_301 : vector<16xi32>
        %parallel_loop3A_303 = arith.constant 7 : i32
        %parallel_loop3A_304 = vector.broadcast %parallel_loop3A_303 : i32 to vector<16xi32>
        %parallel_loop3A_305 = arith.shrsi %parallel_loop3A_302, %parallel_loop3A_304 : vector<16xi32>
        %parallel_loop3A_306 = arith.constant 127 : i32
        %parallel_loop3A_307 = vector.broadcast %parallel_loop3A_306 : i32 to vector<16xi32>
        %parallel_loop3A_308 = arith.andi %parallel_loop3A_302, %parallel_loop3A_307 : vector<16xi32>
        %parallel_loop3A_309 = tpu.vector_load_idx %arg6[%parallel_loop3A_302, %add3A_105] : memref<512x32xf32, #tpu.memory_space<vmem>>[vector<16xi32>, vector<16xi32>], vector<16xf32>,
        %parallel_loop3A_310 = arith.addi %mul3A_119, %parallel_loop3A_308 : vector<16xi32>
        tpu.vector_store_idx %arg8[%shift_right_arithmetic3A_110, %parallel_loop3A_305, %parallel_loop3A_310], %parallel_loop3A_309 : memref<4x4x1024xf32, #tpu.memory_space<vmem>>[vector<16xi32>, vector<16xi32>, vector<16xi32>], vector<16xf32>,
        %parallel_loop3A_311 = tpu.vector_load_idx %arg6[%parallel_loop3A_302, %add3A_108] : memref<512x32xf32, #tpu.memory_space<vmem>>[vector<16xi32>, vector<16xi32>], vector<16xf32>,
        %parallel_loop3A_312 = arith.addi %mul3A_125, %parallel_loop3A_308 : vector<16xi32>
        tpu.vector_store_idx %arg8[%shift_right_arithmetic3A_113, %parallel_loop3A_305, %parallel_loop3A_312], %parallel_loop3A_311 : memref<4x4x1024xf32, #tpu.memory_space<vmem>>[vector<16xi32>, vector<16xi32>, vector<16xi32>], vector<16xf32>,
        %parallel_loop3A_313 = vector.broadcast %parallel_loop3A_252 : i32 to vector<16xi32>
        %parallel_loop3A_314 = arith.addi %and3A_42, %parallel_loop3A_313 : vector<16xi32>
        %parallel_loop3A_315 = arith.constant 7 : i32
        %parallel_loop3A_316 = vector.broadcast %parallel_loop3A_315 : i32 to vector<16xi32>
        %parallel_loop3A_317 = arith.shrsi %parallel_loop3A_314, %parallel_loop3A_316 : vector<16xi32>
        %parallel_loop3A_318 = arith.constant 127 : i32
        %parallel_loop3A_319 = vector.broadcast %parallel_loop3A_318 : i32 to vector<16xi32>
        %parallel_loop3A_320 = arith.andi %parallel_loop3A_314, %parallel_loop3A_319 : vector<16xi32>
        %parallel_loop3A_321 = tpu.vector_load_idx %arg6[%parallel_loop3A_314, %add3A_105] : memref<512x32xf32, #tpu.memory_space<vmem>>[vector<16xi32>, vector<16xi32>], vector<16xf32>,
        %parallel_loop3A_322 = arith.addi %mul3A_119, %parallel_loop3A_320 : vector<16xi32>
        tpu.vector_store_idx %arg8[%shift_right_arithmetic3A_110, %parallel_loop3A_317, %parallel_loop3A_322], %parallel_loop3A_321 : memref<4x4x1024xf32, #tpu.memory_space<vmem>>[vector<16xi32>, vector<16xi32>, vector<16xi32>], vector<16xf32>,
        %parallel_loop3A_323 = tpu.vector_load_idx %arg6[%parallel_loop3A_314, %add3A_108] : memref<512x32xf32, #tpu.memory_space<vmem>>[vector<16xi32>, vector<16xi32>], vector<16xf32>,
        %parallel_loop3A_324 = arith.addi %mul3A_125, %parallel_loop3A_320 : vector<16xi32>
        tpu.vector_store_idx %arg8[%shift_right_arithmetic3A_113, %parallel_loop3A_317, %parallel_loop3A_324], %parallel_loop3A_323 : memref<4x4x1024xf32, #tpu.memory_space<vmem>>[vector<16xi32>, vector<16xi32>, vector<16xi32>], vector<16xf32>,
        %parallel_loop3A_325 = vector.broadcast %parallel_loop3A_252 : i32 to vector<16xi32>
        %parallel_loop3A_326 = arith.addi %and3A_48, %parallel_loop3A_325 : vector<16xi32>
        %parallel_loop3A_327 = arith.constant 7 : i32
        %parallel_loop3A_328 = vector.broadcast %parallel_loop3A_327 : i32 to vector<16xi32>
        %parallel_loop3A_329 = arith.shrsi %parallel_loop3A_326, %parallel_loop3A_328 : vector<16xi32>
        %parallel_loop3A_330 = arith.constant 127 : i32
        %parallel_loop3A_331 = vector.broadcast %parallel_loop3A_330 : i32 to vector<16xi32>
        %parallel_loop3A_332 = arith.andi %parallel_loop3A_326, %parallel_loop3A_331 : vector<16xi32>
        %parallel_loop3A_333 = tpu.vector_load_idx %arg6[%parallel_loop3A_326, %add3A_105] : memref<512x32xf32, #tpu.memory_space<vmem>>[vector<16xi32>, vector<16xi32>], vector<16xf32>,
        %parallel_loop3A_334 = arith.addi %mul3A_119, %parallel_loop3A_332 : vector<16xi32>
        tpu.vector_store_idx %arg8[%shift_right_arithmetic3A_110, %parallel_loop3A_329, %parallel_loop3A_334], %parallel_loop3A_333 : memref<4x4x1024xf32, #tpu.memory_space<vmem>>[vector<16xi32>, vector<16xi32>, vector<16xi32>], vector<16xf32>,
        %parallel_loop3A_335 = tpu.vector_load_idx %arg6[%parallel_loop3A_326, %add3A_108] : memref<512x32xf32, #tpu.memory_space<vmem>>[vector<16xi32>, vector<16xi32>], vector<16xf32>,
        %parallel_loop3A_336 = arith.addi %mul3A_125, %parallel_loop3A_332 : vector<16xi32>
        tpu.vector_store_idx %arg8[%shift_right_arithmetic3A_113, %parallel_loop3A_329, %parallel_loop3A_336], %parallel_loop3A_335 : memref<4x4x1024xf32, #tpu.memory_space<vmem>>[vector<16xi32>, vector<16xi32>, vector<16xi32>], vector<16xf32>,
        %parallel_loop3A_337 = vector.broadcast %parallel_loop3A_252 : i32 to vector<16xi32>
        %parallel_loop3A_338 = arith.addi %and3A_54, %parallel_loop3A_337 : vector<16xi32>
        %parallel_loop3A_339 = arith.constant 7 : i32
        %parallel_loop3A_340 = vector.broadcast %parallel_loop3A_339 : i32 to vector<16xi32>
        %parallel_loop3A_341 = arith.shrsi %parallel_loop3A_338, %parallel_loop3A_340 : vector<16xi32>
        %parallel_loop3A_342 = arith.constant 127 : i32
        %parallel_loop3A_343 = vector.broadcast %parallel_loop3A_342 : i32 to vector<16xi32>
        %parallel_loop3A_344 = arith.andi %parallel_loop3A_338, %parallel_loop3A_343 : vector<16xi32>
        %parallel_loop3A_345 = tpu.vector_load_idx %arg6[%parallel_loop3A_338, %add3A_105] : memref<512x32xf32, #tpu.memory_space<vmem>>[vector<16xi32>, vector<16xi32>], vector<16xf32>,
        %parallel_loop3A_346 = arith.addi %mul3A_119, %parallel_loop3A_344 : vector<16xi32>
        tpu.vector_store_idx %arg8[%shift_right_arithmetic3A_110, %parallel_loop3A_341, %parallel_loop3A_346], %parallel_loop3A_345 : memref<4x4x1024xf32, #tpu.memory_space<vmem>>[vector<16xi32>, vector<16xi32>, vector<16xi32>], vector<16xf32>,
        %parallel_loop3A_347 = tpu.vector_load_idx %arg6[%parallel_loop3A_338, %add3A_108] : memref<512x32xf32, #tpu.memory_space<vmem>>[vector<16xi32>, vector<16xi32>], vector<16xf32>,
        %parallel_loop3A_348 = arith.addi %mul3A_125, %parallel_loop3A_344 : vector<16xi32>
        tpu.vector_store_idx %arg8[%shift_right_arithmetic3A_113, %parallel_loop3A_341, %parallel_loop3A_348], %parallel_loop3A_347 : memref<4x4x1024xf32, #tpu.memory_space<vmem>>[vector<16xi32>, vector<16xi32>, vector<16xi32>], vector<16xf32>,
        %parallel_loop3A_349 = vector.broadcast %parallel_loop3A_252 : i32 to vector<16xi32>
        %parallel_loop3A_350 = arith.addi %and3A_60, %parallel_loop3A_349 : vector<16xi32>
        %parallel_loop3A_351 = arith.constant 7 : i32
        %parallel_loop3A_352 = vector.broadcast %parallel_loop3A_351 : i32 to vector<16xi32>
        %parallel_loop3A_353 = arith.shrsi %parallel_loop3A_350, %parallel_loop3A_352 : vector<16xi32>
        %parallel_loop3A_354 = arith.constant 127 : i32
        %parallel_loop3A_355 = vector.broadcast %parallel_loop3A_354 : i32 to vector<16xi32>
        %parallel_loop3A_356 = arith.andi %parallel_loop3A_350, %parallel_loop3A_355 : vector<16xi32>
        %parallel_loop3A_357 = tpu.vector_load_idx %arg6[%parallel_loop3A_350, %add3A_105] : memref<512x32xf32, #tpu.memory_space<vmem>>[vector<16xi32>, vector<16xi32>], vector<16xf32>,
        %parallel_loop3A_358 = arith.addi %mul3A_119, %parallel_loop3A_356 : vector<16xi32>
        tpu.vector_store_idx %arg8[%shift_right_arithmetic3A_110, %parallel_loop3A_353, %parallel_loop3A_358], %parallel_loop3A_357 : memref<4x4x1024xf32, #tpu.memory_space<vmem>>[vector<16xi32>, vector<16xi32>, vector<16xi32>], vector<16xf32>,
        %parallel_loop3A_359 = tpu.vector_load_idx %arg6[%parallel_loop3A_350, %add3A_108] : memref<512x32xf32, #tpu.memory_space<vmem>>[vector<16xi32>, vector<16xi32>], vector<16xf32>,
        %parallel_loop3A_360 = arith.addi %mul3A_125, %parallel_loop3A_356 : vector<16xi32>
        tpu.vector_store_idx %arg8[%shift_right_arithmetic3A_113, %parallel_loop3A_353, %parallel_loop3A_360], %parallel_loop3A_359 : memref<4x4x1024xf32, #tpu.memory_space<vmem>>[vector<16xi32>, vector<16xi32>, vector<16xi32>], vector<16xf32>,
        %parallel_loop3A_361 = vector.broadcast %parallel_loop3A_252 : i32 to vector<16xi32>
        %parallel_loop3A_362 = arith.addi %and3A_66, %parallel_loop3A_361 : vector<16xi32>
        %parallel_loop3A_363 = arith.constant 7 : i32
        %parallel_loop3A_364 = vector.broadcast %parallel_loop3A_363 : i32 to vector<16xi32>
        %parallel_loop3A_365 = arith.shrsi %parallel_loop3A_362, %parallel_loop3A_364 : vector<16xi32>
        %parallel_loop3A_366 = arith.constant 127 : i32
        %parallel_loop3A_367 = vector.broadcast %parallel_loop3A_366 : i32 to vector<16xi32>
        %parallel_loop3A_368 = arith.andi %parallel_loop3A_362, %parallel_loop3A_367 : vector<16xi32>
        %parallel_loop3A_369 = tpu.vector_load_idx %arg6[%parallel_loop3A_362, %add3A_105] : memref<512x32xf32, #tpu.memory_space<vmem>>[vector<16xi32>, vector<16xi32>], vector<16xf32>,
        %parallel_loop3A_370 = arith.addi %mul3A_119, %parallel_loop3A_368 : vector<16xi32>
        tpu.vector_store_idx %arg8[%shift_right_arithmetic3A_110, %parallel_loop3A_365, %parallel_loop3A_370], %parallel_loop3A_369 : memref<4x4x1024xf32, #tpu.memory_space<vmem>>[vector<16xi32>, vector<16xi32>, vector<16xi32>], vector<16xf32>,
        %parallel_loop3A_371 = tpu.vector_load_idx %arg6[%parallel_loop3A_362, %add3A_108] : memref<512x32xf32, #tpu.memory_space<vmem>>[vector<16xi32>, vector<16xi32>], vector<16xf32>,
        %parallel_loop3A_372 = arith.addi %mul3A_125, %parallel_loop3A_368 : vector<16xi32>
        tpu.vector_store_idx %arg8[%shift_right_arithmetic3A_113, %parallel_loop3A_365, %parallel_loop3A_372], %parallel_loop3A_371 : memref<4x4x1024xf32, #tpu.memory_space<vmem>>[vector<16xi32>, vector<16xi32>, vector<16xi32>], vector<16xf32>,
        %parallel_loop3A_373 = vector.broadcast %parallel_loop3A_252 : i32 to vector<16xi32>
        %parallel_loop3A_374 = arith.addi %and3A_72, %parallel_loop3A_373 : vector<16xi32>
        %parallel_loop3A_375 = arith.constant 7 : i32
        %parallel_loop3A_376 = vector.broadcast %parallel_loop3A_375 : i32 to vector<16xi32>
        %parallel_loop3A_377 = arith.shrsi %parallel_loop3A_374, %parallel_loop3A_376 : vector<16xi32>
        %parallel_loop3A_378 = arith.constant 127 : i32
        %parallel_loop3A_379 = vector.broadcast %parallel_loop3A_378 : i32 to vector<16xi32>
        %parallel_loop3A_380 = arith.andi %parallel_loop3A_374, %parallel_loop3A_379 : vector<16xi32>
        %parallel_loop3A_381 = tpu.vector_load_idx %arg6[%parallel_loop3A_374, %add3A_105] : memref<512x32xf32, #tpu.memory_space<vmem>>[vector<16xi32>, vector<16xi32>], vector<16xf32>,
        %parallel_loop3A_382 = arith.addi %mul3A_119, %parallel_loop3A_380 : vector<16xi32>
        tpu.vector_store_idx %arg8[%shift_right_arithmetic3A_110, %parallel_loop3A_377, %parallel_loop3A_382], %parallel_loop3A_381 : memref<4x4x1024xf32, #tpu.memory_space<vmem>>[vector<16xi32>, vector<16xi32>, vector<16xi32>], vector<16xf32>,
        %parallel_loop3A_383 = tpu.vector_load_idx %arg6[%parallel_loop3A_374, %add3A_108] : memref<512x32xf32, #tpu.memory_space<vmem>>[vector<16xi32>, vector<16xi32>], vector<16xf32>,
        %parallel_loop3A_384 = arith.addi %mul3A_125, %parallel_loop3A_380 : vector<16xi32>
        tpu.vector_store_idx %arg8[%shift_right_arithmetic3A_113, %parallel_loop3A_377, %parallel_loop3A_384], %parallel_loop3A_383 : memref<4x4x1024xf32, #tpu.memory_space<vmem>>[vector<16xi32>, vector<16xi32>, vector<16xi32>], vector<16xf32>,
        %parallel_loop3A_385 = vector.broadcast %parallel_loop3A_252 : i32 to vector<16xi32>
        %parallel_loop3A_386 = arith.addi %and3A_78, %parallel_loop3A_385 : vector<16xi32>
        %parallel_loop3A_387 = arith.constant 7 : i32
        %parallel_loop3A_388 = vector.broadcast %parallel_loop3A_387 : i32 to vector<16xi32>
        %parallel_loop3A_389 = arith.shrsi %parallel_loop3A_386, %parallel_loop3A_388 : vector<16xi32>
        %parallel_loop3A_390 = arith.constant 127 : i32
        %parallel_loop3A_391 = vector.broadcast %parallel_loop3A_390 : i32 to vector<16xi32>
        %parallel_loop3A_392 = arith.andi %parallel_loop3A_386, %parallel_loop3A_391 : vector<16xi32>
        %parallel_loop3A_393 = tpu.vector_load_idx %arg6[%parallel_loop3A_386, %add3A_105] : memref<512x32xf32, #tpu.memory_space<vmem>>[vector<16xi32>, vector<16xi32>], vector<16xf32>,
        %parallel_loop3A_394 = arith.addi %mul3A_119, %parallel_loop3A_392 : vector<16xi32>
        tpu.vector_store_idx %arg8[%shift_right_arithmetic3A_110, %parallel_loop3A_389, %parallel_loop3A_394], %parallel_loop3A_393 : memref<4x4x1024xf32, #tpu.memory_space<vmem>>[vector<16xi32>, vector<16xi32>, vector<16xi32>], vector<16xf32>,
        %parallel_loop3A_395 = tpu.vector_load_idx %arg6[%parallel_loop3A_386, %add3A_108] : memref<512x32xf32, #tpu.memory_space<vmem>>[vector<16xi32>, vector<16xi32>], vector<16xf32>,
        %parallel_loop3A_396 = arith.addi %mul3A_125, %parallel_loop3A_392 : vector<16xi32>
        tpu.vector_store_idx %arg8[%shift_right_arithmetic3A_113, %parallel_loop3A_389, %parallel_loop3A_396], %parallel_loop3A_395 : memref<4x4x1024xf32, #tpu.memory_space<vmem>>[vector<16xi32>, vector<16xi32>, vector<16xi32>], vector<16xf32>,
        %parallel_loop3A_397 = vector.broadcast %parallel_loop3A_252 : i32 to vector<16xi32>
        %parallel_loop3A_398 = arith.addi %and3A_84, %parallel_loop3A_397 : vector<16xi32>
        %parallel_loop3A_399 = arith.constant 7 : i32
        %parallel_loop3A_400 = vector.broadcast %parallel_loop3A_399 : i32 to vector<16xi32>
        %parallel_loop3A_401 = arith.shrsi %parallel_loop3A_398, %parallel_loop3A_400 : vector<16xi32>
        %parallel_loop3A_402 = arith.constant 127 : i32
        %parallel_loop3A_403 = vector.broadcast %parallel_loop3A_402 : i32 to vector<16xi32>
        %parallel_loop3A_404 = arith.andi %parallel_loop3A_398, %parallel_loop3A_403 : vector<16xi32>
        %parallel_loop3A_405 = tpu.vector_load_idx %arg6[%parallel_loop3A_398, %add3A_105] : memref<512x32xf32, #tpu.memory_space<vmem>>[vector<16xi32>, vector<16xi32>], vector<16xf32>,
        %parallel_loop3A_406 = arith.addi %mul3A_119, %parallel_loop3A_404 : vector<16xi32>
        tpu.vector_store_idx %arg8[%shift_right_arithmetic3A_110, %parallel_loop3A_401, %parallel_loop3A_406], %parallel_loop3A_405 : memref<4x4x1024xf32, #tpu.memory_space<vmem>>[vector<16xi32>, vector<16xi32>, vector<16xi32>], vector<16xf32>,
        %parallel_loop3A_407 = tpu.vector_load_idx %arg6[%parallel_loop3A_398, %add3A_108] : memref<512x32xf32, #tpu.memory_space<vmem>>[vector<16xi32>, vector<16xi32>], vector<16xf32>,
        %parallel_loop3A_408 = arith.addi %mul3A_125, %parallel_loop3A_404 : vector<16xi32>
        tpu.vector_store_idx %arg8[%shift_right_arithmetic3A_113, %parallel_loop3A_401, %parallel_loop3A_408], %parallel_loop3A_407 : memref<4x4x1024xf32, #tpu.memory_space<vmem>>[vector<16xi32>, vector<16xi32>, vector<16xi32>], vector<16xf32>,
        %parallel_loop3A_409 = vector.broadcast %parallel_loop3A_252 : i32 to vector<16xi32>
        %parallel_loop3A_410 = arith.addi %and3A_90, %parallel_loop3A_409 : vector<16xi32>
        %parallel_loop3A_411 = arith.constant 7 : i32
        %parallel_loop3A_412 = vector.broadcast %parallel_loop3A_411 : i32 to vector<16xi32>
        %parallel_loop3A_413 = arith.shrsi %parallel_loop3A_410, %parallel_loop3A_412 : vector<16xi32>
        %parallel_loop3A_414 = arith.constant 127 : i32
        %parallel_loop3A_415 = vector.broadcast %parallel_loop3A_414 : i32 to vector<16xi32>
        %parallel_loop3A_416 = arith.andi %parallel_loop3A_410, %parallel_loop3A_415 : vector<16xi32>
        %parallel_loop3A_417 = tpu.vector_load_idx %arg6[%parallel_loop3A_410, %add3A_105] : memref<512x32xf32, #tpu.memory_space<vmem>>[vector<16xi32>, vector<16xi32>], vector<16xf32>,
        %parallel_loop3A_418 = arith.addi %mul3A_119, %parallel_loop3A_416 : vector<16xi32>
        tpu.vector_store_idx %arg8[%shift_right_arithmetic3A_110, %parallel_loop3A_413, %parallel_loop3A_418], %parallel_loop3A_417 : memref<4x4x1024xf32, #tpu.memory_space<vmem>>[vector<16xi32>, vector<16xi32>, vector<16xi32>], vector<16xf32>,
        %parallel_loop3A_419 = tpu.vector_load_idx %arg6[%parallel_loop3A_410, %add3A_108] : memref<512x32xf32, #tpu.memory_space<vmem>>[vector<16xi32>, vector<16xi32>], vector<16xf32>,
        %parallel_loop3A_420 = arith.addi %mul3A_125, %parallel_loop3A_416 : vector<16xi32>
        tpu.vector_store_idx %arg8[%shift_right_arithmetic3A_113, %parallel_loop3A_413, %parallel_loop3A_420], %parallel_loop3A_419 : memref<4x4x1024xf32, #tpu.memory_space<vmem>>[vector<16xi32>, vector<16xi32>, vector<16xi32>], vector<16xf32>,
        %parallel_loop3A_421 = vector.broadcast %parallel_loop3A_252 : i32 to vector<16xi32>
        %parallel_loop3A_422 = arith.addi %and3A_96, %parallel_loop3A_421 : vector<16xi32>
        %parallel_loop3A_423 = arith.constant 7 : i32
        %parallel_loop3A_424 = vector.broadcast %parallel_loop3A_423 : i32 to vector<16xi32>
        %parallel_loop3A_425 = arith.shrsi %parallel_loop3A_422, %parallel_loop3A_424 : vector<16xi32>
        %parallel_loop3A_426 = arith.constant 127 : i32
        %parallel_loop3A_427 = vector.broadcast %parallel_loop3A_426 : i32 to vector<16xi32>
        %parallel_loop3A_428 = arith.andi %parallel_loop3A_422, %parallel_loop3A_427 : vector<16xi32>
        %parallel_loop3A_429 = tpu.vector_load_idx %arg6[%parallel_loop3A_422, %add3A_105] : memref<512x32xf32, #tpu.memory_space<vmem>>[vector<16xi32>, vector<16xi32>], vector<16xf32>,
        %parallel_loop3A_430 = arith.addi %mul3A_119, %parallel_loop3A_428 : vector<16xi32>
        tpu.vector_store_idx %arg8[%shift_right_arithmetic3A_110, %parallel_loop3A_425, %parallel_loop3A_430], %parallel_loop3A_429 : memref<4x4x1024xf32, #tpu.memory_space<vmem>>[vector<16xi32>, vector<16xi32>, vector<16xi32>], vector<16xf32>,
        %parallel_loop3A_431 = tpu.vector_load_idx %arg6[%parallel_loop3A_422, %add3A_108] : memref<512x32xf32, #tpu.memory_space<vmem>>[vector<16xi32>, vector<16xi32>], vector<16xf32>,
        %parallel_loop3A_432 = arith.addi %mul3A_125, %parallel_loop3A_428 : vector<16xi32>
        tpu.vector_store_idx %arg8[%shift_right_arithmetic3A_113, %parallel_loop3A_425, %parallel_loop3A_432], %parallel_loop3A_431 : memref<4x4x1024xf32, #tpu.memory_space<vmem>>[vector<16xi32>, vector<16xi32>, vector<16xi32>], vector<16xf32>,
        %parallel_loop3A_433 = vector.broadcast %parallel_loop3A_252 : i32 to vector<16xi32>
        %parallel_loop3A_434 = arith.addi %and3A_102, %parallel_loop3A_433 : vector<16xi32>
        %parallel_loop3A_435 = arith.constant 7 : i32
        %parallel_loop3A_436 = vector.broadcast %parallel_loop3A_435 : i32 to vector<16xi32>
        %parallel_loop3A_437 = arith.shrsi %parallel_loop3A_434, %parallel_loop3A_436 : vector<16xi32>
        %parallel_loop3A_438 = arith.constant 127 : i32
        %parallel_loop3A_439 = vector.broadcast %parallel_loop3A_438 : i32 to vector<16xi32>
        %parallel_loop3A_440 = arith.andi %parallel_loop3A_434, %parallel_loop3A_439 : vector<16xi32>
        %parallel_loop3A_441 = tpu.vector_load_idx %arg6[%parallel_loop3A_434, %add3A_105] : memref<512x32xf32, #tpu.memory_space<vmem>>[vector<16xi32>, vector<16xi32>], vector<16xf32>,
        %parallel_loop3A_442 = arith.addi %mul3A_119, %parallel_loop3A_440 : vector<16xi32>
        tpu.vector_store_idx %arg8[%shift_right_arithmetic3A_110, %parallel_loop3A_437, %parallel_loop3A_442], %parallel_loop3A_441 : memref<4x4x1024xf32, #tpu.memory_space<vmem>>[vector<16xi32>, vector<16xi32>, vector<16xi32>], vector<16xf32>,
        %parallel_loop3A_443 = tpu.vector_load_idx %arg6[%parallel_loop3A_434, %add3A_108] : memref<512x32xf32, #tpu.memory_space<vmem>>[vector<16xi32>, vector<16xi32>], vector<16xf32>,
        %parallel_loop3A_444 = arith.addi %mul3A_125, %parallel_loop3A_440 : vector<16xi32>
        tpu.vector_store_idx %arg8[%shift_right_arithmetic3A_113, %parallel_loop3A_437, %parallel_loop3A_444], %parallel_loop3A_443 : memref<4x4x1024xf32, #tpu.memory_space<vmem>>[vector<16xi32>, vector<16xi32>, vector<16xi32>], vector<16xf32>,
      } {sc.loop_unroll_factor = 1 : i64, sc.parallel_access}
      %dma_start3A_195 = arith.constant 0 : i32
      %dma_start3A_196 = arith.constant 0 : i32
      %dma_start3A_197 = arith.constant 0 : i32
      %dma_start3A_198 = tpu.memref_slice %arg4[%mul3A_175, %dma_start3A_195, %dma_start3A_196, %dma_start3A_197] : memref<50x4x128x1024xf32, #tpu.memory_space<hbm>> -> memref<1x4x128x1024xf32, #tpu.memory_space<hbm>>
      %dma_start3A_199 = tpu.memref_squeeze %dma_start3A_198 : memref<1x4x128x1024xf32, #tpu.memory_space<hbm>> -> memref<4x128x1024xf32, #tpu.memory_space<hbm>>
      %dma_start3A_200 = arith.constant 0 : i32
      %dma_start3A_201 = arith.constant 0 : i32
      %dma_start3A_202 = tpu.memref_slice %dma_start3A_199[%dma_start3A_200, %mul3A_127, %dma_start3A_201] : memref<4x128x1024xf32, #tpu.memory_space<hbm>> -> memref<4x4x1024xf32, #tpu.memory_space<hbm>>
      %dma_start3A_203 = arith.constant 0 : i32
      %dma_start3A_204 = arith.constant 0 : i32
      %dma_start3A_205 = arith.constant 0 : i32
      %dma_start3A_206 = tpu.memref_slice %arg4[%mul3A_175, %dma_start3A_203, %dma_start3A_204, %dma_start3A_205] : memref<50x4x128x1024xf32, #tpu.memory_space<hbm>> -> memref<1x4x128x1024xf32, #tpu.memory_space<hbm>>
      %dma_start3A_207 = tpu.memref_squeeze %dma_start3A_206 : memref<1x4x128x1024xf32, #tpu.memory_space<hbm>> -> memref<4x128x1024xf32, #tpu.memory_space<hbm>>
      %dma_start3A_208 = arith.constant 0 : i32
      %dma_start3A_209 = arith.constant 0 : i32
      %dma_start3A_210 = tpu.memref_slice %dma_start3A_207[%dma_start3A_208, %mul3A_127, %dma_start3A_209] : memref<4x128x1024xf32, #tpu.memory_space<hbm>> -> memref<4x4x1024xf32, #tpu.memory_space<hbm>>
      tpu.enqueue_dma source(%arg8 : memref<4x4x1024xf32, #tpu.memory_space<vmem>>) target(%dma_start3A_210 : memref<4x4x1024xf32, #tpu.memory_space<hbm>>) target_semaphore(%arg11 : memref<!tpu.dma_semaphore, #tpu.memory_space<semaphore_mem>>)
      %add3A_211 = arith.constant 2 : i32
      %add3A_212 = arith.addi %mul3A_175, %add3A_211 : i32
      %lt3A = arith.constant 50 : i32
      %lt3A_213 = arith.cmpi slt, %add3A_212, %lt3A : i32
      %convert_element_type3A_214 = arith.extui %lt3A_213 : i1 to i32
      %cond3A_215 = arith.constant 0 : i32
      %cond3A_216 = arith.cmpi ne, %convert_element_type3A_214, %cond3A_215 : i32
      scf.if %cond3A_216 {
        %add3A_250 = arith.constant 2 : i32
        %add3A_251 = arith.addi %mul3A_175, %add3A_250 : i32
        %dma_start3A_252 = arith.constant 0 : i32
        %dma_start3A_253 = tpu.memref_slice %arg5[%add3A_251, %dma_start3A_252] : memref<50x512xi32, #tpu.memory_space<vmem>> -> memref<1x512xi32, #tpu.memory_space<vmem>>
        %dma_start3A_254 = tpu.memref_squeeze %dma_start3A_253 : memref<1x512xi32, #tpu.memory_space<vmem>> -> memref<512xi32, #tpu.memory_space<vmem>>
        %dma_start3A_255 = arith.constant 0 : i32
        %dma_start3A_256 = arith.constant 0 : i32
        %dma_start3A_257 = tpu.memref_slice %arg3[%dma_start3A_255, %dma_start3A_256] : memref<4000000x32xf32, #tpu.memory_space<hbm>> -> memref<4000000x32xf32, #tpu.memory_space<hbm>>
        tpu.enqueue_indirect_dma source(%dma_start3A_257 : memref<4000000x32xf32, #tpu.memory_space<hbm>>) target(%arg6 : memref<512x32xf32, #tpu.memory_space<vmem>>) offsets(%dma_start3A_254 : memref<512xi32, #tpu.memory_space<vmem>>) semaphore(%arg10 : memref<!tpu.dma_semaphore, #tpu.memory_space<semaphore_mem>>)
      } else {
      }
      %dma_wait3A_217 = arith.constant 0 : i32
      %dma_wait3A_218 = arith.constant 0 : i32
      %dma_wait3A_219 = tpu.memref_slice %arg5[%dma_wait3A_217, %dma_wait3A_218] : memref<50x512xi32, #tpu.memory_space<vmem>> -> memref<1x512xi32, #tpu.memory_space<vmem>>
      %dma_wait3A_220 = tpu.memref_squeeze %dma_wait3A_219 : memref<1x512xi32, #tpu.memory_space<vmem>> -> memref<512xi32, #tpu.memory_space<vmem>>
      %dma_wait3A_221 = arith.constant 0 : i32
      %dma_wait3A_222 = arith.constant 0 : i32
      %dma_wait3A_223 = tpu.memref_slice %arg3[%dma_wait3A_221, %dma_wait3A_222] : memref<4000000x32xf32, #tpu.memory_space<hbm>> -> memref<4000000x32xf32, #tpu.memory_space<hbm>>
      tpu.wait_indirect_dma semaphore(%arg10 : memref<!tpu.dma_semaphore, #tpu.memory_space<semaphore_mem>>) src(%dma_wait3A_223 : memref<4000000x32xf32, #tpu.memory_space<hbm>>) dst(%arg7 : memref<512x32xf32, #tpu.memory_space<vmem>>)
      %ge3A_224 = arith.constant 2 : i32
      %ge3A_225 = arith.cmpi sge, %mul3A_175, %ge3A_224 : i32
      %convert_element_type3A_226 = arith.extui %ge3A_225 : i1 to i32
      %cond3A_227 = arith.constant 0 : i32
      %cond3A_228 = arith.cmpi ne, %convert_element_type3A_226, %cond3A_227 : i32
      scf.if %cond3A_228 {
        %dma_wait3A_250 = arith.constant 0 : i32
        %dma_wait3A_251 = arith.constant 0 : i32
        %dma_wait3A_252 = arith.constant 0 : i32
        %dma_wait3A_253 = arith.constant 0 : i32
        %dma_wait3A_254 = tpu.memref_slice %arg4[%dma_wait3A_250, %dma_wait3A_251, %dma_wait3A_252, %dma_wait3A_253] : memref<50x4x128x1024xf32, #tpu.memory_space<hbm>> -> memref<1x4x128x1024xf32, #tpu.memory_space<hbm>>
        %dma_wait3A_255 = tpu.memref_squeeze %dma_wait3A_254 : memref<1x4x128x1024xf32, #tpu.memory_space<hbm>> -> memref<4x128x1024xf32, #tpu.memory_space<hbm>>
        %dma_wait3A_256 = arith.constant 0 : i32
        %dma_wait3A_257 = arith.constant 0 : i32
        %dma_wait3A_258 = tpu.memref_slice %dma_wait3A_255[%dma_wait3A_256, %mul3A_127, %dma_wait3A_257] : memref<4x128x1024xf32, #tpu.memory_space<hbm>> -> memref<4x4x1024xf32, #tpu.memory_space<hbm>>
        %dma_wait3A_259 = arith.constant 0 : i32
        %dma_wait3A_260 = arith.constant 0 : i32
        %dma_wait3A_261 = arith.constant 0 : i32
        %dma_wait3A_262 = tpu.memref_slice %arg4[%dma_wait3A_250, %dma_wait3A_259, %dma_wait3A_260, %dma_wait3A_261] : memref<50x4x128x1024xf32, #tpu.memory_space<hbm>> -> memref<1x4x128x1024xf32, #tpu.memory_space<hbm>>
        %dma_wait3A_263 = tpu.memref_squeeze %dma_wait3A_262 : memref<1x4x128x1024xf32, #tpu.memory_space<hbm>> -> memref<4x128x1024xf32, #tpu.memory_space<hbm>>
        %dma_wait3A_264 = arith.constant 0 : i32
        %dma_wait3A_265 = arith.constant 0 : i32
        %dma_wait3A_266 = tpu.memref_slice %dma_wait3A_263[%dma_wait3A_264, %mul3A_127, %dma_wait3A_265] : memref<4x128x1024xf32, #tpu.memory_space<hbm>> -> memref<4x4x1024xf32, #tpu.memory_space<hbm>>
        tpu.wait_dma2 semaphore(%arg11 : memref<!tpu.dma_semaphore, #tpu.memory_space<semaphore_mem>>) src(%arg9 : memref<4x4x1024xf32, #tpu.memory_space<vmem>>) dst(%dma_wait3A_266 : memref<4x4x1024xf32, #tpu.memory_space<hbm>>)
      } else {
      }
      %parallel_loop3A_229 = arith.constant 0 : i32
      %parallel_loop3A_230 = arith.constant 32 : i32
      %parallel_loop3A_231 = arith.constant 1 : i32
      scf.for %parallel_loop3A_250 = %parallel_loop3A_229 to %parallel_loop3A_230 step %parallel_loop3A_231  : i32 {
        %parallel_loop3A_251 = arith.constant 16 : i32
        %parallel_loop3A_252 = arith.muli %parallel_loop3A_250, %parallel_loop3A_251 : i32
        %parallel_loop3A_253 = vector.broadcast %parallel_loop3A_252 : i32 to vector<16xi32>
        %parallel_loop3A_254 = arith.addi %and3A_12, %parallel_loop3A_253 : vector<16xi32>
        %parallel_loop3A_255 = arith.constant 7 : i32
        %parallel_loop3A_256 = vector.broadcast %parallel_loop3A_255 : i32 to vector<16xi32>
        %parallel_loop3A_257 = arith.shrsi %parallel_loop3A_254, %parallel_loop3A_256 : vector<16xi32>
        %parallel_loop3A_258 = arith.constant 127 : i32
        %parallel_loop3A_259 = vector.broadcast %parallel_loop3A_258 : i32 to vector<16xi32>
        %parallel_loop3A_260 = arith.andi %parallel_loop3A_254, %parallel_loop3A_259 : vector<16xi32>
        %parallel_loop3A_261 = tpu.vector_load_idx %arg7[%parallel_loop3A_254, %add3A_105] : memref<512x32xf32, #tpu.memory_space<vmem>>[vector<16xi32>, vector<16xi32>], vector<16xf32>,
        %parallel_loop3A_262 = arith.addi %mul3A_119, %parallel_loop3A_260 : vector<16xi32>
        tpu.vector_store_idx %arg9[%shift_right_arithmetic3A_110, %parallel_loop3A_257, %parallel_loop3A_262], %parallel_loop3A_261 : memref<4x4x1024xf32, #tpu.memory_space<vmem>>[vector<16xi32>, vector<16xi32>, vector<16xi32>], vector<16xf32>,
        %parallel_loop3A_263 = tpu.vector_load_idx %arg7[%parallel_loop3A_254, %add3A_108] : memref<512x32xf32, #tpu.memory_space<vmem>>[vector<16xi32>, vector<16xi32>], vector<16xf32>,
        %parallel_loop3A_264 = arith.addi %mul3A_125, %parallel_loop3A_260 : vector<16xi32>
        tpu.vector_store_idx %arg9[%shift_right_arithmetic3A_113, %parallel_loop3A_257, %parallel_loop3A_264], %parallel_loop3A_263 : memref<4x4x1024xf32, #tpu.memory_space<vmem>>[vector<16xi32>, vector<16xi32>, vector<16xi32>], vector<16xf32>,
        %parallel_loop3A_265 = vector.broadcast %parallel_loop3A_252 : i32 to vector<16xi32>
        %parallel_loop3A_266 = arith.addi %and3A_18, %parallel_loop3A_265 : vector<16xi32>
        %parallel_loop3A_267 = arith.constant 7 : i32
        %parallel_loop3A_268 = vector.broadcast %parallel_loop3A_267 : i32 to vector<16xi32>
        %parallel_loop3A_269 = arith.shrsi %parallel_loop3A_266, %parallel_loop3A_268 : vector<16xi32>
        %parallel_loop3A_270 = arith.constant 127 : i32
        %parallel_loop3A_271 = vector.broadcast %parallel_loop3A_270 : i32 to vector<16xi32>
        %parallel_loop3A_272 = arith.andi %parallel_loop3A_266, %parallel_loop3A_271 : vector<16xi32>
        %parallel_loop3A_273 = tpu.vector_load_idx %arg7[%parallel_loop3A_266, %add3A_105] : memref<512x32xf32, #tpu.memory_space<vmem>>[vector<16xi32>, vector<16xi32>], vector<16xf32>,
        %parallel_loop3A_274 = arith.addi %mul3A_119, %parallel_loop3A_272 : vector<16xi32>
        tpu.vector_store_idx %arg9[%shift_right_arithmetic3A_110, %parallel_loop3A_269, %parallel_loop3A_274], %parallel_loop3A_273 : memref<4x4x1024xf32, #tpu.memory_space<vmem>>[vector<16xi32>, vector<16xi32>, vector<16xi32>], vector<16xf32>,
        %parallel_loop3A_275 = tpu.vector_load_idx %arg7[%parallel_loop3A_266, %add3A_108] : memref<512x32xf32, #tpu.memory_space<vmem>>[vector<16xi32>, vector<16xi32>], vector<16xf32>,
        %parallel_loop3A_276 = arith.addi %mul3A_125, %parallel_loop3A_272 : vector<16xi32>
        tpu.vector_store_idx %arg9[%shift_right_arithmetic3A_113, %parallel_loop3A_269, %parallel_loop3A_276], %parallel_loop3A_275 : memref<4x4x1024xf32, #tpu.memory_space<vmem>>[vector<16xi32>, vector<16xi32>, vector<16xi32>], vector<16xf32>,
        %parallel_loop3A_277 = vector.broadcast %parallel_loop3A_252 : i32 to vector<16xi32>
        %parallel_loop3A_278 = arith.addi %and3A_24, %parallel_loop3A_277 : vector<16xi32>
        %parallel_loop3A_279 = arith.constant 7 : i32
        %parallel_loop3A_280 = vector.broadcast %parallel_loop3A_279 : i32 to vector<16xi32>
        %parallel_loop3A_281 = arith.shrsi %parallel_loop3A_278, %parallel_loop3A_280 : vector<16xi32>
        %parallel_loop3A_282 = arith.constant 127 : i32
        %parallel_loop3A_283 = vector.broadcast %parallel_loop3A_282 : i32 to vector<16xi32>
        %parallel_loop3A_284 = arith.andi %parallel_loop3A_278, %parallel_loop3A_283 : vector<16xi32>
        %parallel_loop3A_285 = tpu.vector_load_idx %arg7[%parallel_loop3A_278, %add3A_105] : memref<512x32xf32, #tpu.memory_space<vmem>>[vector<16xi32>, vector<16xi32>], vector<16xf32>,
        %parallel_loop3A_286 = arith.addi %mul3A_119, %parallel_loop3A_284 : vector<16xi32>
        tpu.vector_store_idx %arg9[%shift_right_arithmetic3A_110, %parallel_loop3A_281, %parallel_loop3A_286], %parallel_loop3A_285 : memref<4x4x1024xf32, #tpu.memory_space<vmem>>[vector<16xi32>, vector<16xi32>, vector<16xi32>], vector<16xf32>,
        %parallel_loop3A_287 = tpu.vector_load_idx %arg7[%parallel_loop3A_278, %add3A_108] : memref<512x32xf32, #tpu.memory_space<vmem>>[vector<16xi32>, vector<16xi32>], vector<16xf32>,
        %parallel_loop3A_288 = arith.addi %mul3A_125, %parallel_loop3A_284 : vector<16xi32>
        tpu.vector_store_idx %arg9[%shift_right_arithmetic3A_113, %parallel_loop3A_281, %parallel_loop3A_288], %parallel_loop3A_287 : memref<4x4x1024xf32, #tpu.memory_space<vmem>>[vector<16xi32>, vector<16xi32>, vector<16xi32>], vector<16xf32>,
        %parallel_loop3A_289 = vector.broadcast %parallel_loop3A_252 : i32 to vector<16xi32>
        %parallel_loop3A_290 = arith.addi %and3A_30, %parallel_loop3A_289 : vector<16xi32>
        %parallel_loop3A_291 = arith.constant 7 : i32
        %parallel_loop3A_292 = vector.broadcast %parallel_loop3A_291 : i32 to vector<16xi32>
        %parallel_loop3A_293 = arith.shrsi %parallel_loop3A_290, %parallel_loop3A_292 : vector<16xi32>
        %parallel_loop3A_294 = arith.constant 127 : i32
        %parallel_loop3A_295 = vector.broadcast %parallel_loop3A_294 : i32 to vector<16xi32>
        %parallel_loop3A_296 = arith.andi %parallel_loop3A_290, %parallel_loop3A_295 : vector<16xi32>
        %parallel_loop3A_297 = tpu.vector_load_idx %arg7[%parallel_loop3A_290, %add3A_105] : memref<512x32xf32, #tpu.memory_space<vmem>>[vector<16xi32>, vector<16xi32>], vector<16xf32>,
        %parallel_loop3A_298 = arith.addi %mul3A_119, %parallel_loop3A_296 : vector<16xi32>
        tpu.vector_store_idx %arg9[%shift_right_arithmetic3A_110, %parallel_loop3A_293, %parallel_loop3A_298], %parallel_loop3A_297 : memref<4x4x1024xf32, #tpu.memory_space<vmem>>[vector<16xi32>, vector<16xi32>, vector<16xi32>], vector<16xf32>,
        %parallel_loop3A_299 = tpu.vector_load_idx %arg7[%parallel_loop3A_290, %add3A_108] : memref<512x32xf32, #tpu.memory_space<vmem>>[vector<16xi32>, vector<16xi32>], vector<16xf32>,
        %parallel_loop3A_300 = arith.addi %mul3A_125, %parallel_loop3A_296 : vector<16xi32>
        tpu.vector_store_idx %arg9[%shift_right_arithmetic3A_113, %parallel_loop3A_293, %parallel_loop3A_300], %parallel_loop3A_299 : memref<4x4x1024xf32, #tpu.memory_space<vmem>>[vector<16xi32>, vector<16xi32>, vector<16xi32>], vector<16xf32>,
        %parallel_loop3A_301 = vector.broadcast %parallel_loop3A_252 : i32 to vector<16xi32>
        %parallel_loop3A_302 = arith.addi %and3A_36, %parallel_loop3A_301 : vector<16xi32>
        %parallel_loop3A_303 = arith.constant 7 : i32
        %parallel_loop3A_304 = vector.broadcast %parallel_loop3A_303 : i32 to vector<16xi32>
        %parallel_loop3A_305 = arith.shrsi %parallel_loop3A_302, %parallel_loop3A_304 : vector<16xi32>
        %parallel_loop3A_306 = arith.constant 127 : i32
        %parallel_loop3A_307 = vector.broadcast %parallel_loop3A_306 : i32 to vector<16xi32>
        %parallel_loop3A_308 = arith.andi %parallel_loop3A_302, %parallel_loop3A_307 : vector<16xi32>
        %parallel_loop3A_309 = tpu.vector_load_idx %arg7[%parallel_loop3A_302, %add3A_105] : memref<512x32xf32, #tpu.memory_space<vmem>>[vector<16xi32>, vector<16xi32>], vector<16xf32>,
        %parallel_loop3A_310 = arith.addi %mul3A_119, %parallel_loop3A_308 : vector<16xi32>
        tpu.vector_store_idx %arg9[%shift_right_arithmetic3A_110, %parallel_loop3A_305, %parallel_loop3A_310], %parallel_loop3A_309 : memref<4x4x1024xf32, #tpu.memory_space<vmem>>[vector<16xi32>, vector<16xi32>, vector<16xi32>], vector<16xf32>,
        %parallel_loop3A_311 = tpu.vector_load_idx %arg7[%parallel_loop3A_302, %add3A_108] : memref<512x32xf32, #tpu.memory_space<vmem>>[vector<16xi32>, vector<16xi32>], vector<16xf32>,
        %parallel_loop3A_312 = arith.addi %mul3A_125, %parallel_loop3A_308 : vector<16xi32>
        tpu.vector_store_idx %arg9[%shift_right_arithmetic3A_113, %parallel_loop3A_305, %parallel_loop3A_312], %parallel_loop3A_311 : memref<4x4x1024xf32, #tpu.memory_space<vmem>>[vector<16xi32>, vector<16xi32>, vector<16xi32>], vector<16xf32>,
        %parallel_loop3A_313 = vector.broadcast %parallel_loop3A_252 : i32 to vector<16xi32>
        %parallel_loop3A_314 = arith.addi %and3A_42, %parallel_loop3A_313 : vector<16xi32>
        %parallel_loop3A_315 = arith.constant 7 : i32
        %parallel_loop3A_316 = vector.broadcast %parallel_loop3A_315 : i32 to vector<16xi32>
        %parallel_loop3A_317 = arith.shrsi %parallel_loop3A_314, %parallel_loop3A_316 : vector<16xi32>
        %parallel_loop3A_318 = arith.constant 127 : i32
        %parallel_loop3A_319 = vector.broadcast %parallel_loop3A_318 : i32 to vector<16xi32>
        %parallel_loop3A_320 = arith.andi %parallel_loop3A_314, %parallel_loop3A_319 : vector<16xi32>
        %parallel_loop3A_321 = tpu.vector_load_idx %arg7[%parallel_loop3A_314, %add3A_105] : memref<512x32xf32, #tpu.memory_space<vmem>>[vector<16xi32>, vector<16xi32>], vector<16xf32>,
        %parallel_loop3A_322 = arith.addi %mul3A_119, %parallel_loop3A_320 : vector<16xi32>
        tpu.vector_store_idx %arg9[%shift_right_arithmetic3A_110, %parallel_loop3A_317, %parallel_loop3A_322], %parallel_loop3A_321 : memref<4x4x1024xf32, #tpu.memory_space<vmem>>[vector<16xi32>, vector<16xi32>, vector<16xi32>], vector<16xf32>,
        %parallel_loop3A_323 = tpu.vector_load_idx %arg7[%parallel_loop3A_314, %add3A_108] : memref<512x32xf32, #tpu.memory_space<vmem>>[vector<16xi32>, vector<16xi32>], vector<16xf32>,
        %parallel_loop3A_324 = arith.addi %mul3A_125, %parallel_loop3A_320 : vector<16xi32>
        tpu.vector_store_idx %arg9[%shift_right_arithmetic3A_113, %parallel_loop3A_317, %parallel_loop3A_324], %parallel_loop3A_323 : memref<4x4x1024xf32, #tpu.memory_space<vmem>>[vector<16xi32>, vector<16xi32>, vector<16xi32>], vector<16xf32>,
        %parallel_loop3A_325 = vector.broadcast %parallel_loop3A_252 : i32 to vector<16xi32>
        %parallel_loop3A_326 = arith.addi %and3A_48, %parallel_loop3A_325 : vector<16xi32>
        %parallel_loop3A_327 = arith.constant 7 : i32
        %parallel_loop3A_328 = vector.broadcast %parallel_loop3A_327 : i32 to vector<16xi32>
        %parallel_loop3A_329 = arith.shrsi %parallel_loop3A_326, %parallel_loop3A_328 : vector<16xi32>
        %parallel_loop3A_330 = arith.constant 127 : i32
        %parallel_loop3A_331 = vector.broadcast %parallel_loop3A_330 : i32 to vector<16xi32>
        %parallel_loop3A_332 = arith.andi %parallel_loop3A_326, %parallel_loop3A_331 : vector<16xi32>
        %parallel_loop3A_333 = tpu.vector_load_idx %arg7[%parallel_loop3A_326, %add3A_105] : memref<512x32xf32, #tpu.memory_space<vmem>>[vector<16xi32>, vector<16xi32>], vector<16xf32>,
        %parallel_loop3A_334 = arith.addi %mul3A_119, %parallel_loop3A_332 : vector<16xi32>
        tpu.vector_store_idx %arg9[%shift_right_arithmetic3A_110, %parallel_loop3A_329, %parallel_loop3A_334], %parallel_loop3A_333 : memref<4x4x1024xf32, #tpu.memory_space<vmem>>[vector<16xi32>, vector<16xi32>, vector<16xi32>], vector<16xf32>,
        %parallel_loop3A_335 = tpu.vector_load_idx %arg7[%parallel_loop3A_326, %add3A_108] : memref<512x32xf32, #tpu.memory_space<vmem>>[vector<16xi32>, vector<16xi32>], vector<16xf32>,
        %parallel_loop3A_336 = arith.addi %mul3A_125, %parallel_loop3A_332 : vector<16xi32>
        tpu.vector_store_idx %arg9[%shift_right_arithmetic3A_113, %parallel_loop3A_329, %parallel_loop3A_336], %parallel_loop3A_335 : memref<4x4x1024xf32, #tpu.memory_space<vmem>>[vector<16xi32>, vector<16xi32>, vector<16xi32>], vector<16xf32>,
        %parallel_loop3A_337 = vector.broadcast %parallel_loop3A_252 : i32 to vector<16xi32>
        %parallel_loop3A_338 = arith.addi %and3A_54, %parallel_loop3A_337 : vector<16xi32>
        %parallel_loop3A_339 = arith.constant 7 : i32
        %parallel_loop3A_340 = vector.broadcast %parallel_loop3A_339 : i32 to vector<16xi32>
        %parallel_loop3A_341 = arith.shrsi %parallel_loop3A_338, %parallel_loop3A_340 : vector<16xi32>
        %parallel_loop3A_342 = arith.constant 127 : i32
        %parallel_loop3A_343 = vector.broadcast %parallel_loop3A_342 : i32 to vector<16xi32>
        %parallel_loop3A_344 = arith.andi %parallel_loop3A_338, %parallel_loop3A_343 : vector<16xi32>
        %parallel_loop3A_345 = tpu.vector_load_idx %arg7[%parallel_loop3A_338, %add3A_105] : memref<512x32xf32, #tpu.memory_space<vmem>>[vector<16xi32>, vector<16xi32>], vector<16xf32>,
        %parallel_loop3A_346 = arith.addi %mul3A_119, %parallel_loop3A_344 : vector<16xi32>
        tpu.vector_store_idx %arg9[%shift_right_arithmetic3A_110, %parallel_loop3A_341, %parallel_loop3A_346], %parallel_loop3A_345 : memref<4x4x1024xf32, #tpu.memory_space<vmem>>[vector<16xi32>, vector<16xi32>, vector<16xi32>], vector<16xf32>,
        %parallel_loop3A_347 = tpu.vector_load_idx %arg7[%parallel_loop3A_338, %add3A_108] : memref<512x32xf32, #tpu.memory_space<vmem>>[vector<16xi32>, vector<16xi32>], vector<16xf32>,
        %parallel_loop3A_348 = arith.addi %mul3A_125, %parallel_loop3A_344 : vector<16xi32>
        tpu.vector_store_idx %arg9[%shift_right_arithmetic3A_113, %parallel_loop3A_341, %parallel_loop3A_348], %parallel_loop3A_347 : memref<4x4x1024xf32, #tpu.memory_space<vmem>>[vector<16xi32>, vector<16xi32>, vector<16xi32>], vector<16xf32>,
        %parallel_loop3A_349 = vector.broadcast %parallel_loop3A_252 : i32 to vector<16xi32>
        %parallel_loop3A_350 = arith.addi %and3A_60, %parallel_loop3A_349 : vector<16xi32>
        %parallel_loop3A_351 = arith.constant 7 : i32
        %parallel_loop3A_352 = vector.broadcast %parallel_loop3A_351 : i32 to vector<16xi32>
        %parallel_loop3A_353 = arith.shrsi %parallel_loop3A_350, %parallel_loop3A_352 : vector<16xi32>
        %parallel_loop3A_354 = arith.constant 127 : i32
        %parallel_loop3A_355 = vector.broadcast %parallel_loop3A_354 : i32 to vector<16xi32>
        %parallel_loop3A_356 = arith.andi %parallel_loop3A_350, %parallel_loop3A_355 : vector<16xi32>
        %parallel_loop3A_357 = tpu.vector_load_idx %arg7[%parallel_loop3A_350, %add3A_105] : memref<512x32xf32, #tpu.memory_space<vmem>>[vector<16xi32>, vector<16xi32>], vector<16xf32>,
        %parallel_loop3A_358 = arith.addi %mul3A_119, %parallel_loop3A_356 : vector<16xi32>
        tpu.vector_store_idx %arg9[%shift_right_arithmetic3A_110, %parallel_loop3A_353, %parallel_loop3A_358], %parallel_loop3A_357 : memref<4x4x1024xf32, #tpu.memory_space<vmem>>[vector<16xi32>, vector<16xi32>, vector<16xi32>], vector<16xf32>,
        %parallel_loop3A_359 = tpu.vector_load_idx %arg7[%parallel_loop3A_350, %add3A_108] : memref<512x32xf32, #tpu.memory_space<vmem>>[vector<16xi32>, vector<16xi32>], vector<16xf32>,
        %parallel_loop3A_360 = arith.addi %mul3A_125, %parallel_loop3A_356 : vector<16xi32>
        tpu.vector_store_idx %arg9[%shift_right_arithmetic3A_113, %parallel_loop3A_353, %parallel_loop3A_360], %parallel_loop3A_359 : memref<4x4x1024xf32, #tpu.memory_space<vmem>>[vector<16xi32>, vector<16xi32>, vector<16xi32>], vector<16xf32>,
        %parallel_loop3A_361 = vector.broadcast %parallel_loop3A_252 : i32 to vector<16xi32>
        %parallel_loop3A_362 = arith.addi %and3A_66, %parallel_loop3A_361 : vector<16xi32>
        %parallel_loop3A_363 = arith.constant 7 : i32
        %parallel_loop3A_364 = vector.broadcast %parallel_loop3A_363 : i32 to vector<16xi32>
        %parallel_loop3A_365 = arith.shrsi %parallel_loop3A_362, %parallel_loop3A_364 : vector<16xi32>
        %parallel_loop3A_366 = arith.constant 127 : i32
        %parallel_loop3A_367 = vector.broadcast %parallel_loop3A_366 : i32 to vector<16xi32>
        %parallel_loop3A_368 = arith.andi %parallel_loop3A_362, %parallel_loop3A_367 : vector<16xi32>
        %parallel_loop3A_369 = tpu.vector_load_idx %arg7[%parallel_loop3A_362, %add3A_105] : memref<512x32xf32, #tpu.memory_space<vmem>>[vector<16xi32>, vector<16xi32>], vector<16xf32>,
        %parallel_loop3A_370 = arith.addi %mul3A_119, %parallel_loop3A_368 : vector<16xi32>
        tpu.vector_store_idx %arg9[%shift_right_arithmetic3A_110, %parallel_loop3A_365, %parallel_loop3A_370], %parallel_loop3A_369 : memref<4x4x1024xf32, #tpu.memory_space<vmem>>[vector<16xi32>, vector<16xi32>, vector<16xi32>], vector<16xf32>,
        %parallel_loop3A_371 = tpu.vector_load_idx %arg7[%parallel_loop3A_362, %add3A_108] : memref<512x32xf32, #tpu.memory_space<vmem>>[vector<16xi32>, vector<16xi32>], vector<16xf32>,
        %parallel_loop3A_372 = arith.addi %mul3A_125, %parallel_loop3A_368 : vector<16xi32>
        tpu.vector_store_idx %arg9[%shift_right_arithmetic3A_113, %parallel_loop3A_365, %parallel_loop3A_372], %parallel_loop3A_371 : memref<4x4x1024xf32, #tpu.memory_space<vmem>>[vector<16xi32>, vector<16xi32>, vector<16xi32>], vector<16xf32>,
        %parallel_loop3A_373 = vector.broadcast %parallel_loop3A_252 : i32 to vector<16xi32>
        %parallel_loop3A_374 = arith.addi %and3A_72, %parallel_loop3A_373 : vector<16xi32>
        %parallel_loop3A_375 = arith.constant 7 : i32
        %parallel_loop3A_376 = vector.broadcast %parallel_loop3A_375 : i32 to vector<16xi32>
        %parallel_loop3A_377 = arith.shrsi %parallel_loop3A_374, %parallel_loop3A_376 : vector<16xi32>
        %parallel_loop3A_378 = arith.constant 127 : i32
        %parallel_loop3A_379 = vector.broadcast %parallel_loop3A_378 : i32 to vector<16xi32>
        %parallel_loop3A_380 = arith.andi %parallel_loop3A_374, %parallel_loop3A_379 : vector<16xi32>
        %parallel_loop3A_381 = tpu.vector_load_idx %arg7[%parallel_loop3A_374, %add3A_105] : memref<512x32xf32, #tpu.memory_space<vmem>>[vector<16xi32>, vector<16xi32>], vector<16xf32>,
        %parallel_loop3A_382 = arith.addi %mul3A_119, %parallel_loop3A_380 : vector<16xi32>
        tpu.vector_store_idx %arg9[%shift_right_arithmetic3A_110, %parallel_loop3A_377, %parallel_loop3A_382], %parallel_loop3A_381 : memref<4x4x1024xf32, #tpu.memory_space<vmem>>[vector<16xi32>, vector<16xi32>, vector<16xi32>], vector<16xf32>,
        %parallel_loop3A_383 = tpu.vector_load_idx %arg7[%parallel_loop3A_374, %add3A_108] : memref<512x32xf32, #tpu.memory_space<vmem>>[vector<16xi32>, vector<16xi32>], vector<16xf32>,
        %parallel_loop3A_384 = arith.addi %mul3A_125, %parallel_loop3A_380 : vector<16xi32>
        tpu.vector_store_idx %arg9[%shift_right_arithmetic3A_113, %parallel_loop3A_377, %parallel_loop3A_384], %parallel_loop3A_383 : memref<4x4x1024xf32, #tpu.memory_space<vmem>>[vector<16xi32>, vector<16xi32>, vector<16xi32>], vector<16xf32>,
        %parallel_loop3A_385 = vector.broadcast %parallel_loop3A_252 : i32 to vector<16xi32>
        %parallel_loop3A_386 = arith.addi %and3A_78, %parallel_loop3A_385 : vector<16xi32>
        %parallel_loop3A_387 = arith.constant 7 : i32
        %parallel_loop3A_388 = vector.broadcast %parallel_loop3A_387 : i32 to vector<16xi32>
        %parallel_loop3A_389 = arith.shrsi %parallel_loop3A_386, %parallel_loop3A_388 : vector<16xi32>
        %parallel_loop3A_390 = arith.constant 127 : i32
        %parallel_loop3A_391 = vector.broadcast %parallel_loop3A_390 : i32 to vector<16xi32>
        %parallel_loop3A_392 = arith.andi %parallel_loop3A_386, %parallel_loop3A_391 : vector<16xi32>
        %parallel_loop3A_393 = tpu.vector_load_idx %arg7[%parallel_loop3A_386, %add3A_105] : memref<512x32xf32, #tpu.memory_space<vmem>>[vector<16xi32>, vector<16xi32>], vector<16xf32>,
        %parallel_loop3A_394 = arith.addi %mul3A_119, %parallel_loop3A_392 : vector<16xi32>
        tpu.vector_store_idx %arg9[%shift_right_arithmetic3A_110, %parallel_loop3A_389, %parallel_loop3A_394], %parallel_loop3A_393 : memref<4x4x1024xf32, #tpu.memory_space<vmem>>[vector<16xi32>, vector<16xi32>, vector<16xi32>], vector<16xf32>,
        %parallel_loop3A_395 = tpu.vector_load_idx %arg7[%parallel_loop3A_386, %add3A_108] : memref<512x32xf32, #tpu.memory_space<vmem>>[vector<16xi32>, vector<16xi32>], vector<16xf32>,
        %parallel_loop3A_396 = arith.addi %mul3A_125, %parallel_loop3A_392 : vector<16xi32>
        tpu.vector_store_idx %arg9[%shift_right_arithmetic3A_113, %parallel_loop3A_389, %parallel_loop3A_396], %parallel_loop3A_395 : memref<4x4x1024xf32, #tpu.memory_space<vmem>>[vector<16xi32>, vector<16xi32>, vector<16xi32>], vector<16xf32>,
        %parallel_loop3A_397 = vector.broadcast %parallel_loop3A_252 : i32 to vector<16xi32>
        %parallel_loop3A_398 = arith.addi %and3A_84, %parallel_loop3A_397 : vector<16xi32>
        %parallel_loop3A_399 = arith.constant 7 : i32
        %parallel_loop3A_400 = vector.broadcast %parallel_loop3A_399 : i32 to vector<16xi32>
        %parallel_loop3A_401 = arith.shrsi %parallel_loop3A_398, %parallel_loop3A_400 : vector<16xi32>
        %parallel_loop3A_402 = arith.constant 127 : i32
        %parallel_loop3A_403 = vector.broadcast %parallel_loop3A_402 : i32 to vector<16xi32>
        %parallel_loop3A_404 = arith.andi %parallel_loop3A_398, %parallel_loop3A_403 : vector<16xi32>
        %parallel_loop3A_405 = tpu.vector_load_idx %arg7[%parallel_loop3A_398, %add3A_105] : memref<512x32xf32, #tpu.memory_space<vmem>>[vector<16xi32>, vector<16xi32>], vector<16xf32>,
        %parallel_loop3A_406 = arith.addi %mul3A_119, %parallel_loop3A_404 : vector<16xi32>
        tpu.vector_store_idx %arg9[%shift_right_arithmetic3A_110, %parallel_loop3A_401, %parallel_loop3A_406], %parallel_loop3A_405 : memref<4x4x1024xf32, #tpu.memory_space<vmem>>[vector<16xi32>, vector<16xi32>, vector<16xi32>], vector<16xf32>,
        %parallel_loop3A_407 = tpu.vector_load_idx %arg7[%parallel_loop3A_398, %add3A_108] : memref<512x32xf32, #tpu.memory_space<vmem>>[vector<16xi32>, vector<16xi32>], vector<16xf32>,
        %parallel_loop3A_408 = arith.addi %mul3A_125, %parallel_loop3A_404 : vector<16xi32>
        tpu.vector_store_idx %arg9[%shift_right_arithmetic3A_113, %parallel_loop3A_401, %parallel_loop3A_408], %parallel_loop3A_407 : memref<4x4x1024xf32, #tpu.memory_space<vmem>>[vector<16xi32>, vector<16xi32>, vector<16xi32>], vector<16xf32>,
        %parallel_loop3A_409 = vector.broadcast %parallel_loop3A_252 : i32 to vector<16xi32>
        %parallel_loop3A_410 = arith.addi %and3A_90, %parallel_loop3A_409 : vector<16xi32>
        %parallel_loop3A_411 = arith.constant 7 : i32
        %parallel_loop3A_412 = vector.broadcast %parallel_loop3A_411 : i32 to vector<16xi32>
        %parallel_loop3A_413 = arith.shrsi %parallel_loop3A_410, %parallel_loop3A_412 : vector<16xi32>
        %parallel_loop3A_414 = arith.constant 127 : i32
        %parallel_loop3A_415 = vector.broadcast %parallel_loop3A_414 : i32 to vector<16xi32>
        %parallel_loop3A_416 = arith.andi %parallel_loop3A_410, %parallel_loop3A_415 : vector<16xi32>
        %parallel_loop3A_417 = tpu.vector_load_idx %arg7[%parallel_loop3A_410, %add3A_105] : memref<512x32xf32, #tpu.memory_space<vmem>>[vector<16xi32>, vector<16xi32>], vector<16xf32>,
        %parallel_loop3A_418 = arith.addi %mul3A_119, %parallel_loop3A_416 : vector<16xi32>
        tpu.vector_store_idx %arg9[%shift_right_arithmetic3A_110, %parallel_loop3A_413, %parallel_loop3A_418], %parallel_loop3A_417 : memref<4x4x1024xf32, #tpu.memory_space<vmem>>[vector<16xi32>, vector<16xi32>, vector<16xi32>], vector<16xf32>,
        %parallel_loop3A_419 = tpu.vector_load_idx %arg7[%parallel_loop3A_410, %add3A_108] : memref<512x32xf32, #tpu.memory_space<vmem>>[vector<16xi32>, vector<16xi32>], vector<16xf32>,
        %parallel_loop3A_420 = arith.addi %mul3A_125, %parallel_loop3A_416 : vector<16xi32>
        tpu.vector_store_idx %arg9[%shift_right_arithmetic3A_113, %parallel_loop3A_413, %parallel_loop3A_420], %parallel_loop3A_419 : memref<4x4x1024xf32, #tpu.memory_space<vmem>>[vector<16xi32>, vector<16xi32>, vector<16xi32>], vector<16xf32>,
        %parallel_loop3A_421 = vector.broadcast %parallel_loop3A_252 : i32 to vector<16xi32>
        %parallel_loop3A_422 = arith.addi %and3A_96, %parallel_loop3A_421 : vector<16xi32>
        %parallel_loop3A_423 = arith.constant 7 : i32
        %parallel_loop3A_424 = vector.broadcast %parallel_loop3A_423 : i32 to vector<16xi32>
        %parallel_loop3A_425 = arith.shrsi %parallel_loop3A_422, %parallel_loop3A_424 : vector<16xi32>
        %parallel_loop3A_426 = arith.constant 127 : i32
        %parallel_loop3A_427 = vector.broadcast %parallel_loop3A_426 : i32 to vector<16xi32>
        %parallel_loop3A_428 = arith.andi %parallel_loop3A_422, %parallel_loop3A_427 : vector<16xi32>
        %parallel_loop3A_429 = tpu.vector_load_idx %arg7[%parallel_loop3A_422, %add3A_105] : memref<512x32xf32, #tpu.memory_space<vmem>>[vector<16xi32>, vector<16xi32>], vector<16xf32>,
        %parallel_loop3A_430 = arith.addi %mul3A_119, %parallel_loop3A_428 : vector<16xi32>
        tpu.vector_store_idx %arg9[%shift_right_arithmetic3A_110, %parallel_loop3A_425, %parallel_loop3A_430], %parallel_loop3A_429 : memref<4x4x1024xf32, #tpu.memory_space<vmem>>[vector<16xi32>, vector<16xi32>, vector<16xi32>], vector<16xf32>,
        %parallel_loop3A_431 = tpu.vector_load_idx %arg7[%parallel_loop3A_422, %add3A_108] : memref<512x32xf32, #tpu.memory_space<vmem>>[vector<16xi32>, vector<16xi32>], vector<16xf32>,
        %parallel_loop3A_432 = arith.addi %mul3A_125, %parallel_loop3A_428 : vector<16xi32>
        tpu.vector_store_idx %arg9[%shift_right_arithmetic3A_113, %parallel_loop3A_425, %parallel_loop3A_432], %parallel_loop3A_431 : memref<4x4x1024xf32, #tpu.memory_space<vmem>>[vector<16xi32>, vector<16xi32>, vector<16xi32>], vector<16xf32>,
        %parallel_loop3A_433 = vector.broadcast %parallel_loop3A_252 : i32 to vector<16xi32>
        %parallel_loop3A_434 = arith.addi %and3A_102, %parallel_loop3A_433 : vector<16xi32>
        %parallel_loop3A_435 = arith.constant 7 : i32
        %parallel_loop3A_436 = vector.broadcast %parallel_loop3A_435 : i32 to vector<16xi32>
        %parallel_loop3A_437 = arith.shrsi %parallel_loop3A_434, %parallel_loop3A_436 : vector<16xi32>
        %parallel_loop3A_438 = arith.constant 127 : i32
        %parallel_loop3A_439 = vector.broadcast %parallel_loop3A_438 : i32 to vector<16xi32>
        %parallel_loop3A_440 = arith.andi %parallel_loop3A_434, %parallel_loop3A_439 : vector<16xi32>
        %parallel_loop3A_441 = tpu.vector_load_idx %arg7[%parallel_loop3A_434, %add3A_105] : memref<512x32xf32, #tpu.memory_space<vmem>>[vector<16xi32>, vector<16xi32>], vector<16xf32>,
        %parallel_loop3A_442 = arith.addi %mul3A_119, %parallel_loop3A_440 : vector<16xi32>
        tpu.vector_store_idx %arg9[%shift_right_arithmetic3A_110, %parallel_loop3A_437, %parallel_loop3A_442], %parallel_loop3A_441 : memref<4x4x1024xf32, #tpu.memory_space<vmem>>[vector<16xi32>, vector<16xi32>, vector<16xi32>], vector<16xf32>,
        %parallel_loop3A_443 = tpu.vector_load_idx %arg7[%parallel_loop3A_434, %add3A_108] : memref<512x32xf32, #tpu.memory_space<vmem>>[vector<16xi32>, vector<16xi32>], vector<16xf32>,
        %parallel_loop3A_444 = arith.addi %mul3A_125, %parallel_loop3A_440 : vector<16xi32>
        tpu.vector_store_idx %arg9[%shift_right_arithmetic3A_113, %parallel_loop3A_437, %parallel_loop3A_444], %parallel_loop3A_443 : memref<4x4x1024xf32, #tpu.memory_space<vmem>>[vector<16xi32>, vector<16xi32>, vector<16xi32>], vector<16xf32>,
      } {sc.loop_unroll_factor = 1 : i64, sc.parallel_access}
      %add3A_232 = arith.constant 1 : i32
      %add3A_233 = arith.addi %mul3A_175, %add3A_232 : i32
      %dma_start3A_234 = arith.constant 0 : i32
      %dma_start3A_235 = arith.constant 0 : i32
      %dma_start3A_236 = arith.constant 0 : i32
      %dma_start3A_237 = tpu.memref_slice %arg4[%add3A_233, %dma_start3A_234, %dma_start3A_235, %dma_start3A_236] : memref<50x4x128x1024xf32, #tpu.memory_space<hbm>> -> memref<1x4x128x1024xf32, #tpu.memory_space<hbm>>
      %dma_start3A_238 = tpu.memref_squeeze %dma_start3A_237 : memref<1x4x128x1024xf32, #tpu.memory_space<hbm>> -> memref<4x128x1024xf32, #tpu.memory_space<hbm>>
      %dma_start3A_239 = arith.constant 0 : i32
      %dma_start3A_240 = arith.constant 0 : i32
      %dma_start3A_241 = tpu.memref_slice %dma_start3A_238[%dma_start3A_239, %mul3A_127, %dma_start3A_240] : memref<4x128x1024xf32, #tpu.memory_space<hbm>> -> memref<4x4x1024xf32, #tpu.memory_space<hbm>>
      %dma_start3A_242 = arith.constant 0 : i32
      %dma_start3A_243 = arith.constant 0 : i32
      %dma_start3A_244 = arith.constant 0 : i32
      %dma_start3A_245 = tpu.memref_slice %arg4[%add3A_233, %dma_start3A_242, %dma_start3A_243, %dma_start3A_244] : memref<50x4x128x1024xf32, #tpu.memory_space<hbm>> -> memref<1x4x128x1024xf32, #tpu.memory_space<hbm>>
      %dma_start3A_246 = tpu.memref_squeeze %dma_start3A_245 : memref<1x4x128x1024xf32, #tpu.memory_space<hbm>> -> memref<4x128x1024xf32, #tpu.memory_space<hbm>>
      %dma_start3A_247 = arith.constant 0 : i32
      %dma_start3A_248 = arith.constant 0 : i32
      %dma_start3A_249 = tpu.memref_slice %dma_start3A_246[%dma_start3A_247, %mul3A_127, %dma_start3A_248] : memref<4x128x1024xf32, #tpu.memory_space<hbm>> -> memref<4x4x1024xf32, #tpu.memory_space<hbm>>
      tpu.enqueue_dma source(%arg9 : memref<4x4x1024xf32, #tpu.memory_space<vmem>>) target(%dma_start3A_249 : memref<4x4x1024xf32, #tpu.memory_space<hbm>>) target_semaphore(%arg11 : memref<!tpu.dma_semaphore, #tpu.memory_space<semaphore_mem>>)
    }
    %scan3A_139 = arith.constant 25 : i32
    %dma_wait3A = arith.constant 0 : i32
    %dma_wait3A_140 = arith.constant 0 : i32
    %dma_wait3A_141 = arith.constant 0 : i32
    %dma_wait3A_142 = arith.constant 0 : i32
    %dma_wait3A_143 = tpu.memref_slice %arg4[%dma_wait3A, %dma_wait3A_140, %dma_wait3A_141, %dma_wait3A_142] : memref<50x4x128x1024xf32, #tpu.memory_space<hbm>> -> memref<1x4x128x1024xf32, #tpu.memory_space<hbm>>
    %dma_wait3A_144 = tpu.memref_squeeze %dma_wait3A_143 : memref<1x4x128x1024xf32, #tpu.memory_space<hbm>> -> memref<4x128x1024xf32, #tpu.memory_space<hbm>>
    %dma_wait3A_145 = arith.constant 0 : i32
    %dma_wait3A_146 = arith.constant 0 : i32
    %dma_wait3A_147 = tpu.memref_slice %dma_wait3A_144[%dma_wait3A_145, %mul3A_127, %dma_wait3A_146] : memref<4x128x1024xf32, #tpu.memory_space<hbm>> -> memref<4x4x1024xf32, #tpu.memory_space<hbm>>
    %dma_wait3A_148 = arith.constant 0 : i32
    %dma_wait3A_149 = arith.constant 0 : i32
    %dma_wait3A_150 = arith.constant 0 : i32
    %dma_wait3A_151 = tpu.memref_slice %arg4[%dma_wait3A, %dma_wait3A_148, %dma_wait3A_149, %dma_wait3A_150] : memref<50x4x128x1024xf32, #tpu.memory_space<hbm>> -> memref<1x4x128x1024xf32, #tpu.memory_space<hbm>>
    %dma_wait3A_152 = tpu.memref_squeeze %dma_wait3A_151 : memref<1x4x128x1024xf32, #tpu.memory_space<hbm>> -> memref<4x128x1024xf32, #tpu.memory_space<hbm>>
    %dma_wait3A_153 = arith.constant 0 : i32
    %dma_wait3A_154 = arith.constant 0 : i32
    %dma_wait3A_155 = tpu.memref_slice %dma_wait3A_152[%dma_wait3A_153, %mul3A_127, %dma_wait3A_154] : memref<4x128x1024xf32, #tpu.memory_space<hbm>> -> memref<4x4x1024xf32, #tpu.memory_space<hbm>>
    tpu.wait_dma2 semaphore(%arg11 : memref<!tpu.dma_semaphore, #tpu.memory_space<semaphore_mem>>) src(%arg8 : memref<4x4x1024xf32, #tpu.memory_space<vmem>>) dst(%dma_wait3A_155 : memref<4x4x1024xf32, #tpu.memory_space<hbm>>)
    %dma_wait3A_156 = arith.constant 0 : i32
    %dma_wait3A_157 = arith.constant 0 : i32
    %dma_wait3A_158 = arith.constant 0 : i32
    %dma_wait3A_159 = arith.constant 0 : i32
    %dma_wait3A_160 = tpu.memref_slice %arg4[%dma_wait3A_156, %dma_wait3A_157, %dma_wait3A_158, %dma_wait3A_159] : memref<50x4x128x1024xf32, #tpu.memory_space<hbm>> -> memref<1x4x128x1024xf32, #tpu.memory_space<hbm>>
    %dma_wait3A_161 = tpu.memref_squeeze %dma_wait3A_160 : memref<1x4x128x1024xf32, #tpu.memory_space<hbm>> -> memref<4x128x1024xf32, #tpu.memory_space<hbm>>
    %dma_wait3A_162 = arith.constant 0 : i32
    %dma_wait3A_163 = arith.constant 0 : i32
    %dma_wait3A_164 = tpu.memref_slice %dma_wait3A_161[%dma_wait3A_162, %mul3A_127, %dma_wait3A_163] : memref<4x128x1024xf32, #tpu.memory_space<hbm>> -> memref<4x4x1024xf32, #tpu.memory_space<hbm>>
    %dma_wait3A_165 = arith.constant 0 : i32
    %dma_wait3A_166 = arith.constant 0 : i32
    %dma_wait3A_167 = arith.constant 0 : i32
    %dma_wait3A_168 = tpu.memref_slice %arg4[%dma_wait3A_156, %dma_wait3A_165, %dma_wait3A_166, %dma_wait3A_167] : memref<50x4x128x1024xf32, #tpu.memory_space<hbm>> -> memref<1x4x128x1024xf32, #tpu.memory_space<hbm>>
    %dma_wait3A_169 = tpu.memref_squeeze %dma_wait3A_168 : memref<1x4x128x1024xf32, #tpu.memory_space<hbm>> -> memref<4x128x1024xf32, #tpu.memory_space<hbm>>
    %dma_wait3A_170 = arith.constant 0 : i32
    %dma_wait3A_171 = arith.constant 0 : i32
    %dma_wait3A_172 = tpu.memref_slice %dma_wait3A_169[%dma_wait3A_170, %mul3A_127, %dma_wait3A_171] : memref<4x128x1024xf32, #tpu.memory_space<hbm>> -> memref<4x4x1024xf32, #tpu.memory_space<hbm>>
    tpu.wait_dma2 semaphore(%arg11 : memref<!tpu.dma_semaphore, #tpu.memory_space<semaphore_mem>>) src(%arg9 : memref<4x4x1024xf32, #tpu.memory_space<vmem>>) dst(%dma_wait3A_172 : memref<4x4x1024xf32, #tpu.memory_space<hbm>>)
    return
  }
}

</mosaic_0001>

<sc_bundles>
// kernel: kernel.3.cloned.1.call-start
scs
__scs_entry_jumppad:
0x0: {  	(pc) =	sbr.rel $0x88, $3  }
0x1: {  	(tag) =	ssettag $0x0;
	lr =	simm.s32 $0x1  }
0x2: {  	[smem:$0x3F9F] =	sst lr;
	_ =	strace $0xD0000000  }
0x3: {  	_ = 	snop  }
0x4: {  	_ = 	snop  }
0x5: {  	_ = 	snop  }
0x6: {  	_ = 	snop  }
0x7: {  	_ = 	snop  }
__scs_overlays_trampoline_lowered:
0x8: {  	[smem:$0x3FAE] =	sst s0  }
0x9: {  	[smem:$0x3FAF] =	sst s1  }
0xa: {  	[smem:$0x3FB0] =	sst s2  }
0xb: {  	[smem:$0x3FB1] =	sst s3  }
0xc: {  	[smem:$0x3FB2] =	sst s4  }
0xd: {  	[smem:$0x3FB3] =	sst s5  }
0xe: {  	[smem:$0x3FB4] =	sst s6  }
0xf: {  	[smem:$0x3FB5] =	sst s7  }
0x10: {  	[smem:$0x3FB6] =	sst s8  }
0x11: {  	[smem:$0x3FB7] =	sst s9;
	s0 =	simm.s32 @!p0 $0x0  }
0x12: {  	s1 =	sld [smem:$0x3F9D];
	s0 =	simm.s32 @p0 $0x1  }
0x13: {  	[smem:$0x3FB8] =	sst s0;
	s0 =	simm.s32 @!p1 $0x0  }
0x14: {  	s2 =	sld [smem:$0x3F9C];
	s0 =	simm.s32 @p1 $0x1  }
0x15: {  	[smem:$0x3FB9] =	sst s0;
	s0 =	simm.s32 @!p2 $0x0  }
0x16: {  	s3 =	sld [smem:$0x3FDB];
	s0 =	simm.s32 @p2 $0x1  }
0x17: {  	s4 =	simm.s32 $0x1BF5;
	[smem:$0x3FBB] =	sst s0  }
0x18: {  	s0 =	sld [smem:$0x3F9E];
	_ =	swait.ge [sflag:s4], $0x0  }
0x19: {  	s7 =	sld [smem:$0x3F9F]  }
0x1a: {  	s8 =	sadd.s32 $0xFFFFE003, lr  }
0x1b: {  	s9 =	sadd.s32 $0xFFFFFEF7, lr;
	s5 =	simm.s32 $0xFFFFFFFF;
	p2 =	slt.u32 s8, $0xFFFFF086  }
0x1c: {  	p1 =	slt.u32 s9, $0xF7A;
	s5 =	simm.s32 @!p2 $0x0  }
0x1d: {  	s5 =	simm.s32 @p1 $0x1;
	p0 =	seq.s32 s7, s2  }
0x1e: {  	s7 =	smul.u32 @!p0 $0xF7A, s2;
	p2 =	seq.s32 @!p0 s5, $0x0  }
0x1f: {  	s9 =	smul.u32 $0xF7A, s1;
	s8 =	simm.s32 @!p0 $0x1BF5;
	p2 =	por !p2, p0  }
0x20: {  	[sflag:s8] =	ssyncset.s32 @!p0 $0xFFFFF086;
	s6 =	sadd.s32 @!p0 s3, s7;
	s7 =	simm.s32 @!p0 $0x108  }
0x21: {  	s3 =	sadd.s32 s3, s9;
	s6 =	sadd.s32 @!p0 $0x88, s6;
	s7 =	simm.s32 @p2 $0x1082  }
0x22: {  	[simem:s7], [sflag:s8] =	dma.local @!p0 [hbm:s6], $0xF7A  }
0x23: {  	s9 =	sor.u32 $0xD0000000, s2;
	s6 =	simm.s32 $0x108;
	_ =	swait.ge @!p0 [sflag:s8], $0x0  }
0x24: {  	s3 =	sadd.s32 $0x88, s3;
	s6 =	simm.s32 @!p1 $0x1082;
	[sflag:s4] =	ssyncset.s32 $0xFFFFF086  }
0x25: {  	[simem:s6], [sflag:s4] =	dma.local [hbm:s3], $0xF7A  }
0x26: {  	[smem:$0x3F9F] =	sst s1;
	(tag) =	ssettag s2;
	_ =	strace s9  }
0x27: {  	s1 =	sld [smem:$0x3FAF]  }
0x28: {  	s2 =	sld [smem:$0x3FB0]  }
0x29: {  	s4 =	sld [smem:$0x3FB2]  }
0x2a: {  	p0 =	seq.s32 s5, $0x0;
	s5 =	sld [smem:$0x3FB3]  }
0x2b: {  	s6 =	sld [smem:$0x3FB4]  }
0x2c: {  	s7 =	sld [smem:$0x3FB5]  }
0x2d: {  	s3 =	simm.s32 $0x108;
	s8 =	sld [smem:$0x3FB6]  }
0x2e: {  	s3 =	simm.s32 @!p0 $0x1082;
	s9 =	sld [smem:$0x3FB7]  }
0x2f: {  	lr =	sadd.s32 s0, s3;
	s0 =	sld [smem:$0x3FAE]  }
0x30: {  	s3 =	sld [smem:$0x3FB1]  }
0x31: {  	[smem:$0x3FBA] =	sst s10  }
0x32: {  	s10 =	sld [smem:$0x3FB8];
	_ =	sdelay $0x3  }
0x33: {  	p0 =	seq.s32 s10, $0x1;
	s10 =	sld [smem:$0x3FBA];
	_ =	sdelay $0x3  }
0x34: {  	[smem:$0x3FBA] =	sst s10  }
0x35: {  	s10 =	sld [smem:$0x3FB9];
	_ =	sdelay $0x3  }
0x36: {  	p1 =	seq.s32 s10, $0x1;
	s10 =	sld [smem:$0x3FBA];
	_ =	sdelay $0x3  }
0x37: {  	[smem:$0x3FBA] =	sst s10  }
0x38: {  	s10 =	sld [smem:$0x3FBB]  }
0x39: {  	_ = 	snop;
	(pc) =	sbr.ind lr, $3  }
0x3a: {  	_ = 	snop  }
0x3b: {  	_ = 	snop  }
0x3c: {  	p2 =	seq.s32 s10, $0x1;
	s10 =	sld [smem:$0x3FBA]  }
0x3d: {  	_ =	shalt  }
0x3e: {  	_ =	shalt  }
0x3f: {  	_ =	shalt  }
0x40: {  	_ =	shalt  }
0x41: {  	_ =	shalt  }
0x42: {  	_ =	shalt  }
0x43: {  	_ =	shalt  }
0x44: {  	_ =	shalt  }
0x45: {  	_ =	shalt  }
0x46: {  	_ =	shalt  }
0x47: {  	_ =	shalt  }
0x48: {  	_ =	shalt  }
0x49: {  	_ =	shalt  }
0x4a: {  	_ =	shalt  }
0x4b: {  	_ =	shalt  }
0x4c: {  	_ =	shalt  }
0x4d: {  	_ =	shalt  }
0x4e: {  	_ =	shalt  }
0x4f: {  	_ =	shalt  }
0x50: {  	_ =	shalt  }
0x51: {  	_ =	shalt  }
0x52: {  	_ =	shalt  }
0x53: {  	_ =	shalt  }
0x54: {  	_ =	shalt  }
0x55: {  	_ =	shalt  }
0x56: {  	_ =	shalt  }
0x57: {  	_ =	shalt  }
0x58: {  	_ =	shalt  }
0x59: {  	_ =	shalt  }
0x5a: {  	_ =	shalt  }
0x5b: {  	_ =	shalt  }
0x5c: {  	_ =	shalt  }
0x5d: {  	_ =	shalt  }
0x5e: {  	_ =	shalt  }
0x5f: {  	_ =	shalt  }
0x60: {  	_ =	shalt  }
0x61: {  	_ =	shalt  }
0x62: {  	_ =	shalt  }
0x63: {  	_ =	shalt  }
0x64: {  	_ =	shalt  }
0x65: {  	_ =	shalt  }
0x66: {  	_ =	shalt  }
0x67: {  	_ =	shalt  }
0x68: {  	_ =	shalt  }
0x69: {  	_ =	shalt  }
0x6a: {  	_ =	shalt  }
0x6b: {  	_ =	shalt  }
0x6c: {  	_ =	shalt  }
0x6d: {  	_ =	shalt  }
0x6e: {  	_ =	shalt  }
0x6f: {  	_ =	shalt  }
0x70: {  	_ =	shalt  }
0x71: {  	_ =	shalt  }
0x72: {  	_ =	shalt  }
0x73: {  	_ =	shalt  }
0x74: {  	_ =	shalt  }
0x75: {  	_ =	shalt  }
0x76: {  	_ =	shalt  }
0x77: {  	_ =	shalt  }
0x78: {  	_ =	shalt  }
0x79: {  	_ =	shalt  }
0x7a: {  	_ =	shalt  }
0x7b: {  	_ =	shalt  }
0x7c: {  	_ =	shalt  }
0x7d: {  	_ =	shalt  }
0x7e: {  	_ =	shalt  }
0x7f: {  	_ =	shalt  }
0x80: {  	_ =	shalt  }
0x81: {  	_ =	shalt  }
0x82: {  	_ =	shalt  }
0x83: {  	_ =	shalt  }
0x84: {  	_ =	shalt  }
0x85: {  	_ =	shalt  }
0x86: {  	_ =	shalt  }
0x87: {  	_ =	shalt  }
.Lfunc_end0:
.L_simem_size_0:
called_computation.1_lowered:
.L_overlay_start_0:
0x88: {  	s2 =	sld [smem:$0x3FD9]  }
0x89: {  	s3 =	sld [smem:$0x3FFE];
	_ =	sdelay $0x1  }
0x8a: {  	s1 =	srdreg.scid  }
0x8b: {  	s0 =	sand.u32 $0x1, s1  }
0x8c: {  	s17 =	sshll.u32 s0, $0xA;
	s2 =	sadd.s32 s3, s2  }
0x8d: {  	s2 =	sadd.s32 s2, s17  }
0x8e: {  	[smem:$0x3FC6] =	sst s2  }
0x8f: {  	_ = 	snop  }
0x90: {  	s2 =	sld [smem:$0x3FD0];
	(tm) =	ssettm $0x1  }
0x91: {  	s18 =	sld [smem:$0x3FFB];
	_ =	sdelay $0x3  }
0x92: {  	_ =	strace s18  }
0x93: {  	s3 =	sld [smem:$0x3FFC];
	_ =	sdelay $0x3  }
0x94: {  	_ =	strace s3  }
0x95: {  	s3 =	sld [smem:$0x3FFD];
	_ =	sdelay $0x3  }
0x96: {  	_ =	strace s3  }
0x97: {  	_ =	strace $0x8FFFFFFF  }
0x98: {  	s19 =	sld [smem:$0x3FDB];
	_ =	sdelay $0x1  }
0x99: {  	s4 =	simm.s32 $_scs_section_size  }
0x9a: {  	s5 =	simm.s32 $_size__tile_overlayer_lowered;
	s6 =	simm.s32 $_tile_overlayer_lowered  }
0x9b: {  	s22 =	simm.s32 $0x1BFF;
	s21 =	sshll.u32 s6, $0x1;
	s3 =	sadd.s32 s4, s19  }
0x9c: {  	s7 =	simm.s32 $0x0;
	s20 =	sshll.u32 s5, $0x1;
	s5 =	sadd.s32 s21, s3  }
0x9d: {  	[timem:s7], [sflag:s22] =	dma.local [hbm:s5], s20  }
0x9e: {  	_ =	swait.ge [sflag:s22], s20  }
0x9f: {  	s4 =	ssub.s32 $0x0, s20;
	[sflag:s22] =	ssyncset.done $0x0  }
0xa0: {  	[sflag:s22] =	ssyncadd.s32 s4;
	_ =	sdelay $0x1  }
0xa1: {  	s23 =	simm.s32 $0x1B8B  }
0xa2: {  	_ =	swait.ge [sflag:s23], $0x1  }
0xa3: {  	[sflag:s23] =	ssyncset.done $0x0  }
0xa4: {  	s25 =	simm.s32 $0x1B8E;
	s24 =	sld [smem:$0x3FFE];
	[sflag:s23] =	ssyncadd.s32 $0xFFFFFFFF  }
0xa5: {  	s26 =	simm.s32 $execute0_lowered;
	[smem:$0x3FD2] =	sst s25  }
0xa6: {  	s5 =	sshll.u32 s26, $0x1;
	_ =	strace $0x80000049;
	[dreg:$0x1] =	wrdreg $0xFFFFFFFF  }
0xa7: {  	s28 =	simm.s32 $_size_execute0_lowered;
	s3 =	sadd.s32 s3, s5;
	[dreg:$0x0] =	wrdreg $0x0  }
0xa8: {  	s5 =	sshll.u32 s28, $0x1;
	[dreg:$0x2] =	wrdreg s3  }
0xa9: {  	[dreg:$0x3] =	wrdreg s5  }
0xaa: {  	[dreg:$0x4] =	wrdreg $0xC0  }
0xab: {  	_ =	task [dreg:s7], $0x5FFFF  }
0xac: {  	[dreg:$0x1] =	wrdreg $0xFFFFFFFF  }
0xad: {  	[dreg:$0x0] =	wrdreg $0x60  }
0xae: {  	[dreg:$0x2] =	wrdreg s24  }
0xaf: {  	[dreg:$0x3] =	wrdreg s2  }
0xb0: {  	[dreg:$0x4] =	wrdreg $0x9  }
0xb1: {  	_ =	task.clear_ibuf [dreg:s7], $0x5FFFF;
	_ =	strace $0x90000049  }
0xb2: {  	s29 =	simm.s32 $0x9;
	_ =	strace $0x8000004B  }
0xb3: {  	_ =	swait.ge [sflag:s29], $0x1  }
0xb4: {  	[sflag:s29] =	ssyncadd.s32 $0xFFFFFFFF  }
0xb5: {  	_ =	strace $0x9000004B  }
0xb6: {  	_ =	sfence  }
0xb7: {  	s30 =	sld [smem:$0x0];
	_ =	sdelay $0x2  }
0xb8: {  	s31 =	sshll.u32 s1, $0xD;
	s1 =	sshrl.u32 s1, $0x2  }
0xb9: {  	s3 =	sand.u32 $0x4000, s31;
	s1 =	sadd.s32 s1, s30  }
0xba: {  	s0 =	sor.u32 s3, s0;
	s1 =	sshll.u32 s1, $0x11  }
0xbb: {  	s0 =	sor.u32 s1, s0  }
0xbc: {  	s0 =	sadd.s32 $0x8F2B, s0  }
0xbd: {  	[sflag:s0] =	ssyncadd.remote.s32 $0x1  }
0xbe: {  	_ =	sfence.sel $0xFFFF  }
0xbf: {  	[dreg:$0x0] =	wrdreg $0xFFFFFFFF;
	(pc) =	sbr.abs _section_cstart, $3  }
0xc0: {  	[dreg:$0x1] =	wrdreg $0xFFFFFFFF  }
0xc1: {  	_ =	task.clear_ibuf [dreg:s7], $0x2FFFF;
	_ =	strace $0x9FFFFFFF  }
0xc2: {  	(tm) =	ssettm $0x7FFFFFFF  }
0xc3: {  	_ =	shalt  }
tec
execute0_lowered:
.L_overlay_start_1:
0x0: {  	(tag) =	ssettag $0x1  }
0x1: {  	v0 =	vlaneseq.u32;
	v4 =	vimm.s32 $0x380  }
0x2: {  	vm10 =	vcmask $0x300;
	vm11 =	vcmask $0x704;
	v5 =	vimm.s32 $0x87654321  }
0x3: {  	vm12 =	vcmask $0xB08;
	vm13 =	vcmask $0xF0C;
	vm7 =	vcmask $0x1310  }
0x4: {  	vm8 =	vcmask $0x1714;
	vm9 =	vcmask $0x1B18;
	vm6 =	vcmask $0x2320  }
0x5: {  	vm5 =	vcmask $0x2724;
	vm4 =	vcmask $0x2B28;
	vm2 =	vcmask $0x2F2C  }
0x6: {  	vm1 =	vcmask $0x3330;
	vm0 =	vcmask $0x3734;
	v7 =	vimm.s32 $0x98765432  }
0x7: {  	vm3 =	vcmask $0x3B38;
	v8 =	vimm.s32 $0x210FEDCB;
	v9 =	vimm.s32 $0xA9876543  }
0x8: {  	v11 =	vimm.s32 $0xBA987654;
	v14 =	vimm.s32 $0xCBA98765;
	v15 =	vimm.s32 $0xDCBA9876  }
0x9: {  	v17 =	vimm.s32 $0x6543210F;
	v1 =	vshrl.u32 v0, $0x3;
	v2 =	vand.u32 $0x7, v0  }
0xa: {  	v18 =	vimm.s32 $0xEDCBA987;
	v6 =	vmul.u32 $0x1000, v1;
	v1 =	vmul.u32 $0x81, v2  }
0xb: {  	v4 =	vsel vm10, $0x1, v4;
	v5 =	vunpack.c.l.s4.s8 v5;
	v7 =	vunpack.c.l.s4.s8 v7  }
0xc: {  	v8 =	vunpack.c.l.s4.s8 v8;
	v9 =	vunpack.c.l.s4.s8 v9;
	[tilespmem:$0x1FEC0] =	vst v1;
	v1 =	vimm.s32 $0xFEDCBA9  }
0xd: {  	v11 =	vunpack.c.l.s4.s8 v11;
	v15 =	vunpack.c.l.s4.s8 v15;
	v1 =	vunpack.c.l.s4.s8 v1  }
0xe: {  	v17 =	vunpack.c.l.s4.s8 v17;
	v18 =	vunpack.c.l.s4.s8 v18;
	v4 =	vsel vm11, $0x82, v4  }
0xf: {  	v4 =	vsel vm12, $0x103, v4;
	v20 =	vunpack.c.0.s8.s32 v5;
	v19 =	vunpack.c.0.s8.s32 v1  }
0x10: {  	v5 =	vimm.s32 $0x381;
	v1 =	vsel vm13, $0x184, v4;
	v4 =	vor.u32 $0x2000, v6  }
0x11: {  	v5 =	vsel vm10, $0x2, v5;
	v1 =	vsel vm7, $0x205, v1;
	[tilespmem:$0x1FEE0] =	vst v4;
	v4 =	vcombine.low v20, v19  }
0x12: {  	v35 =	vunpack.c.0.s8.s32 v7;
	v5 =	vsel vm11, $0x83, v5;
	v1 =	vsel vm8, $0x286, v1  }
0x13: {  	[tilespmem:$0x1FED0] =	vst v6;
	v6 =	vsel vm12, $0x104, v5;
	v1 =	vsel vm9, $0x307, v1;
	v4 =	vand.u32 $0xF, v4  }
0x14: {  	v7 =	vimm.s32 $0x382;
	v1 =	vsel vm6, $0x1, v1;
	[tilespmem:$0x1FEF0] =	vst v4;
	v4 =	vsel vm13, $0x185, v6  }
0x15: {  	v23 =	vunpack.c.0.s8.s32 v8;
	v1 =	vsel vm5, $0x82, v1;
	v4 =	vsel vm7, $0x206, v4  }
0x16: {  	v6 =	vimm.s32 $0x10FEDCBA;
	v1 =	vsel vm4, $0x103, v1;
	v4 =	vsel vm8, $0x287, v4  }
0x17: {  	v6 =	vunpack.c.l.s4.s8 v6;
	v1 =	vsel vm2, $0x184, v1;
	v4 =	vsel vm9, $0x300, v4  }
0x18: {  	v24 =	vunpack.c.0.s8.s32 v9;
	v1 =	vsel vm1, $0x205, v1;
	v4 =	vsel vm6, $0x2, v4  }
0x19: {  	v21 =	vunpack.c.0.s8.s32 v6;
	v1 =	vsel vm0, $0x286, v1;
	v4 =	vsel vm5, $0x83, v4  }
0x1a: {  	v6 =	vsel vm3, $0x307, v1;
	v1 =	vsel vm4, $0x104, v4;
	v4 =	vsel vm10, $0x3, v7  }
0x1b: {  	v8 =	vimm.s32 $0x383;
	v26 =	vunpack.c.0.s8.s32 v11;
	v4 =	vsel vm11, $0x84, v4  }
0x1c: {  	v29 =	vunpack.c.0.s8.s32 v15;
	v30 =	vunpack.c.0.s8.s32 v17;
	v4 =	vsel vm12, $0x105, v4  }
0x1d: {  	v31 =	vunpack.c.0.s8.s32 v18;
	v17 =	vimm.s32 $0xFEDCBA98;
	v4 =	vsel vm13, $0x186, v4  }
0x1e: {  	v18 =	vimm.s32 $0x76543210;
	v10 =	vsel vm10, $0x4, v8;
	v4 =	vsel vm7, $0x207, v4  }
0x1f: {  	v17 =	vunpack.c.l.s4.s8 v17;
	v1 =	vsel vm2, $0x185, v1;
	v4 =	vsel vm8, $0x280, v4  }
0x20: {  	v18 =	vunpack.c.l.s4.s8 v18;
	v1 =	vsel vm1, $0x206, v1;
	v4 =	vsel vm9, $0x301, v4  }
0x21: {  	v9 =	vcombine.low v24, v23;
	v1 =	vsel vm0, $0x287, v1;
	v4 =	vsel vm6, $0x3, v4  }
0x22: {  	v39 =	vsel vm3, $0x300, v1;
	v1 =	vsel vm5, $0x84, v4;
	v4 =	vsel vm11, $0x85, v10  }
0x23: {  	v32 =	vcombine.low v31, v30;
	v8 =	vcombine.low v23, v24;
	v4 =	vsel vm12, $0x106, v4  }
0x24: {  	v34 =	vunpack.c.0.s8.s32 v17;
	v10 =	vimm.s32 $0x3210FEDC;
	v4 =	vsel vm13, $0x187, v4  }
0x25: {  	v18 =	vunpack.c.0.s8.s32 v18;
	v10 =	vunpack.c.l.s4.s8 v10;
	v4 =	vsel vm7, $0x200, v4  }
0x26: {  	v7 =	vcombine.low v35, v21;
	v1 =	vsel vm4, $0x105, v1;
	v4 =	vsel vm8, $0x281, v4  }
0x27: {  	v25 =	vunpack.c.0.s8.s32 v10;
	v10 =	vimm.s32 $0x384;
	v4 =	vsel vm9, $0x302, v4  }
0x28: {  	v1 =	vsel vm2, $0x186, v1;
	v10 =	vsel vm10, $0x5, v10;
	v4 =	vsel vm6, $0x4, v4  }
0x29: {  	v1 =	vsel vm1, $0x207, v1;
	v10 =	vsel vm11, $0x86, v10;
	v4 =	vsel vm5, $0x85, v4  }
0x2a: {  	v1 =	vsel vm0, $0x280, v1;
	v12 =	vsel vm12, $0x107, v10;
	v4 =	vsel vm4, $0x106, v4  }
0x2b: {  	v40 =	vsel vm3, $0x301, v1;
	v1 =	vsel vm2, $0x187, v4;
	v4 =	vsel vm13, $0x180, v12  }
0x2c: {  	v5 =	vand.u32 $0xF, v7;
	v12 =	vimm.s32 $0x43210FED;
	v4 =	vsel vm7, $0x201, v4  }
0x2d: {  	v1 =	vsel vm1, $0x200, v1;
	v13 =	vunpack.c.l.s4.s8 v12;
	v4 =	vsel vm8, $0x282, v4  }
0x2e: {  	v11 =	vcombine.low v26, v25;
	v1 =	vsel vm0, $0x281, v1;
	v4 =	vsel vm9, $0x303, v4  }
0x2f: {  	v12 =	vsel vm3, $0x302, v1;
	v27 =	vunpack.c.0.s8.s32 v13;
	v13 =	vimm.s32 $0x385  }
0x30: {  	v1 =	vunpack.c.l.s4.s8 v14;
	v14 =	vimm.s32 $0x543210FE;
	v13 =	vsel vm10, $0x6, v13  }
0x31: {  	v4 =	vsel vm6, $0x5, v4;
	v14 =	vunpack.c.l.s4.s8 v14;
	v13 =	vsel vm11, $0x87, v13  }
0x32: {  	v4 =	vsel vm5, $0x86, v4;
	v1 =	vunpack.c.0.s8.s32 v1;
	v13 =	vsel vm12, $0x100, v13  }
0x33: {  	v4 =	vsel vm4, $0x107, v4;
	v28 =	vunpack.c.0.s8.s32 v14;
	v13 =	vsel vm13, $0x181, v13  }
0x34: {  	v16 =	vcombine.low v1, v27;
	v4 =	vsel vm2, $0x180, v4;
	v14 =	vsel vm7, $0x202, v13  }
0x35: {  	[tilespmem:$0x1FF00] =	vst v5;
	v5 =	vand.u32 $0xF, v11;
	v4 =	vsel vm1, $0x201, v4;
	v14 =	vsel vm8, $0x283, v14  }
0x36: {  	[tilespmem:$0x1FF10] =	vst v5;
	v5 =	vand.u32 $0xF, v16;
	v4 =	vsel vm0, $0x282, v4;
	v16 =	vsel vm9, $0x304, v14  }
0x37: {  	v10 =	vsel vm3, $0x303, v4;
	v4 =	vsel vm6, $0x6, v16;
	v16 =	vimm.s32 $0x386  }
0x38: {  	v2 =	vand.u32 $0xF, v9;
	v21 =	vcombine.low v21, v35;
	v16 =	vsel vm10, $0x7, v16  }
0x39: {  	s4 =	rddreg [dreg:$0x0];
	v1 =	vcombine.low v27, v1;
	v15 =	vcombine.low v29, v28;
	v16 =	vsel vm11, $0x80, v16  }
0x3a: {  	s1 =	rddreg [dreg:$0x1];
	s3 =	simm.s32 $0x0;
	v57 =	vand.u32 $0xF, v34;
	v7 =	vand.u32 $0xF, v32;
	v16 =	vsel vm12, $0x101, v16  }
0x3b: {  	[smem:$0x7FF] =	sst s3;
	[tilespmem:$0x1FF20] =	vst v5;
	v5 =	vand.u32 $0xF, v15;
	v15 =	vand.u32 $0xF, v1;
	v16 =	vsel vm13, $0x182, v16  }
0x3c: {  	s0 =	rddreg [dreg:$0x2];
	v61 =	vand.u32 $0xF, v21;
	_ =	strace $0x8000004A;
	[tilespmem:$0x1FF30] =	vst v15;
	v4 =	vsel vm5, $0x87, v4;
	v16 =	vsel vm7, $0x203, v16  }
0x3d: {  	v21 =	vmovc v6;
	v6 =	vand.u32 $0xF, v8;
	[tilespmem:$0x1FF40] =	vst v7;
	v4 =	vsel vm4, $0x100, v4;
	v16 =	vsel vm8, $0x284, v16  }
0x3e: {  	v20 =	vcombine.low v19, v20;
	[tilespmem:$0x1FF50] =	vst v6;
	v4 =	vsel vm2, $0x181, v4;
	v16 =	vsel vm9, $0x305, v16  }
0x3f: {  	v9 =	vcombine.low v57, v18;
	[tilespmem:$0x1FF70] =	vst v39;
	v4 =	vsel vm1, $0x202, v4;
	v16 =	vsel vm6, $0x7, v16  }
0x40: {  	s5 =	srdreg.scid;
	s2 =	stileid.u32;
	v11 =	vand.u32 $0xF, v20;
	[tilespmem:$0x1FF80] =	vst v61;
	v4 =	vsel vm0, $0x283, v4;
	v33 =	vsel vm5, $0x80, v16  }
0x41: {  	s9 =	simm.s32 $0x4000;
	s10 =	simm.s32 $0x3;
	s11 =	simm.s32 $0x6400;
	v58 =	vcombine.low v28, v29;
	[tilespmem:$0x1FF90] =	vst v9;
	v22 =	vsel vm3, $0x304, v4;
	v4 =	vsel vm4, $0x101, v33  }
0x42: {  	s12 =	simm.s32 $0xA400;
	s13 =	simm.s32 $0x1;
	s14 =	simm.s32 $0xE400;
	v59 =	vcombine.low v30, v31;
	[tilespmem:$0x1FFA0] =	vst v11;
	v4 =	vsel vm2, $0x182, v4  }
0x43: {  	s15 =	simm.s32 $0x1000;
	s16 =	simm.s32 $0x20000;
	s17 =	simm.s32 $0x2;
	v14 =	vand.u32 $0xF, v58;
	[tilespmem:$0x1FFB0] =	vst v10;
	v4 =	vsel vm1, $0x203, v4  }
0x44: {  	s18 =	simm.s32 $0x12400;
	s5 =	sand.u32 $0x1, s5;
	s6 =	sshll.u32 s2, $0x1;
	v38 =	vand.u32 $0xF, v59;
	[tilespmem:$0x1FFC0] =	vst v14;
	v4 =	vsel vm0, $0x284, v4  }
0x45: {  	s19 =	simm.s32 $0x0;
	s6 =	sor.u32 s5, s6;
	s5 =	ssub.s32 $0x2, s5;
	[tilespmem:$0x1FFE0] =	vst v38;
	v19 =	vsel vm3, $0x305, v4;
	v4 =	vcombine.low v25, v26  }
0x46: {  	s7 =	sshll.u32 s6, $0x6;
	s8 =	sshrl.u32 s5, $0x1;
	s6 =	sshll.u32 s6, $0x9;
	[tilespmem:$0x1FFF0] =	vst v2  }
0x47: {  	s7 =	sadd.s32 s7, s4;
	s4 =	sadd.s32 $0xF5BE00, s4;
	s8 =	ssub.s32 s5, s8;
	[tilespmem:$0x1FFD0] =	vst v19;
	v8 =	vand.u32 $0xF, v4  }
0x48: {  	v3 =	vor.u32 $0x10, v0;
	s5 =	sadd.s32 $0xF42E00, s7;
	s7 =	smax.u32 s8, $0x1;
	s8 =	simm.s32 $0x200;
	v18 =	vmov v2;
	[tilespmem:$0x1FF60] =	vst v8  }
.LBB2_1:
0x49: {  	[tilespmem:s3], [sflag:$0x3] =	stream.strided.gather [hbm4b:s5+s8], $0x6400, s9, s8, $0x38;
	[tilespmem:$0x16400] =	vst v63  }
0x4a: {  	_ =	swait.ge [sflag:s10], $0x6400  }
0x4b: {  	[sflag:s10] =	ssyncset.done $0x0  }
0x4c: {  	s20 =	simm.s32 $0x0;
	s21 =	simm.s32 $0x0;
	[sflag:s10] =	ssyncadd.s32 $0xFFFF9C00  }
.LBB2_2:
0x4d: {  	v1 =	vmov s20;
	_ =	sdelay $0x3  }
0x4e: {  	s22 =	simm.s32 $0x0  }
0x4f: {  	s23 =	simm.s32 $0x40;
	v4 =	vld.idx.msk [tilespmem:v1+s22+$0x0 ss:$0x1], $0xffff  }
.LBB2_3:
0x50: {  	p0 =	sne.s32 s23, $0x7C0  }
.Ltmp0:
0x51: {  	_ = 	snop;
	(pc) =	sbr.rel @p0 .LBB2_3-.Ltmp0, $4  }
0x52: {  	_ = 	snop  }
0x53: {  	s24 =	sshra.s32 s23, $0x2;
	s23 =	sadd.s32 $0x40, s23  }
0x54: {  	v27 =	vshll.u32 v4, $0x2;
	v4 =	vld.idx.msk [tilespmem:v1+s24+$0x0 ss:$0x1], $0xffff  }
0x55: {  	[tilespmem:v1+s22+$0x0 ss:$0x1] =	vst.idx.msk $0xffff, v27;
	s22 =	smov.u32 s24  }
0x56: {  	s21 =	sadd.s32 $0x1, s21  }
0x57: {  	p0 =	sne.s32 s21, $0x32  }
.Ltmp1:
0x58: {  	_ = 	snop;
	(pc) =	sbr.rel @p0 .LBB2_2-.Ltmp1, $3  }
0x59: {  	_ =	sdelay $0x1  }
0x5a: {  	v4 =	vshll.u32 v4, $0x2  }
0x5b: {  	s20 =	sadd.s32 $0x200, s20;
	[tilespmem:v1+s22+$0x0 ss:$0x1] =	vst.idx.msk $0xffff, v4  }
0x5c: {  	s20 =	simm.s32 $0x0;
	s21 =	simm.s32 $0x0  }
0x5d: {  	[tilespmem:s11], [sflag:$0x1] =	stream.indirect.gather [hbm4b:s4+s8], $0x20, s20, s8, $0xb8;
	[tilespmem:$0x16400] =	vst v63  }
.LBB2_6:
0x5e: {  	s22 =	sshllo.u32 s21, $0x1  }
0x5f: {  	s23 =	sshll.u32 s22, $0x9  }
0x60: {  	s23 =	sand.u32 $0x3FFFFE00, s23  }
0x61: {  	[tilespmem:s12], [sflag:$0x1] =	stream.indirect.gather [hbm4b:s4+s8], $0x20, s23, s8, $0xb8;
	[tilespmem:$0x16400] =	vst v63  }
0x62: {  	_ =	swait.ge [sflag:s13], $0x4000  }
0x63: {  	p0 =	seq.s32 s21, $0x0;
	[sflag:s13] =	ssyncset.done $0x0  }
0x64: {  	s23 =	simm.s32 @!p0 $0x2;
	[sflag:s13] =	ssyncadd.s32 $0xFFFFC000  }
0x65: {  	_ =	swait.ge @!p0 [sflag:s23], $0x4000  }
0x66: {  	v1 =	vor.u32 s20, v0;
	v2 =	vld [tilespmem:$0x1FEC0]  }
0x67: {  	v4 =	vshll.u32 v1, $0x5;
	v17 =	vld [tilespmem:$0x1FED0]  }
0x68: {  	v27 =	vor.u32 v0, v4  }
0x69: {  	v28 =	vmov s20  }
0x6a: {  	v28 =	vshll.u32 v28, $0x3  }
0x6b: {  	v1 =	vand.u32 $0x78, v1;
	v28 =	vand.u32 $0xC00, v28;
	[sflag:s23] =	ssyncset.done @!p0 $0x0;
	v25 =	vld [tilespmem:$0x1FEE0]  }
0x6c: {  	v23 =	vld [tilespmem:$0x1FEF0];
	[sflag:s23] =	ssyncadd.s32 @!p0 $0xFFFFC000;
	v1 =	vor.u32 v2, v1;
	v14 =	vor.u32 v17, v28  }
0x6d: {  	v27 =	vld.idx.msk [tilespmem:v27+s11+$0x0], $0xffff;
	v29 =	vor.u32 v14, v1  }
0x6e: {  	v4 =	vor.u32 v3, v4;
	_ =	sdelay $0x3  }
0x6f: {  	v16 =	vor.u32 v25, v28;
	v28 =	vor.u32 s20, v23;
	[tilespmem:v29+s14+$0x0] =	vst.idx.msk $0xffff, v27  }
0x70: {  	v1 =	vor.u32 v16, v1;
	v27 =	vshll.u32 v28, $0x5;
	v4 =	vld.idx.msk [tilespmem:v4+s11+$0x0], $0xffff  }
0x71: {  	v29 =	vor.u32 v0, v27;
	_ =	sdelay $0x3  }
0x72: {  	v28 =	vand.u32 $0x78, v28;
	[tilespmem:v1+s14+$0x0] =	vst.idx.msk $0xffff, v4  }
0x73: {  	v28 =	vor.u32 v21, v28;
	v4 =	vld.idx.msk [tilespmem:v29+s11+$0x0], $0xffff  }
0x74: {  	v1 =	vor.u32 v14, v28;
	v13 =	vld [tilespmem:$0x1FF00]  }
0x75: {  	v27 =	vor.u32 v3, v27;
	_ =	sdelay $0x3  }
0x76: {  	v29 =	vor.u32 s20, v13;
	[tilespmem:v1+s14+$0x0] =	vst.idx.msk $0xffff, v4  }
0x77: {  	v1 =	vor.u32 v16, v28;
	v4 =	vshll.u32 v29, $0x5;
	v27 =	vld.idx.msk [tilespmem:v27+s11+$0x0], $0xffff  }
0x78: {  	v28 =	vor.u32 v0, v4;
	_ =	sdelay $0x2  }
0x79: {  	v29 =	vand.u32 $0x78, v29  }
0x7a: {  	v29 =	vor.u32 v39, v29;
	[tilespmem:v1+s14+$0x0] =	vst.idx.msk $0xffff, v27  }
0x7b: {  	v1 =	vor.u32 v14, v29;
	v27 =	vld.idx.msk [tilespmem:v28+s11+$0x0], $0xffff  }
0x7c: {  	v4 =	vor.u32 v3, v4;
	_ =	sdelay $0x3  }
0x7d: {  	[tilespmem:v1+s14+$0x0] =	vst.idx.msk $0xffff, v27  }
0x7e: {  	v28 =	vor.u32 s20, v18;
	v1 =	vor.u32 v16, v29;
	v4 =	vld.idx.msk [tilespmem:v4+s11+$0x0], $0xffff  }
0x7f: {  	s23 =	simm.s32 $0x10;
	v27 =	vshll.u32 v28, $0x5  }
0x80: {  	v30 =	vor.u32 s23, v0;
	v29 =	vor.u32 v0, v27  }
0x81: {  	v31 =	vshll.u32 v30, $0x5  }
0x82: {  	v33 =	vor.u32 v0, v31  }
0x83: {  	[tilespmem:v1+s14+$0x0] =	vst.idx.msk $0xffff, v4;
	v1 =	vmov s23  }
0x84: {  	v28 =	vand.u32 $0x78, v28;
	v1 =	vshll.u32 v1, $0x3  }
0x85: {  	v32 =	vor.u32 v40, v28;
	v28 =	vand.u32 $0x78, v30;
	v29 =	vld.idx.msk [tilespmem:v29+s11+$0x0], $0xffff;
	v1 =	vand.u32 $0xC00, v1  }
0x86: {  	v30 =	vor.u32 v2, v28;
	v4 =	vor.u32 v14, v32;
	v26 =	vld [tilespmem:$0x1FF10];
	v28 =	vor.u32 v17, v1  }
0x87: {  	v33 =	vld.idx.msk [tilespmem:v33+s11+$0x0], $0xffff;
	v27 =	vor.u32 v3, v27;
	v34 =	vor.u32 v28, v30  }
0x88: {  	v31 =	vor.u32 v3, v31;
	_ =	sdelay $0x2  }
0x89: {  	v35 =	vor.u32 s20, v26;
	[tilespmem:v4+s14+$0x0] =	vst.idx.msk $0xffff, v29;
	v4 =	vor.u32 v16, v32  }
0x8a: {  	v29 =	vshll.u32 v35, $0x5;
	v63 =	vld.idx.msk [tilespmem:v27+s11+$0x0], $0xffff;
	v27 =	vor.u32 v25, v1;
	[tilespmem:v34+s14+$0x0] =	vst.idx.msk $0xffff, v33  }
0x8b: {  	v36 =	vor.u32 v0, v29;
	v30 =	vor.u32 v27, v30;
	v31 =	vld.idx.msk [tilespmem:v31+s11+$0x0], $0xffff;
	_ =	sdelay $0x1  }
0x8c: {  	v1 =	vor.u32 s23, v23  }
0x8d: {  	v38 =	vshll.u32 v1, $0x5  }
0x8e: {  	v37 =	vand.u32 $0x78, v35;
	v41 =	vor.u32 v0, v38;
	[tilespmem:v4+s14+$0x0] =	vst.idx.msk $0xffff, v63  }
0x8f: {  	v33 =	vor.u32 v12, v37;
	v32 =	vld.idx.msk [tilespmem:v36+s11+$0x0], $0xffff;
	[tilespmem:v30+s14+$0x0] =	vst.idx.msk $0xffff, v31  }
0x90: {  	v4 =	vor.u32 v14, v33;
	v20 =	vld [tilespmem:$0x1FF20]  }
0x91: {  	v29 =	vor.u32 v3, v29;
	v1 =	vand.u32 $0x78, v1  }
0x92: {  	v1 =	vor.u32 v21, v1  }
0x93: {  	v30 =	vor.u32 v28, v1;
	v31 =	vld.idx.msk [tilespmem:v41+s11+$0x0], $0xffff  }
0x94: {  	v34 =	vor.u32 v3, v38  }
0x95: {  	[tilespmem:v4+s14+$0x0] =	vst.idx.msk $0xffff, v32;
	v42 =	vor.u32 s20, v20  }
0x96: {  	v4 =	vor.u32 v16, v33;
	v29 =	vld.idx.msk [tilespmem:v29+s11+$0x0], $0xffff;
	v43 =	vshll.u32 v42, $0x5  }
0x97: {  	v44 =	vor.u32 v0, v43  }
0x98: {  	v45 =	vor.u32 s23, v13;
	[tilespmem:v30+s14+$0x0] =	vst.idx.msk $0xffff, v31  }
0x99: {  	v1 =	vor.u32 v27, v1;
	v31 =	vshll.u32 v45, $0x5;
	v34 =	vld.idx.msk [tilespmem:v34+s11+$0x0], $0xffff  }
0x9a: {  	v30 =	vand.u32 $0x78, v42;
	v46 =	vor.u32 v0, v31  }
0x9b: {  	v30 =	vor.u32 v10, v30;
	[tilespmem:v4+s14+$0x0] =	vst.idx.msk $0xffff, v29  }
0x9c: {  	v4 =	vor.u32 v14, v30;
	v29 =	vld.idx.msk [tilespmem:v44+s11+$0x0], $0xffff  }
0x9d: {  	v47 =	vand.u32 $0x78, v45;
	v32 =	vor.u32 v3, v43  }
0x9e: {  	v33 =	vor.u32 v39, v47;
	[tilespmem:v1+s14+$0x0] =	vst.idx.msk $0xffff, v34  }
0x9f: {  	v1 =	vor.u32 v28, v33;
	v34 =	vld.idx.msk [tilespmem:v46+s11+$0x0], $0xffff  }
0xa0: {  	v31 =	vor.u32 v3, v31  }
0xa1: {  	v48 =	vor.u32 s20, v5;
	[tilespmem:v4+s14+$0x0] =	vst.idx.msk $0xffff, v29  }
0xa2: {  	v4 =	vor.u32 v16, v30;
	v29 =	vshll.u32 v48, $0x5;
	v30 =	vld.idx.msk [tilespmem:v32+s11+$0x0], $0xffff  }
0xa3: {  	v49 =	vor.u32 v0, v29  }
0xa4: {  	v50 =	vor.u32 s23, v18;
	[tilespmem:v1+s14+$0x0] =	vst.idx.msk $0xffff, v34  }
0xa5: {  	v52 =	vshll.u32 v50, $0x5;
	v1 =	vor.u32 v27, v33;
	v31 =	vld.idx.msk [tilespmem:v31+s11+$0x0], $0xffff  }
0xa6: {  	v51 =	vand.u32 $0x78, v48;
	v53 =	vor.u32 v0, v52  }
0xa7: {  	s24 =	simm.s32 $0x20;
	v33 =	vor.u32 v22, v51;
	[tilespmem:v4+s14+$0x0] =	vst.idx.msk $0xffff, v30  }
0xa8: {  	v4 =	vor.u32 v14, v33;
	v30 =	vor.u32 s24, v0;
	v32 =	vld.idx.msk [tilespmem:v49+s11+$0x0], $0xffff  }
0xa9: {  	v36 =	vand.u32 $0x78, v50;
	v29 =	vor.u32 v3, v29;
	v37 =	vshll.u32 v30, $0x5  }
0xaa: {  	v36 =	vor.u32 v40, v36;
	[tilespmem:v1+s14+$0x0] =	vst.idx.msk $0xffff, v31;
	v38 =	vor.u32 v0, v37  }
0xab: {  	v41 =	vmov s24;
	v31 =	vor.u32 v28, v36;
	v35 =	vld.idx.msk [tilespmem:v53+s11+$0x0], $0xffff  }
0xac: {  	v54 =	vor.u32 s20, v7;
	v34 =	vor.u32 v3, v52;
	v1 =	vshll.u32 v41, $0x3  }
0xad: {  	v55 =	vshll.u32 v54, $0x5;
	v30 =	vand.u32 $0x78, v30;
	v1 =	vand.u32 $0xC00, v1;
	[tilespmem:v4+s14+$0x0] =	vst.idx.msk $0xffff, v32  }
0xae: {  	v33 =	vor.u32 v16, v33;
	v4 =	vor.u32 v2, v30;
	v30 =	vor.u32 v17, v1;
	v42 =	vld.idx.msk [tilespmem:v29+s11+$0x0], $0xffff  }
0xaf: {  	v44 =	vor.u32 v0, v55;
	v43 =	vor.u32 v30, v4;
	v38 =	vld.idx.msk [tilespmem:v38+s11+$0x0], $0xffff  }
0xb0: {  	v45 =	vor.u32 s23, v26;
	v37 =	vor.u32 v3, v37;
	[tilespmem:v31+s14+$0x0] =	vst.idx.msk $0xffff, v35  }
0xb1: {  	v36 =	vor.u32 v27, v36;
	v31 =	vshll.u32 v45, $0x5;
	v34 =	vld.idx.msk [tilespmem:v34+s11+$0x0], $0xffff  }
0xb2: {  	v29 =	vor.u32 v25, v1;
	v1 =	vand.u32 $0x78, v54;
	v56 =	vor.u32 v0, v31  }
0xb3: {  	v58 =	vor.u32 s24, v23;
	v1 =	vor.u32 v19, v1;
	[tilespmem:v33+s14+$0x0] =	vst.idx.msk $0xffff, v42  }
0xb4: {  	v60 =	vshll.u32 v58, $0x5;
	v57 =	vor.u32 v14, v1;
	[tilespmem:v43+s14+$0x0] =	vst.idx.msk $0xffff, v38;
	v59 =	vld.idx.msk [tilespmem:v44+s11+$0x0], $0xffff  }
0xb5: {  	v62 =	vand.u32 $0x78, v45;
	v32 =	vor.u32 v3, v55;
	v4 =	vor.u32 v29, v4;
	v37 =	vld.idx.msk [tilespmem:v37+s11+$0x0], $0xffff  }
0xb6: {  	v63 =	vor.u32 v0, v60;
	v43 =	vor.u32 v12, v62;
	[tilespmem:v36+s14+$0x0] =	vst.idx.msk $0xffff, v34  }
0xb7: {  	v48 =	vor.u32 v28, v43;
	v35 =	vld.idx.msk [tilespmem:v56+s11+$0x0], $0xffff  }
0xb8: {  	v50 =	vor.u32 s20, v9;
	v31 =	vor.u32 v3, v31  }
0xb9: {  	v52 =	vshll.u32 v50, $0x5;
	v49 =	vand.u32 $0x78, v58;
	[tilespmem:v57+s14+$0x0] =	vst.idx.msk $0xffff, v59  }
0xba: {  	v51 =	vor.u32 v21, v49;
	v1 =	vor.u32 v16, v1;
	[tilespmem:v4+s14+$0x0] =	vst.idx.msk $0xffff, v37;
	v4 =	vld.idx.msk [tilespmem:v32+s11+$0x0], $0xffff  }
0xbb: {  	v53 =	vor.u32 v30, v51;
	v54 =	vor.u32 v0, v52;
	v55 =	vld.idx.msk [tilespmem:v63+s11+$0x0], $0xffff  }
0xbc: {  	v56 =	vor.u32 v3, v60;
	v57 =	vor.u32 s23, v20;
	[tilespmem:v48+s14+$0x0] =	vst.idx.msk $0xffff, v35  }
0xbd: {  	v32 =	vor.u32 v27, v43;
	v42 =	vshll.u32 v57, $0x5;
	v31 =	vld.idx.msk [tilespmem:v31+s11+$0x0], $0xffff  }
0xbe: {  	v41 =	vand.u32 $0x78, v50;
	v36 =	vor.u32 v3, v52;
	v60 =	vor.u32 v0, v42  }
0xbf: {  	v44 =	vor.u32 v29, v51;
	v59 =	vor.u32 v2, v41;
	[tilespmem:v1+s14+$0x0] =	vst.idx.msk $0xffff, v4  }
0xc0: {  	v1 =	vor.u32 v14, v59;
	v4 =	vor.u32 s24, v13;
	[tilespmem:v53+s14+$0x0] =	vst.idx.msk $0xffff, v55;
	v63 =	vld.idx.msk [tilespmem:v54+s11+$0x0], $0xffff  }
0xc1: {  	v58 =	vand.u32 $0x78, v57;
	v52 =	vand.u32 $0x78, v4;
	v4 =	vshll.u32 v4, $0x5;
	v43 =	vld.idx.msk [tilespmem:v56+s11+$0x0], $0xffff  }
0xc2: {  	v62 =	vor.u32 v10, v58;
	[tilespmem:v32+s14+$0x0] =	vst.idx.msk $0xffff, v31;
	v47 =	vor.u32 v0, v4  }
0xc3: {  	v50 =	vor.u32 s24, v18;
	v45 =	vor.u32 v28, v62;
	v35 =	vld.idx.msk [tilespmem:v60+s11+$0x0], $0xffff  }
0xc4: {  	v51 =	vand.u32 $0x78, v50;
	v31 =	vor.u32 v3, v42  }
0xc5: {  	v51 =	vor.u32 v40, v51;
	v46 =	vor.u32 v16, v59;
	v54 =	vor.u32 s20, v11;
	[tilespmem:v1+s14+$0x0] =	vst.idx.msk $0xffff, v63  }
0xc6: {  	v57 =	vor.u32 s23, v5;
	v53 =	vor.u32 v39, v52;
	v56 =	vshll.u32 v54, $0x5;
	[tilespmem:v44+s14+$0x0] =	vst.idx.msk $0xffff, v43;
	v36 =	vld.idx.msk [tilespmem:v36+s11+$0x0], $0xffff  }
0xc7: {  	v37 =	vshll.u32 v57, $0x5;
	v38 =	vor.u32 v30, v53;
	v49 =	vor.u32 v0, v56;
	v58 =	vld.idx.msk [tilespmem:v47+s11+$0x0], $0xffff  }
0xc8: {  	s25 =	simm.s32 $0x30;
	v41 =	vor.u32 v27, v62;
	v59 =	vand.u32 $0x78, v57;
	v4 =	vor.u32 v3, v4;
	[tilespmem:v45+s14+$0x0] =	vst.idx.msk $0xffff, v35  }
0xc9: {  	v57 =	vor.u32 s25, v0;
	v60 =	vor.u32 v0, v37;
	v55 =	vand.u32 $0x78, v54;
	v31 =	vld.idx.msk [tilespmem:v31+s11+$0x0], $0xffff  }
0xca: {  	v54 =	vshll.u32 v57, $0x5;
	v32 =	vor.u32 v21, v55;
	v42 =	vor.u32 v3, v56  }
0xcb: {  	v56 =	vmov s25;
	v1 =	vor.u32 v14, v32;
	v43 =	vor.u32 v16, v32;
	[tilespmem:v46+s14+$0x0] =	vst.idx.msk $0xffff, v36  }
0xcc: {  	v50 =	vshll.u32 v50, $0x5;
	v32 =	vshll.u32 v56, $0x3;
	v56 =	vor.u32 v0, v54;
	[tilespmem:v38+s14+$0x0] =	vst.idx.msk $0xffff, v58;
	v63 =	vld.idx.msk [tilespmem:v49+s11+$0x0], $0xffff  }
0xcd: {  	v37 =	vor.u32 v3, v37;
	v48 =	vor.u32 v29, v53;
	v44 =	vor.u32 v22, v59;
	v4 =	vld.idx.msk [tilespmem:v4+s11+$0x0], $0xffff  }
0xce: {  	v62 =	vor.u32 s20, v61;
	v53 =	vor.u32 v0, v50;
	v35 =	vor.u32 v27, v44;
	[tilespmem:v41+s14+$0x0] =	vst.idx.msk $0xffff, v31  }
0xcf: {  	v44 =	vor.u32 v28, v44;
	v55 =	vand.u32 $0xC00, v32;
	v49 =	vand.u32 $0x78, v57;
	v47 =	vld.idx.msk [tilespmem:v60+s11+$0x0], $0xffff  }
0xd0: {  	v50 =	vor.u32 v3, v50;
	v32 =	vor.u32 v17, v55;
	v58 =	vor.u32 v2, v49  }
0xd1: {  	v52 =	vshll.u32 v62, $0x5;
	v59 =	vor.u32 s23, v7;
	v60 =	vld.idx.msk [tilespmem:v56+s11+$0x0], $0xffff;
	v38 =	vor.u32 v32, v58;
	[tilespmem:v1+s14+$0x0] =	vst.idx.msk $0xffff, v63  }
0xd2: {  	v45 =	vor.u32 v0, v52;
	v54 =	vor.u32 v3, v54;
	[tilespmem:v48+s14+$0x0] =	vst.idx.msk $0xffff, v4;
	v42 =	vld.idx.msk [tilespmem:v42+s11+$0x0], $0xffff  }
0xd3: {  	v46 =	vor.u32 v29, v51;
	v31 =	vor.u32 v25, v55;
	v4 =	vor.u32 v30, v51;
	v48 =	vld.idx.msk [tilespmem:v53+s11+$0x0], $0xffff  }
0xd4: {  	v41 =	vshll.u32 v59, $0x5;
	v1 =	vand.u32 $0x78, v62;
	v62 =	vor.u32 s24, v26;
	[tilespmem:v44+s14+$0x0] =	vst.idx.msk $0xffff, v47  }
0xd5: {  	v49 =	vand.u32 $0x78, v59;
	v55 =	vor.u32 v31, v58;
	v63 =	vand.u32 $0x78, v62;
	v37 =	vld.idx.msk [tilespmem:v37+s11+$0x0], $0xffff  }
0xd6: {  	v59 =	vor.u32 s25, v23;
	v51 =	vor.u32 v0, v41;
	v44 =	vor.u32 v12, v63;
	[tilespmem:v38+s14+$0x0] =	vst.idx.msk $0xffff, v60  }
0xd7: {  	v1 =	vor.u32 v39, v1;
	v54 =	vld.idx.msk [tilespmem:v54+s11+$0x0], $0xffff;
	[tilespmem:v43+s14+$0x0] =	vst.idx.msk $0xffff, v42;
	v43 =	vor.u32 v30, v44  }
0xd8: {  	[tilespmem:v4+s14+$0x0] =	vst.idx.msk $0xffff, v48;
	v4 =	vor.u32 v29, v44;
	v44 =	vshll.u32 v59, $0x5;
	v45 =	vld.idx.msk [tilespmem:v45+s11+$0x0], $0xffff  }
0xd9: {  	v36 =	vor.u32 v3, v52;
	v52 =	vor.u32 v14, v1;
	v48 =	vld.idx.msk [tilespmem:v50+s11+$0x0], $0xffff;
	v50 =	vor.u32 v0, v44  }
0xda: {  	v49 =	vor.u32 v19, v49;
	v47 =	vshll.u32 v62, $0x5;
	[tilespmem:v35+s14+$0x0] =	vst.idx.msk $0xffff, v37  }
0xdb: {  	v56 =	vor.u32 v0, v47;
	v42 =	vor.u32 v28, v49;
	v51 =	vld.idx.msk [tilespmem:v51+s11+$0x0], $0xffff  }
0xdc: {  	v41 =	vor.u32 v3, v41;
	v60 =	vand.u32 $0x78, v59  }
0xdd: {  	v62 =	vor.u32 s20, v6;
	v1 =	vor.u32 v16, v1;
	v38 =	vor.u32 v21, v60;
	[tilespmem:v55+s14+$0x0] =	vst.idx.msk $0xffff, v54  }
0xde: {  	v63 =	vor.u32 s23, v9;
	v57 =	vshll.u32 v62, $0x5;
	v35 =	vor.u32 v32, v38;
	[tilespmem:v52+s14+$0x0] =	vst.idx.msk $0xffff, v45;
	v50 =	vld.idx.msk [tilespmem:v50+s11+$0x0], $0xffff  }
0xdf: {  	v47 =	vor.u32 v3, v47;
	v44 =	vor.u32 v3, v44;
	[tilespmem:v46+s14+$0x0] =	vst.idx.msk $0xffff, v48;
	v52 =	vld.idx.msk [tilespmem:v36+s11+$0x0], $0xffff  }
0xe0: {  	v58 =	vshll.u32 v63, $0x5;
	v60 =	vand.u32 $0x78, v62;
	v46 =	vor.u32 v0, v57;
	[tilespmem:v42+s14+$0x0] =	vst.idx.msk $0xffff, v51;
	v48 =	vld.idx.msk [tilespmem:v56+s11+$0x0], $0xffff  }
0xe1: {  	v62 =	vor.u32 s24, v20;
	v53 =	vor.u32 v40, v60;
	v49 =	vor.u32 v27, v49;
	v41 =	vld.idx.msk [tilespmem:v41+s11+$0x0], $0xffff  }
0xe2: {  	v37 =	vor.u32 v31, v38;
	v38 =	vand.u32 $0x78, v63;
	v45 =	vor.u32 v0, v58  }
0xe3: {  	v63 =	vand.u32 $0x78, v62;
	v38 =	vor.u32 v2, v38;
	v54 =	vor.u32 v14, v53;
	[tilespmem:v35+s14+$0x0] =	vst.idx.msk $0xffff, v50  }
0xe4: {  	v56 =	vor.u32 v3, v57;
	v57 =	vshll.u32 v62, $0x5;
	v62 =	vor.u32 s25, v13;
	[tilespmem:v1+s14+$0x0] =	vst.idx.msk $0xffff, v52;
	v44 =	vld.idx.msk [tilespmem:v44+s11+$0x0], $0xffff  }
0xe5: {  	v33 =	vor.u32 s20, v15;
	[tilespmem:v43+s14+$0x0] =	vst.idx.msk $0xffff, v48;
	v43 =	vor.u32 v16, v53;
	v53 =	vshll.u32 v62, $0x5;
	v46 =	vld.idx.msk [tilespmem:v46+s11+$0x0], $0xffff  }
0xe6: {  	v60 =	vor.u32 v10, v63;
	[tilespmem:v49+s14+$0x0] =	vst.idx.msk $0xffff, v41;
	v47 =	vld.idx.msk [tilespmem:v47+s11+$0x0], $0xffff;
	v48 =	vor.u32 v0, v53  }
0xe7: {  	v24 =	vmovc v39;
	v55 =	vor.u32 v30, v60;
	v63 =	vand.u32 $0x78, v62;
	v1 =	vor.u32 v28, v38;
	v45 =	vld.idx.msk [tilespmem:v45+s11+$0x0], $0xffff  }
0xe8: {  	v51 =	vor.u32 v29, v60;
	v42 =	vor.u32 v0, v57;
	v60 =	vor.u32 v24, v63  }
0xe9: {  	v59 =	vor.u32 s23, v11;
	v50 =	vor.u32 v32, v60;
	v52 =	vor.u32 v3, v58;
	[tilespmem:v37+s14+$0x0] =	vst.idx.msk $0xffff, v44  }
0xea: {  	v60 =	vor.u32 v31, v60;
	v35 =	vor.u32 v3, v57;
	v62 =	vand.u32 $0x78, v59;
	[tilespmem:v54+s14+$0x0] =	vst.idx.msk $0xffff, v46  }
0xeb: {  	v63 =	vor.u32 s24, v5;
	v58 =	vor.u32 s20, v8;
	v41 =	vor.u32 v21, v62;
	[tilespmem:v4+s14+$0x0] =	vst.idx.msk $0xffff, v47;
	v48 =	vld.idx.msk [tilespmem:v48+s11+$0x0], $0xffff  }
0xec: {  	v57 =	vshll.u32 v59, $0x5;
	v49 =	vshll.u32 v58, $0x5;
	v62 =	vor.u32 v27, v41;
	[tilespmem:v1+s14+$0x0] =	vst.idx.msk $0xffff, v45;
	v54 =	vld.idx.msk [tilespmem:v56+s11+$0x0], $0xffff  }
0xed: {  	v56 =	vand.u32 $0x78, v58;
	v58 =	vor.u32 v28, v41;
	v41 =	vor.u32 v0, v49;
	v42 =	vld.idx.msk [tilespmem:v42+s11+$0x0], $0xffff  }
0xee: {  	v38 =	vor.u32 v27, v38;
	v59 =	vshll.u32 v63, $0x5;
	v63 =	vand.u32 $0x78, v63;
	v52 =	vld.idx.msk [tilespmem:v52+s11+$0x0], $0xffff  }
0xef: {  	v53 =	vor.u32 v3, v53;
	v44 =	vor.u32 v22, v63;
	v46 =	vor.u32 v0, v57  }
0xf0: {  	v47 =	vor.u32 v0, v59;
	v45 =	vshll.u32 v33, $0x5;
	v56 =	vor.u32 v12, v56;
	[tilespmem:v50+s14+$0x0] =	vst.idx.msk $0xffff, v48  }
0xf1: {  	v33 =	vand.u32 $0x78, v33;
	v49 =	vor.u32 v3, v49;
	v37 =	vor.u32 v14, v56;
	[tilespmem:v43+s14+$0x0] =	vst.idx.msk $0xffff, v54  }
0xf2: {  	v4 =	vor.u32 v16, v56;
	v56 =	vor.u32 v3, v57;
	[tilespmem:v55+s14+$0x0] =	vst.idx.msk $0xffff, v42;
	v41 =	vld.idx.msk [tilespmem:v41+s11+$0x0], $0xffff  }
0xf3: {  	s26 =	simm.s32 $0x40;
	v57 =	vor.u32 s25, v18;
	v48 =	vor.u32 v10, v33;
	[tilespmem:v38+s14+$0x0] =	vst.idx.msk $0xffff, v52;
	v35 =	vld.idx.msk [tilespmem:v35+s11+$0x0], $0xffff  }
0xf4: {  	v54 =	vor.u32 s23, v61;
	v61 =	vand.u32 $0x78, v57;
	v38 =	vor.u32 s26, v0;
	v46 =	vld.idx.msk [tilespmem:v46+s11+$0x0], $0xffff  }
0xf5: {  	v42 =	vshll.u32 v57, $0x5;
	v50 =	vshll.u32 v38, $0x5;
	v33 =	vand.u32 $0x78, v38;
	v38 =	vld.idx.msk [tilespmem:v53+s11+$0x0], $0xffff  }
0xf6: {  	v39 =	vmovc v26;
	v26 =	vmovc v8;
	v1 =	vmov s26;
	v57 =	vor.u32 v40, v61;
	v61 =	vor.u32 v0, v42  }
0xf7: {  	v1 =	vshll.u32 v1, $0x3;
	v43 =	vor.u32 v29, v44;
	v44 =	vor.u32 v30, v44;
	[tilespmem:v37+s14+$0x0] =	vst.idx.msk $0xffff, v41  }
0xf8: {  	v52 =	vor.u32 v3, v59;
	v41 =	vor.u32 v0, v50;
	[tilespmem:v51+s14+$0x0] =	vst.idx.msk $0xffff, v35;
	v49 =	vld.idx.msk [tilespmem:v49+s11+$0x0], $0xffff  }
0xf9: {  	v1 =	vand.u32 $0xC00, v1;
	v59 =	vor.u32 v0, v45;
	v55 =	vshll.u32 v54, $0x5;
	[tilespmem:v58+s14+$0x0] =	vst.idx.msk $0xffff, v46;
	v47 =	vld.idx.msk [tilespmem:v47+s11+$0x0], $0xffff  }
0xfa: {  	v8 =	vor.u32 v3, v55;
	v63 =	vor.u32 v31, v57;
	[tilespmem:v60+s14+$0x0] =	vst.idx.msk $0xffff, v38;
	v56 =	vld.idx.msk [tilespmem:v56+s11+$0x0], $0xffff  }
0xfb: {  	v53 =	vor.u32 v2, v33;
	v33 =	vor.u32 v25, v1;
	v57 =	vor.u32 v32, v57;
	v61 =	vld.idx.msk [tilespmem:v61+s11+$0x0], $0xffff  }
0xfc: {  	v55 =	vor.u32 v0, v55;
	v35 =	vor.u32 v17, v1;
	v1 =	vor.u32 s24, v7  }
0xfd: {  	v51 =	vor.u32 v33, v53;
	v53 =	vor.u32 v35, v53;
	v41 =	vld.idx.msk [tilespmem:v41+s11+$0x0], $0xffff;
	[tilespmem:v4+s14+$0x0] =	vst.idx.msk $0xffff, v49  }
0xfe: {  	v46 =	vshll.u32 v1, $0x5;
	v1 =	vand.u32 $0x78, v1;
	[tilespmem:v44+s14+$0x0] =	vst.idx.msk $0xffff, v47  }
0xff: {  	v1 =	vor.u32 v19, v1;
	[tilespmem:v62+s14+$0x0] =	vst.idx.msk $0xffff, v56;
	v49 =	vld.idx.msk [tilespmem:v52+s11+$0x0], $0xffff  }
0x100: {  	v56 =	vor.u32 v30, v1;
	[tilespmem:v57+s14+$0x0] =	vst.idx.msk $0xffff, v61;
	v1 =	vor.u32 v29, v1;
	v59 =	vld.idx.msk [tilespmem:v59+s11+$0x0], $0xffff  }
0x101: {  	v42 =	vor.u32 v3, v42;
	v55 =	vld.idx.msk [tilespmem:v55+s11+$0x0], $0xffff;
	[tilespmem:$0x1FEA0] =	vst v1  }
0x102: {  	v50 =	vor.u32 v3, v50;
	[tilespmem:v53+s14+$0x0] =	vst.idx.msk $0xffff, v41  }
0x103: {  	v54 =	vand.u32 $0x78, v54;
	v1 =	vld [tilespmem:$0x1FFE0]  }
0x104: {  	v54 =	vor.u32 v24, v54;
	v4 =	vor.u32 v14, v48  }
0x105: {  	v60 =	vor.u32 v28, v54;
	v58 =	vor.u32 v0, v46  }
0x106: {  	v45 =	vor.u32 v3, v45;
	v25 =	vor.u32 v27, v54;
	v54 =	vor.u32 s25, v39;
	v41 =	vld.idx.msk [tilespmem:v42+s11+$0x0], $0xffff  }
0x107: {  	v7 =	vmov v39;
	v39 =	vand.u32 $0x78, v54;
	v47 =	vshll.u32 v54, $0x5;
	v50 =	vld.idx.msk [tilespmem:v50+s11+$0x0], $0xffff  }
0x108: {  	v44 =	vor.u32 v12, v39;
	v39 =	vor.u32 s26, v23;
	v23 =	vor.u32 s20, v1;
	v1 =	vld [tilespmem:$0x1FFC0];
	[tilespmem:v43+s14+$0x0] =	vst.idx.msk $0xffff, v49  }
0x109: {  	v52 =	vor.u32 v0, v47;
	v42 =	vshll.u32 v39, $0x5;
	[tilespmem:v4+s14+$0x0] =	vst.idx.msk $0xffff, v59  }
0x10a: {  	v43 =	vor.u32 v0, v42;
	[tilespmem:v60+s14+$0x0] =	vst.idx.msk $0xffff, v55;
	v55 =	vld.idx.msk [tilespmem:v58+s11+$0x0], $0xffff  }
0x10b: {  	v48 =	vor.u32 v16, v48;
	v45 =	vld.idx.msk [tilespmem:v45+s11+$0x0], $0xffff  }
0x10c: {  	[tilespmem:v51+s14+$0x0] =	vst.idx.msk $0xffff, v50;
	v51 =	vld.idx.msk [tilespmem:v8+s11+$0x0], $0xffff  }
0x10d: {  	v54 =	vor.u32 v3, v46;
	v57 =	vand.u32 $0x78, v39;
	[tilespmem:v63+s14+$0x0] =	vst.idx.msk $0xffff, v41  }
0x10e: {  	v62 =	vor.u32 v32, v44;
	v39 =	vor.u32 v21, v57;
	v61 =	vor.u32 s20, v1;
	v1 =	vld.idx.msk [tilespmem:v52+s11+$0x0], $0xffff  }
0x10f: {  	v53 =	vor.u32 s23, v6;
	v46 =	vor.u32 v35, v39;
	v49 =	vor.u32 s25, v20;
	[tilespmem:v56+s14+$0x0] =	vst.idx.msk $0xffff, v55;
	v56 =	vld.idx.msk [tilespmem:v43+s11+$0x0], $0xffff  }
0x110: {  	v59 =	vshll.u32 v53, $0x5;
	[tilespmem:v48+s14+$0x0] =	vst.idx.msk $0xffff, v45;
	v43 =	vshll.u32 v49, $0x5  }
0x111: {  	v4 =	vor.u32 v0, v59;
	v60 =	vshll.u32 v61, $0x5;
	[tilespmem:v25+s14+$0x0] =	vst.idx.msk $0xffff, v51;
	v8 =	vor.u32 v0, v43  }
0x112: {  	v17 =	vmov v22;
	v22 =	vor.u32 v31, v44;
	v63 =	vor.u32 v0, v60;
	[tilespmem:$0x1FEB0] =	vst v8  }
0x113: {  	v47 =	vor.u32 v3, v47;
	v6 =	vor.u32 v33, v39;
	v53 =	vand.u32 $0x78, v53;
	[tilespmem:v62+s14+$0x0] =	vst.idx.msk $0xffff, v1  }
0x114: {  	v44 =	vor.u32 s24, v9;
	v42 =	vor.u32 v3, v42;
	v53 =	vor.u32 v40, v53;
	[tilespmem:v46+s14+$0x0] =	vst.idx.msk $0xffff, v56  }
0x115: {  	v57 =	vor.u32 v3, v59;
	v61 =	vand.u32 $0x78, v61;
	v55 =	vand.u32 $0x78, v49;
	v9 =	vld [tilespmem:$0x1FEA0]  }
0x116: {  	v59 =	vor.u32 v17, v61;
	v61 =	vor.u32 v28, v53;
	v45 =	vor.u32 v10, v55;
	v4 =	vld.idx.msk [tilespmem:v4+s11+$0x0], $0xffff  }
0x117: {  	v39 =	vor.u32 v14, v59;
	v55 =	vor.u32 v32, v45;
	v52 =	vor.u32 v31, v45;
	v45 =	vld.idx.msk [tilespmem:v63+s11+$0x0], $0xffff  }
0x118: {  	v58 =	vshll.u32 v44, $0x5;
	v60 =	vor.u32 v3, v60;
	v54 =	vld.idx.msk [tilespmem:v54+s11+$0x0], $0xffff  }
0x119: {  	v50 =	vor.u32 v0, v58;
	_ =	sdelay $0x1  }
0x11a: {  	v41 =	vand.u32 $0x78, v44;
	v44 =	vor.u32 v27, v53;
	v53 =	vld.idx.msk [tilespmem:v47+s11+$0x0], $0xffff;
	[tilespmem:v61+s14+$0x0] =	vst.idx.msk $0xffff, v4  }
0x11b: {  	v13 =	vor.u32 s26, v13;
	v42 =	vld.idx.msk [tilespmem:v42+s11+$0x0], $0xffff;
	[tilespmem:v39+s14+$0x0] =	vst.idx.msk $0xffff, v45  }
0x11c: {  	v41 =	vor.u32 v2, v41;
	v63 =	vor.u32 v16, v59;
	v4 =	vld.idx.msk [tilespmem:v60+s11+$0x0], $0xffff;
	[tilespmem:v9+s14+$0x0] =	vst.idx.msk $0xffff, v54  }
0x11d: {  	v49 =	vand.u32 $0x78, v13;
	v8 =	vmovc v40;
	v40 =	vor.u32 v30, v41;
	v62 =	vshll.u32 v13, $0x5;
	v13 =	vld.idx.msk [tilespmem:v50+s11+$0x0], $0xffff;
	_ =	sdelay $0x1  }
0x11e: {  	[tilespmem:v22+s14+$0x0] =	vst.idx.msk $0xffff, v53  }
0x11f: {  	[tilespmem:v6+s14+$0x0] =	vst.idx.msk $0xffff, v42  }
0x120: {  	v34 =	vor.u32 s23, v15;
	[tilespmem:v63+s14+$0x0] =	vst.idx.msk $0xffff, v4  }
0x121: {  	v36 =	vor.u32 s24, v15;
	v37 =	vor.u32 s25, v15;
	v38 =	vor.u32 s26, v15;
	[tilespmem:v40+s14+$0x0] =	vst.idx.msk $0xffff, v13  }
0x122: {  	v48 =	vor.u32 v29, v41;
	v51 =	vor.u32 v24, v49;
	v24 =	vmovc v5;
	v4 =	vor.u32 s25, v5;
	v5 =	vld [tilespmem:$0x1FEB0]  }
0x123: {  	v10 =	vor.u32 v3, v58;
	v58 =	vor.u32 v3, v43;
	v49 =	vshll.u32 v23, $0x5  }
0x124: {  	v1 =	vor.u32 s23, v26;
	v41 =	vor.u32 v0, v49;
	v56 =	vor.u32 v33, v51  }
0x125: {  	v59 =	vor.u32 v35, v51;
	v61 =	vand.u32 $0x78, v23;
	v45 =	vor.u32 s24, v11  }
0x126: {  	v39 =	vor.u32 v3, v49;
	v47 =	vand.u32 $0x78, v45;
	v51 =	vshll.u32 v45, $0x5  }
0x127: {  	v57 =	vld.idx.msk [tilespmem:v57+s11+$0x0], $0xffff;
	v53 =	vor.u32 v0, v51;
	v43 =	vor.u32 v21, v47;
	v54 =	vor.u32 v0, v62  }
0x128: {  	v9 =	vshll.u32 v1, $0x5;
	v1 =	vand.u32 $0x78, v1;
	v45 =	vor.u32 v29, v43  }
0x129: {  	v62 =	vor.u32 v3, v62;
	v50 =	vor.u32 v30, v43;
	v6 =	vor.u32 v0, v9  }
0x12a: {  	v25 =	vmovc v12;
	v1 =	vor.u32 v12, v1;
	v12 =	vor.u32 v19, v61;
	v43 =	vshll.u32 v34, $0x5;
	v63 =	vld.idx.msk [tilespmem:v5+s11+$0x0], $0xffff  }
0x12b: {  	v47 =	vor.u32 v3, v9;
	v46 =	vor.u32 v28, v1;
	v61 =	vshll.u32 v4, $0x5  }
0x12c: {  	v42 =	vor.u32 v14, v12;
	v60 =	vor.u32 v0, v61;
	[tilespmem:v44+s14+$0x0] =	vst.idx.msk $0xffff, v57;
	v57 =	vld.idx.msk [tilespmem:v10+s11+$0x0], $0xffff  }
0x12d: {  	v23 =	vmovc v15;
	v13 =	vand.u32 $0x78, v4;
	v4 =	vld.idx.msk [tilespmem:v54+s11+$0x0], $0xffff;
	v40 =	vor.u32 v16, v12;
	v54 =	vor.u32 v3, v51  }
0x12e: {  	s28 =	simm.s32 $0x50;
	v19 =	vmovc v17;
	v44 =	vor.u32 v27, v1;
	v1 =	vor.u32 v17, v13;
	v10 =	vmov v7;
	v49 =	vld.idx.msk [tilespmem:v6+s11+$0x0], $0xffff  }
.LBB2_7:
0x12f: {  	[tilespmem:v55+s14+$0x0] =	vst.idx.msk $0xffff, v63;
	v17 =	vld [tilespmem:$0x1FFB0]  }
0x130: {  	v7 =	vld.idx.msk [tilespmem:v41+s11+$0x0], $0xffff  }
0x131: {  	v58 =	vld.idx.msk [tilespmem:v58+s11+$0x0], $0xffff;
	[tilespmem:v48+s14+$0x0] =	vst.idx.msk $0xffff, v57  }
0x132: {  	v6 =	vor.u32 s26, v18;
	[tilespmem:v59+s14+$0x0] =	vst.idx.msk $0xffff, v4  }
0x133: {  	v55 =	vand.u32 $0x78, v6;
	v9 =	vshll.u32 v6, $0x5;
	v6 =	vand.u32 $0x78, v34;
	v48 =	vld.idx.msk [tilespmem:v53+s11+$0x0], $0xffff  }
0x134: {  	[tilespmem:v46+s14+$0x0] =	vst.idx.msk $0xffff, v49;
	v46 =	vor.u32 v17, v6;
	v6 =	vld [tilespmem:$0x1FED0]  }
0x135: {  	s29 =	smov.u32 s28  }
0x136: {  	v34 =	vmov s29  }
0x137: {  	v34 =	vshll.u32 v34, $0x3  }
0x138: {  	v5 =	vld [tilespmem:$0x1FF80];
	v51 =	vmov v28;
	v34 =	vand.u32 $0xC00, v34  }
0x139: {  	v28 =	vmovc v30;
	v30 =	vmovc v32;
	v32 =	vmov v35;
	v57 =	vor.u32 s29, v0;
	v35 =	vor.u32 v6, v34;
	v6 =	vld [tilespmem:$0x1FEE0]  }
0x13a: {  	v4 =	vor.u32 v3, v61;
	v61 =	vand.u32 $0x78, v57;
	v49 =	vshll.u32 v57, $0x5;
	v57 =	vld.idx.msk [tilespmem:v62+s11+$0x0], $0xffff;
	[tilespmem:v42+s14+$0x0] =	vst.idx.msk $0xffff, v7  }
0x13b: {  	v14 =	vld [tilespmem:$0x1FFD0];
	[tilespmem:v52+s14+$0x0] =	vst.idx.msk $0xffff, v58  }
0x13c: {  	v47 =	vld.idx.msk [tilespmem:v47+s11+$0x0], $0xffff  }
0x13d: {  	v63 =	vor.u32 v31, v1;
	v13 =	vor.u32 v0, v9;
	v52 =	vld.idx.msk [tilespmem:v60+s11+$0x0], $0xffff  }
0x13e: {  	v1 =	vor.u32 v30, v1;
	v7 =	vor.u32 v0, v49;
	v34 =	vor.u32 v6, v34;
	v6 =	vld [tilespmem:$0x1FF40]  }
0x13f: {  	v39 =	vld.idx.msk [tilespmem:v39+s11+$0x0], $0xffff  }
0x140: {  	v12 =	vld [tilespmem:$0x1FEF0];
	v15 =	vor.u32 v8, v55;
	v53 =	vor.u32 v0, v43;
	[tilespmem:v50+s14+$0x0] =	vst.idx.msk $0xffff, v48  }
0x141: {  	v41 =	vor.u32 v33, v15;
	v50 =	vld.idx.msk [tilespmem:v54+s11+$0x0], $0xffff;
	[tilespmem:v56+s14+$0x0] =	vst.idx.msk $0xffff, v57  }
0x142: {  	v15 =	vor.u32 v32, v15;
	v5 =	vor.u32 s24, v5;
	v13 =	vld.idx.msk [tilespmem:v13+s11+$0x0], $0xffff;
	[tilespmem:v44+s14+$0x0] =	vst.idx.msk $0xffff, v47  }
0x143: {  	v59 =	vor.u32 v2, v61;
	v11 =	vshll.u32 v5, $0x5;
	v7 =	vld.idx.msk [tilespmem:v7+s11+$0x0], $0xffff;
	[tilespmem:v1+s14+$0x0] =	vst.idx.msk $0xffff, v52;
	v58 =	vor.u32 s25, v6  }
0x144: {  	v42 =	vmovc v27;
	v27 =	vmov v29;
	v29 =	vmov v31;
	v4 =	vld.idx.msk [tilespmem:v4+s11+$0x0], $0xffff;
	[tilespmem:v40+s14+$0x0] =	vst.idx.msk $0xffff, v39;
	v62 =	vand.u32 $0x78, v58  }
0x145: {  	v55 =	vor.u32 v3, v11;
	v11 =	vor.u32 v0, v11;
	v53 =	vld.idx.msk [tilespmem:v53+s11+$0x0], $0xffff;
	v62 =	vor.u32 v14, v62  }
0x146: {  	[tilespmem:v45+s14+$0x0] =	vst.idx.msk $0xffff, v50;
	v40 =	vor.u32 v30, v62;
	v50 =	vor.u32 v29, v62;
	v62 =	vor.u32 s29, v12;
	v12 =	vld [tilespmem:$0x1FFE0]  }
0x147: {  	v60 =	vor.u32 v34, v59;
	v59 =	vor.u32 v35, v59;
	v6 =	vld [tilespmem:$0x1FF70]  }
0x148: {  	v9 =	vor.u32 v3, v9;
	_ =	sdelay $0x1  }
0x149: {  	v5 =	vand.u32 $0x78, v5;
	v47 =	vor.u32 v3, v49;
	v11 =	vld.idx.msk [tilespmem:v11+s11+$0x0], $0xffff  }
0x14a: {  	v44 =	vor.u32 v51, v46;
	[tilespmem:v15+s14+$0x0] =	vst.idx.msk $0xffff, v13;
	v61 =	vshll.u32 v58, $0x5;
	v15 =	vor.u32 s23, v12;
	v12 =	vld [tilespmem:$0x1FFC0]  }
0x14b: {  	v54 =	vor.u32 s29, v23;
	[tilespmem:v59+s14+$0x0] =	vst.idx.msk $0xffff, v7;
	v48 =	vor.u32 v0, v61;
	v5 =	vor.u32 v6, v5  }
0x14c: {  	v46 =	vor.u32 v42, v46;
	v58 =	vor.u32 s26, v10;
	v9 =	vld.idx.msk [tilespmem:v9+s11+$0x0], $0xffff;
	v56 =	vor.u32 v28, v5  }
0x14d: {  	v13 =	vor.u32 v3, v43;
	v1 =	vand.u32 $0x78, v58;
	v49 =	vshll.u32 v58, $0x5;
	[tilespmem:v63+s14+$0x0] =	vst.idx.msk $0xffff, v4;
	v4 =	vld [tilespmem:$0x1FF50]  }
0x14e: {  	v45 =	vor.u32 v3, v61;
	v39 =	vor.u32 v0, v49;
	v1 =	vor.u32 v25, v1;
	v47 =	vld.idx.msk [tilespmem:v47+s11+$0x0], $0xffff  }
0x14f: {  	v31 =	vmovc v33;
	v49 =	vor.u32 v3, v49;
	v57 =	vor.u32 v32, v1;
	v52 =	vor.u32 s23, v12;
	v12 =	vld [tilespmem:$0x1FF90]  }
0x150: {  	v1 =	vor.u32 v31, v1;
	v7 =	vand.u32 $0x78, v62;
	v43 =	vshll.u32 v62, $0x5;
	v48 =	vld.idx.msk [tilespmem:v48+s11+$0x0], $0xffff;
	[tilespmem:v44+s14+$0x0] =	vst.idx.msk $0xffff, v53  }
0x151: {  	v33 =	vmov v34;
	v58 =	vor.u32 v0, v43;
	v7 =	vor.u32 v21, v7;
	[tilespmem:v56+s14+$0x0] =	vst.idx.msk $0xffff, v11  }
0x152: {  	v43 =	vor.u32 v3, v43;
	v5 =	vor.u32 v27, v5;
	v59 =	vor.u32 v35, v7;
	v11 =	vld.idx.msk [tilespmem:v13+s11+$0x0], $0xffff;
	s23 =	smov.u32 s24  }
0x153: {  	v34 =	vmovc v36;
	v56 =	vld.idx.msk [tilespmem:v55+s11+$0x0], $0xffff;
	[tilespmem:v41+s14+$0x0] =	vst.idx.msk $0xffff, v9;
	s24 =	smov.u32 s25;
	s25 =	smov.u32 s26;
	v4 =	vor.u32 s23, v4;
	v44 =	vshll.u32 v52, $0x5;
	v55 =	vand.u32 $0x78, v52  }
0x154: {  	v36 =	vmovc v37;
	v39 =	vld.idx.msk [tilespmem:v39+s11+$0x0], $0xffff;
	[tilespmem:v60+s14+$0x0] =	vst.idx.msk $0xffff, v47;
	v60 =	vor.u32 s25, v20;
	v61 =	vshll.u32 v4, $0x5;
	v63 =	vor.u32 s24, v12  }
0x155: {  	v37 =	vmovc v38;
	v38 =	vmovc v54;
	v12 =	vld [tilespmem:$0x1FF00];
	v53 =	vand.u32 $0x78, v63;
	v54 =	vshll.u32 v63, $0x5;
	v63 =	vor.u32 v0, v61  }
0x156: {  	v58 =	vld.idx.msk [tilespmem:v58+s11+$0x0], $0xffff;
	[tilespmem:v40+s14+$0x0] =	vst.idx.msk $0xffff, v48;
	v13 =	vor.u32 v0, v44;
	v4 =	vand.u32 $0x78, v4;
	v52 =	vand.u32 $0x78, v60  }
0x157: {  	v41 =	vor.u32 v19, v55;
	v4 =	vor.u32 v8, v4;
	v48 =	vor.u32 v17, v52  }
0x158: {  	v45 =	vld.idx.msk [tilespmem:v45+s11+$0x0], $0xffff;
	[tilespmem:v46+s14+$0x0] =	vst.idx.msk $0xffff, v11;
	v55 =	vor.u32 v32, v48;
	v52 =	vor.u32 v31, v48  }
0x159: {  	s26 =	smov.u32 s29;
	[tilespmem:v5+s14+$0x0] =	vst.idx.msk $0xffff, v56;
	v9 =	vor.u32 v2, v53;
	v53 =	vor.u32 v28, v4  }
0x15a: {  	v11 =	vor.u32 v30, v9;
	v48 =	vor.u32 v29, v9;
	v9 =	vld.idx.msk [tilespmem:v63+s11+$0x0], $0xffff;
	v63 =	vor.u32 s26, v12  }
0x15b: {  	v5 =	vld.idx.msk [tilespmem:v13+s11+$0x0], $0xffff;
	[tilespmem:v57+s14+$0x0] =	vst.idx.msk $0xffff, v39;
	v39 =	vor.u32 v27, v4;
	v4 =	vand.u32 $0x78, v63  }
0x15c: {  	v40 =	vor.u32 v51, v41;
	v62 =	vor.u32 v0, v54;
	v49 =	vld.idx.msk [tilespmem:v49+s11+$0x0], $0xffff;
	v4 =	vor.u32 v6, v4  }
0x15d: {  	v47 =	vshll.u32 v60, $0x5;
	[tilespmem:v59+s14+$0x0] =	vst.idx.msk $0xffff, v58;
	v59 =	vor.u32 v35, v4;
	v56 =	vor.u32 v33, v4;
	v4 =	vld [tilespmem:$0x1FFA0]  }
0x15e: {  	v7 =	vor.u32 v33, v7;
	v44 =	vor.u32 v3, v44;
	v60 =	vor.u32 v0, v47;
	v12 =	vld [tilespmem:$0x1FF60]  }
0x15f: {  	v61 =	vor.u32 v3, v61;
	v13 =	vor.u32 v3, v54;
	v54 =	vor.u32 v42, v41  }
0x160: {  	v46 =	vshll.u32 v63, $0x5;
	v58 =	vor.u32 v3, v47;
	v43 =	vld.idx.msk [tilespmem:v43+s11+$0x0], $0xffff;
	[tilespmem:v50+s14+$0x0] =	vst.idx.msk $0xffff, v45  }
0x161: {  	v17 =	vor.u32 v0, v46;
	v47 =	vld.idx.msk [tilespmem:v62+s11+$0x0], $0xffff;
	[tilespmem:v40+s14+$0x0] =	vst.idx.msk $0xffff, v5;
	v5 =	vshll.u32 v15, $0x5  }
0x162: {  	v62 =	vor.u32 v3, v46;
	v41 =	vor.u32 v0, v5;
	v4 =	vor.u32 s24, v4  }
0x163: {  	v22 =	vmovc v18;
	v63 =	vor.u32 s23, v12;
	v12 =	vmovc v20;
	[tilespmem:v53+s14+$0x0] =	vst.idx.msk $0xffff, v9;
	v50 =	vand.u32 $0x78, v4;
	v20 =	vshll.u32 v4, $0x5  }
0x164: {  	v6 =	vmovc v21;
	v18 =	vshll.u32 v63, $0x5;
	v9 =	vld.idx.msk [tilespmem:v44+s11+$0x0], $0xffff;
	v53 =	vor.u32 v0, v20;
	v4 =	vor.u32 v21, v50  }
0x165: {  	v57 =	vand.u32 $0x78, v63;
	v21 =	vld.idx.msk [tilespmem:v61+s11+$0x0], $0xffff;
	[tilespmem:v1+s14+$0x0] =	vst.idx.msk $0xffff, v49;
	v1 =	vand.u32 $0x78, v15;
	v15 =	vor.u32 v0, v18  }
0x166: {  	v49 =	vor.u32 v25, v57;
	v50 =	vor.u32 v30, v4;
	v45 =	vor.u32 v29, v4  }
0x167: {  	p1 =	sne.s32 s28, $0x1F0;
	v63 =	vld.idx.msk [tilespmem:v60+s11+$0x0], $0xffff;
	v1 =	vor.u32 v14, v1;
	[tilespmem:v7+s14+$0x0] =	vst.idx.msk $0xffff, v43;
	v7 =	vor.u32 s25, v24  }
.Ltmp2:
0x168: {  	v46 =	vor.u32 v28, v49;
	v44 =	vor.u32 v27, v49;
	v43 =	vshll.u32 v34, $0x5;
	(pc) =	sbr.rel @p1 .LBB2_7-.Ltmp2, $4  }
0x169: {  	v4 =	vld.idx.msk [tilespmem:v17+s11+$0x0], $0xffff;
	v17 =	vand.u32 $0x78, v7;
	v61 =	vshll.u32 v7, $0x5;
	[tilespmem:v11+s14+$0x0] =	vst.idx.msk $0xffff, v47;
	v40 =	vor.u32 v42, v1  }
0x16a: {  	v42 =	vor.u32 v51, v1;
	v47 =	vor.u32 v3, v18;
	v57 =	vld.idx.msk [tilespmem:v13+s11+$0x0], $0xffff;
	[tilespmem:v54+s14+$0x0] =	vst.idx.msk $0xffff, v9  }
0x16b: {  	v18 =	vmov v22;
	v60 =	vor.u32 v0, v61;
	v1 =	vor.u32 v19, v17;
	[tilespmem:v39+s14+$0x0] =	vst.idx.msk $0xffff, v21  }
0x16c: {  	s28 =	sadd.s32 $0x10, s28;
	v54 =	vor.u32 v3, v20;
	v20 =	vmovc v12;
	v21 =	vmov v6;
	v39 =	vor.u32 v3, v5;
	v49 =	vld.idx.msk [tilespmem:v15+s11+$0x0], $0xffff  }
0x16d: {  	_ =	sdelay $0x3  }
0x16e: {  	v51 =	vld [tilespmem:$0x1FED0];
	v5 =	vor.u32 s26, v18;
	[tilespmem:v59+s14+$0x0] =	vst.idx.msk $0xffff, v4  }
0x16f: {  	v4 =	vshll.u32 v5, $0x5;
	v7 =	vld.idx.msk [tilespmem:v62+s11+$0x0], $0xffff  }
0x170: {  	v9 =	vor.u32 v0, v4;
	_ =	sdelay $0x2  }
0x171: {  	v5 =	vand.u32 $0x78, v5  }
0x172: {  	v5 =	vor.u32 v8, v5;
	[tilespmem:v56+s14+$0x0] =	vst.idx.msk $0xffff, v7  }
0x173: {  	v7 =	vor.u32 v35, v5;
	v9 =	vld.idx.msk [tilespmem:v9+s11+$0x0], $0xffff  }
0x174: {  	v4 =	vor.u32 v3, v4;
	_ =	sdelay $0x3  }
0x175: {  	v11 =	vor.u32 s26, v10;
	[tilespmem:v7+s14+$0x0] =	vst.idx.msk $0xffff, v9  }
0x176: {  	v5 =	vor.u32 v33, v5;
	v7 =	vshll.u32 v11, $0x5;
	v4 =	vld.idx.msk [tilespmem:v4+s11+$0x0], $0xffff  }
0x177: {  	v59 =	vor.u32 v0, v7;
	_ =	sdelay $0x2  }
0x178: {  	v11 =	vand.u32 $0x78, v11  }
0x179: {  	v11 =	vor.u32 v25, v11;
	[tilespmem:v5+s14+$0x0] =	vst.idx.msk $0xffff, v4  }
0x17a: {  	v4 =	vor.u32 v35, v11;
	v5 =	vld.idx.msk [tilespmem:v59+s11+$0x0], $0xffff  }
0x17b: {  	v7 =	vor.u32 v3, v7;
	_ =	sdelay $0x3  }
0x17c: {  	[tilespmem:v4+s14+$0x0] =	vst.idx.msk $0xffff, v5  }
0x17d: {  	v4 =	vor.u32 v33, v11;
	v7 =	vld.idx.msk [tilespmem:v7+s11+$0x0], $0xffff;
	_ =	sdelay $0x4  }
0x17e: {  	v56 =	vor.u32 s26, v20;
	[tilespmem:v4+s14+$0x0] =	vst.idx.msk $0xffff, v7  }
0x17f: {  	v9 =	vand.u32 $0x78, v56;
	v5 =	vshll.u32 v56, $0x5;
	v56 =	vld [tilespmem:$0x1FFB0]  }
0x180: {  	v11 =	vor.u32 v0, v5;
	_ =	sdelay $0x3  }
0x181: {  	v4 =	vor.u32 v56, v9  }
0x182: {  	v59 =	vld.idx.msk [tilespmem:v11+s11+$0x0], $0xffff;
	v7 =	vor.u32 v35, v4  }
0x183: {  	v5 =	vor.u32 v3, v5;
	_ =	sdelay $0x2  }
0x184: {  	[tilespmem:v55+s14+$0x0] =	vst.idx.msk $0xffff, v63  }
0x185: {  	v13 =	vor.u32 s26, v24;
	v63 =	vld.idx.msk [tilespmem:v58+s11+$0x0], $0xffff;
	[tilespmem:v7+s14+$0x0] =	vst.idx.msk $0xffff, v59  }
0x186: {  	v4 =	vor.u32 v33, v4;
	v7 =	vshll.u32 v13, $0x5;
	v5 =	vld.idx.msk [tilespmem:v5+s11+$0x0], $0xffff  }
0x187: {  	v58 =	vor.u32 v0, v7;
	_ =	sdelay $0x2  }
0x188: {  	[tilespmem:v52+s14+$0x0] =	vst.idx.msk $0xffff, v63  }
0x189: {  	v15 =	vld.idx.msk [tilespmem:v60+s11+$0x0], $0xffff;
	v13 =	vand.u32 $0x78, v13;
	[tilespmem:v4+s14+$0x0] =	vst.idx.msk $0xffff, v5  }
0x18a: {  	v59 =	vor.u32 v32, v1;
	v13 =	vor.u32 v19, v13;
	v5 =	vld.idx.msk [tilespmem:v58+s11+$0x0], $0xffff  }
0x18b: {  	v17 =	vor.u32 v3, v61;
	v55 =	vmov v24;
	v4 =	vor.u32 v35, v13;
	v24 =	vld [tilespmem:$0x1FF40]  }
0x18c: {  	v7 =	vor.u32 v3, v7;
	_ =	sdelay $0x2  }
0x18d: {  	[tilespmem:v59+s14+$0x0] =	vst.idx.msk $0xffff, v15  }
0x18e: {  	v15 =	vld.idx.msk [tilespmem:v17+s11+$0x0], $0xffff;
	v61 =	vor.u32 s25, v24;
	[tilespmem:v4+s14+$0x0] =	vst.idx.msk $0xffff, v5  }
0x18f: {  	v1 =	vor.u32 v31, v1;
	v63 =	vshll.u32 v61, $0x5;
	v7 =	vld.idx.msk [tilespmem:v7+s11+$0x0], $0xffff  }
0x190: {  	v14 =	vmovc v10;
	v18 =	vor.u32 s26, v24;
	v4 =	vor.u32 v33, v13;
	v10 =	vld [tilespmem:$0x1FFD0];
	v17 =	vor.u32 v0, v63  }
0x191: {  	v5 =	vshll.u32 v18, $0x5  }
0x192: {  	v13 =	vor.u32 v0, v5;
	_ =	sdelay $0x1  }
0x193: {  	v9 =	vand.u32 $0x78, v61;
	[tilespmem:v1+s14+$0x0] =	vst.idx.msk $0xffff, v15  }
0x194: {  	v9 =	vor.u32 v10, v9;
	[tilespmem:v4+s14+$0x0] =	vst.idx.msk $0xffff, v7;
	v15 =	vld.idx.msk [tilespmem:v17+s11+$0x0], $0xffff;
	v17 =	vand.u32 $0x78, v18  }
0x195: {  	v1 =	vor.u32 v32, v9;
	v58 =	vld [tilespmem:$0x1FF90];
	v17 =	vor.u32 v10, v17  }
0x196: {  	v11 =	vor.u32 v3, v63;
	v7 =	vld.idx.msk [tilespmem:v13+s11+$0x0], $0xffff;
	v4 =	vor.u32 v35, v17  }
0x197: {  	v5 =	vor.u32 v3, v5;
	_ =	sdelay $0x2  }
0x198: {  	v13 =	vor.u32 s25, v58;
	[tilespmem:v1+s14+$0x0] =	vst.idx.msk $0xffff, v15  }
0x199: {  	v1 =	vor.u32 v31, v9;
	v52 =	vshll.u32 v13, $0x5;
	v11 =	vld.idx.msk [tilespmem:v11+s11+$0x0], $0xffff;
	[tilespmem:v4+s14+$0x0] =	vst.idx.msk $0xffff, v7  }
0x19a: {  	v18 =	vor.u32 s26, v58;
	v15 =	vor.u32 v0, v52;
	v4 =	vor.u32 v33, v17;
	v5 =	vld.idx.msk [tilespmem:v5+s11+$0x0], $0xffff  }
0x19b: {  	v7 =	vshll.u32 v18, $0x5  }
0x19c: {  	v17 =	vor.u32 v0, v7;
	_ =	sdelay $0x1  }
0x19d: {  	v13 =	vand.u32 $0x78, v13;
	[tilespmem:v1+s14+$0x0] =	vst.idx.msk $0xffff, v11  }
0x19e: {  	v1 =	vor.u32 v2, v13;
	v13 =	vld.idx.msk [tilespmem:v15+s11+$0x0], $0xffff;
	v15 =	vand.u32 $0x78, v18;
	[tilespmem:v4+s14+$0x0] =	vst.idx.msk $0xffff, v5  }
0x19f: {  	v59 =	vor.u32 v32, v1;
	v15 =	vor.u32 v2, v15;
	v63 =	vld [tilespmem:$0x1FFA0]  }
0x1a0: {  	v9 =	vor.u32 v3, v52;
	v4 =	vor.u32 v35, v15;
	v5 =	vld.idx.msk [tilespmem:v17+s11+$0x0], $0xffff  }
0x1a1: {  	v7 =	vor.u32 v3, v7;
	_ =	sdelay $0x2  }
0x1a2: {  	[tilespmem:v59+s14+$0x0] =	vst.idx.msk $0xffff, v13;
	v17 =	vor.u32 s25, v63  }
0x1a3: {  	v1 =	vor.u32 v31, v1;
	v9 =	vld.idx.msk [tilespmem:v9+s11+$0x0], $0xffff;
	[tilespmem:v4+s14+$0x0] =	vst.idx.msk $0xffff, v5;
	v4 =	vor.u32 s26, v63;
	v52 =	vshll.u32 v17, $0x5  }
0x1a4: {  	v5 =	vor.u32 v33, v15;
	v15 =	vshll.u32 v4, $0x5;
	v7 =	vld.idx.msk [tilespmem:v7+s11+$0x0], $0xffff;
	v13 =	vor.u32 v0, v52  }
0x1a5: {  	v18 =	vor.u32 v0, v15;
	_ =	sdelay $0x1  }
0x1a6: {  	[tilespmem:v48+s14+$0x0] =	vst.idx.msk $0xffff, v57  }
0x1a7: {  	v20 =	vld.idx.msk [tilespmem:v53+s11+$0x0], $0xffff;
	v17 =	vand.u32 $0x78, v17;
	[tilespmem:v1+s14+$0x0] =	vst.idx.msk $0xffff, v9  }
0x1a8: {  	v4 =	vand.u32 $0x78, v4;
	v17 =	vor.u32 v21, v17;
	[tilespmem:v5+s14+$0x0] =	vst.idx.msk $0xffff, v7;
	v9 =	vld.idx.msk [tilespmem:v13+s11+$0x0], $0xffff  }
0x1a9: {  	v4 =	vor.u32 v21, v4;
	v1 =	vor.u32 v32, v17;
	v7 =	vld.idx.msk [tilespmem:v18+s11+$0x0], $0xffff  }
0x1aa: {  	v5 =	vor.u32 v35, v4;
	v60 =	vld [tilespmem:$0x1FF80];
	_ =	sdelay $0x2  }
0x1ab: {  	v11 =	vor.u32 v3, v52;
	[tilespmem:v50+s14+$0x0] =	vst.idx.msk $0xffff, v20  }
0x1ac: {  	v15 =	vor.u32 v3, v15;
	[tilespmem:v1+s14+$0x0] =	vst.idx.msk $0xffff, v9  }
0x1ad: {  	v20 =	vld.idx.msk [tilespmem:v54+s11+$0x0], $0xffff;
	v13 =	vor.u32 s24, v60;
	[tilespmem:v5+s14+$0x0] =	vst.idx.msk $0xffff, v7  }
0x1ae: {  	v62 =	vmov v25;
	v18 =	vshll.u32 v13, $0x5;
	v25 =	vld [tilespmem:$0x1FF70]  }
0x1af: {  	v1 =	vor.u32 v0, v18  }
0x1b0: {  	v54 =	vor.u32 v31, v17;
	v11 =	vld.idx.msk [tilespmem:v11+s11+$0x0], $0xffff  }
0x1b1: {  	v4 =	vor.u32 v33, v4;
	v21 =	vor.u32 s25, v60;
	v5 =	vor.u32 s26, v60;
	v15 =	vld.idx.msk [tilespmem:v15+s11+$0x0], $0xffff  }
0x1b2: {  	v17 =	vshll.u32 v21, $0x5;
	v7 =	vand.u32 $0x78, v13;
	v13 =	vshll.u32 v5, $0x5  }
0x1b3: {  	[tilespmem:v45+s14+$0x0] =	vst.idx.msk $0xffff, v20;
	v20 =	vand.u32 $0x78, v21;
	v21 =	vor.u32 v0, v13;
	v7 =	vor.u32 v25, v7  }
0x1b4: {  	v57 =	vor.u32 v0, v17;
	v59 =	vor.u32 v30, v7;
	v1 =	vld.idx.msk [tilespmem:v1+s11+$0x0], $0xffff  }
0x1b5: {  	[tilespmem:v54+s14+$0x0] =	vst.idx.msk $0xffff, v11  }
0x1b6: {  	v5 =	vand.u32 $0x78, v5;
	[tilespmem:v4+s14+$0x0] =	vst.idx.msk $0xffff, v15  }
0x1b7: {  	v5 =	vor.u32 v25, v5;
	v61 =	vld [tilespmem:$0x1FF50]  }
0x1b8: {  	v50 =	vor.u32 v3, v18;
	v20 =	vor.u32 v25, v20;
	v4 =	vor.u32 v35, v5;
	v15 =	vld.idx.msk [tilespmem:v21+s11+$0x0], $0xffff  }
0x1b9: {  	v52 =	vor.u32 v32, v20;
	v18 =	vld.idx.msk [tilespmem:v57+s11+$0x0], $0xffff;
	[tilespmem:v59+s14+$0x0] =	vst.idx.msk $0xffff, v1;
	v1 =	vor.u32 v3, v13  }
0x1ba: {  	v17 =	vor.u32 v3, v17;
	_ =	sdelay $0x1  }
0x1bb: {  	v7 =	vor.u32 v29, v7;
	v21 =	vor.u32 s24, v61  }
0x1bc: {  	v5 =	vor.u32 v33, v5;
	[tilespmem:v4+s14+$0x0] =	vst.idx.msk $0xffff, v15;
	v4 =	vor.u32 s26, v61;
	v13 =	vshll.u32 v21, $0x5;
	v9 =	vld.idx.msk [tilespmem:v50+s11+$0x0], $0xffff  }
0x1bd: {  	[tilespmem:v52+s14+$0x0] =	vst.idx.msk $0xffff, v18;
	v15 =	vand.u32 $0x78, v21;
	v21 =	vshll.u32 v4, $0x5;
	v54 =	vor.u32 v0, v13;
	v1 =	vld.idx.msk [tilespmem:v1+s11+$0x0], $0xffff  }
0x1be: {  	v53 =	vor.u32 s25, v61;
	v18 =	vor.u32 v31, v20;
	v17 =	vld.idx.msk [tilespmem:v17+s11+$0x0], $0xffff;
	v59 =	vor.u32 v0, v21  }
0x1bf: {  	v20 =	vshll.u32 v53, $0x5  }
0x1c0: {  	v57 =	vor.u32 v0, v20  }
0x1c1: {  	[tilespmem:v7+s14+$0x0] =	vst.idx.msk $0xffff, v9  }
0x1c2: {  	v11 =	vld.idx.msk [tilespmem:v54+s11+$0x0], $0xffff;
	[tilespmem:v5+s14+$0x0] =	vst.idx.msk $0xffff, v1  }
0x1c3: {  	v15 =	vor.u32 v8, v15;
	v7 =	vand.u32 $0x78, v53;
	[tilespmem:v18+s14+$0x0] =	vst.idx.msk $0xffff, v17;
	v5 =	vld.idx.msk [tilespmem:v59+s11+$0x0], $0xffff  }
0x1c4: {  	v52 =	vor.u32 v30, v15;
	v7 =	vor.u32 v8, v7;
	v59 =	vld [tilespmem:$0x1FF60]  }
0x1c5: {  	v4 =	vand.u32 $0x78, v4;
	v13 =	vor.u32 v3, v13;
	v18 =	vld.idx.msk [tilespmem:v57+s11+$0x0], $0xffff;
	v17 =	vor.u32 v32, v7  }
0x1c6: {  	v20 =	vor.u32 v3, v20;
	v4 =	vor.u32 v8, v4  }
0x1c7: {  	v1 =	vor.u32 v35, v4  }
0x1c8: {  	v54 =	vor.u32 v3, v21  }
0x1c9: {  	[tilespmem:v52+s14+$0x0] =	vst.idx.msk $0xffff, v11;
	v53 =	vor.u32 s24, v59  }
0x1ca: {  	v15 =	vor.u32 v29, v15;
	v13 =	vld.idx.msk [tilespmem:v13+s11+$0x0], $0xffff;
	[tilespmem:v17+s14+$0x0] =	vst.idx.msk $0xffff, v18;
	v21 =	vshll.u32 v53, $0x5  }
0x1cb: {  	v7 =	vor.u32 v31, v7;
	v20 =	vld.idx.msk [tilespmem:v20+s11+$0x0], $0xffff;
	v17 =	vor.u32 v0, v21  }
0x1cc: {  	v57 =	vor.u32 s25, v59;
	[tilespmem:v1+s14+$0x0] =	vst.idx.msk $0xffff, v5  }
0x1cd: {  	v4 =	vor.u32 v33, v4;
	v1 =	vor.u32 s26, v59;
	v18 =	vshll.u32 v57, $0x5;
	v11 =	vld.idx.msk [tilespmem:v54+s11+$0x0], $0xffff  }
0x1ce: {  	[tilespmem:v46+s14+$0x0] =	vst.idx.msk $0xffff, v49;
	v5 =	vand.u32 $0x78, v53;
	v53 =	vshll.u32 v1, $0x5;
	v52 =	vor.u32 v0, v18  }
0x1cf: {  	[tilespmem:v15+s14+$0x0] =	vst.idx.msk $0xffff, v13;
	v5 =	vor.u32 v62, v5;
	v15 =	vor.u32 v0, v53  }
0x1d0: {  	[tilespmem:v7+s14+$0x0] =	vst.idx.msk $0xffff, v20;
	v7 =	vor.u32 v30, v5;
	v17 =	vld.idx.msk [tilespmem:v17+s11+$0x0], $0xffff  }
0x1d1: {  	v46 =	vld.idx.msk [tilespmem:v47+s11+$0x0], $0xffff;
	v13 =	vand.u32 $0x78, v57  }
0x1d2: {  	v1 =	vand.u32 $0x78, v1;
	v13 =	vor.u32 v62, v13;
	[tilespmem:v4+s14+$0x0] =	vst.idx.msk $0xffff, v11;
	v4 =	vor.u32 v0, v43  }
0x1d3: {  	v1 =	vor.u32 v62, v1;
	v20 =	vor.u32 v3, v21;
	v21 =	vor.u32 v32, v13;
	v54 =	vld.idx.msk [tilespmem:v52+s11+$0x0], $0xffff  }
0x1d4: {  	v18 =	vor.u32 v3, v18;
	v57 =	vor.u32 v35, v1;
	v15 =	vld.idx.msk [tilespmem:v15+s11+$0x0], $0xffff  }
0x1d5: {  	v47 =	vand.u32 $0x78, v34;
	[tilespmem:v7+s14+$0x0] =	vst.idx.msk $0xffff, v17;
	v7 =	vor.u32 v3, v53  }
0x1d6: {  	v9 =	vor.u32 v56, v47;
	[tilespmem:v44+s14+$0x0] =	vst.idx.msk $0xffff, v46  }
0x1d7: {  	v49 =	vor.u32 v28, v9;
	v4 =	vld.idx.msk [tilespmem:v4+s11+$0x0], $0xffff  }
0x1d8: {  	v34 =	vshll.u32 v37, $0x5;
	v5 =	vor.u32 v29, v5;
	v17 =	vshll.u32 v36, $0x5;
	[tilespmem:v21+s14+$0x0] =	vst.idx.msk $0xffff, v54;
	v20 =	vld.idx.msk [tilespmem:v20+s11+$0x0], $0xffff  }
0x1d9: {  	v13 =	vor.u32 v31, v13;
	[tilespmem:v57+s14+$0x0] =	vst.idx.msk $0xffff, v15;
	v21 =	vor.u32 v0, v17;
	v18 =	vld.idx.msk [tilespmem:v18+s11+$0x0], $0xffff  }
0x1da: {  	v48 =	vor.u32 v0, v34;
	v1 =	vor.u32 v33, v1;
	v7 =	vld.idx.msk [tilespmem:v7+s11+$0x0], $0xffff;
	_ =	sdelay $0x1  }
0x1db: {  	v53 =	vshll.u32 v38, $0x5;
	[tilespmem:v49+s14+$0x0] =	vst.idx.msk $0xffff, v4  }
0x1dc: {  	v52 =	vand.u32 $0x78, v36;
	v15 =	vor.u32 v3, v43;
	v54 =	vor.u32 v0, v53;
	[tilespmem:v5+s14+$0x0] =	vst.idx.msk $0xffff, v20  }
0x1dd: {  	v5 =	vor.u32 v56, v52;
	v20 =	vand.u32 $0x78, v37;
	[tilespmem:v13+s14+$0x0] =	vst.idx.msk $0xffff, v18;
	v18 =	vld.idx.msk [tilespmem:v21+s11+$0x0], $0xffff  }
0x1de: {  	v13 =	vor.u32 v30, v5;
	v20 =	vor.u32 v56, v20;
	v57 =	vld.idx.msk [tilespmem:v48+s11+$0x0], $0xffff;
	[tilespmem:v1+s14+$0x0] =	vst.idx.msk $0xffff, v7  }
0x1df: {  	v50 =	vmov v8;
	v17 =	vor.u32 v3, v17;
	v21 =	vor.u32 v32, v20;
	v8 =	vld [tilespmem:$0x1FFC0]  }
0x1e0: {  	v38 =	vand.u32 $0x78, v38;
	v4 =	vor.u32 v3, v34  }
0x1e1: {  	v9 =	vor.u32 v27, v9;
	v11 =	vor.u32 v56, v38;
	v15 =	vld.idx.msk [tilespmem:v15+s11+$0x0], $0xffff  }
0x1e2: {  	v1 =	vor.u32 v35, v11;
	v7 =	vld.idx.msk [tilespmem:v54+s11+$0x0], $0xffff  }
0x1e3: {  	[tilespmem:v13+s14+$0x0] =	vst.idx.msk $0xffff, v18;
	v13 =	vor.u32 v3, v53  }
0x1e4: {  	v5 =	vor.u32 v29, v5;
	v17 =	vld.idx.msk [tilespmem:v17+s11+$0x0], $0xffff;
	[tilespmem:v21+s14+$0x0] =	vst.idx.msk $0xffff, v57;
	v44 =	vor.u32 s23, v8  }
0x1e5: {  	v20 =	vor.u32 v31, v20;
	v4 =	vld.idx.msk [tilespmem:v4+s11+$0x0], $0xffff;
	v45 =	vor.u32 s24, v8;
	v18 =	vshll.u32 v44, $0x5  }
0x1e6: {  	[tilespmem:v9+s14+$0x0] =	vst.idx.msk $0xffff, v15;
	v15 =	vor.u32 s25, v8;
	v46 =	vshll.u32 v45, $0x5;
	v21 =	vor.u32 v0, v18  }
0x1e7: {  	[tilespmem:v1+s14+$0x0] =	vst.idx.msk $0xffff, v7;
	v48 =	vshll.u32 v15, $0x5;
	v47 =	vor.u32 v0, v46  }
0x1e8: {  	v7 =	vor.u32 v33, v11;
	v13 =	vld.idx.msk [tilespmem:v13+s11+$0x0], $0xffff;
	v1 =	vor.u32 v0, v48  }
0x1e9: {  	v34 =	vand.u32 $0x78, v44;
	[tilespmem:v5+s14+$0x0] =	vst.idx.msk $0xffff, v17  }
0x1ea: {  	v49 =	vor.u32 s26, v8;
	v5 =	vor.u32 v19, v34;
	[tilespmem:v20+s14+$0x0] =	vst.idx.msk $0xffff, v4;
	v20 =	vand.u32 $0x78, v45  }
0x1eb: {  	v15 =	vand.u32 $0x78, v15;
	v4 =	vor.u32 v28, v5;
	v20 =	vor.u32 v19, v20;
	v21 =	vld.idx.msk [tilespmem:v21+s11+$0x0], $0xffff  }
0x1ec: {  	v52 =	vshll.u32 v49, $0x5;
	v15 =	vor.u32 v19, v15;
	v53 =	vor.u32 v30, v20;
	v54 =	vld.idx.msk [tilespmem:v47+s11+$0x0], $0xffff  }
0x1ed: {  	v17 =	vor.u32 v0, v52;
	[tilespmem:v7+s14+$0x0] =	vst.idx.msk $0xffff, v13;
	v7 =	vor.u32 v32, v15;
	v1 =	vld.idx.msk [tilespmem:v1+s11+$0x0], $0xffff;
	_ =	sdelay $0x2  }
0x1ee: {  	v18 =	vor.u32 v3, v18;
	[tilespmem:v4+s14+$0x0] =	vst.idx.msk $0xffff, v21  }
0x1ef: {  	v57 =	vand.u32 $0x78, v49;
	v9 =	vor.u32 v3, v46;
	[tilespmem:v53+s14+$0x0] =	vst.idx.msk $0xffff, v54  }
0x1f0: {  	v43 =	vor.u32 v3, v48;
	v13 =	vor.u32 v19, v57;
	v17 =	vld.idx.msk [tilespmem:v17+s11+$0x0], $0xffff;
	[tilespmem:v7+s14+$0x0] =	vst.idx.msk $0xffff, v1  }
0x1f1: {  	v44 =	vor.u32 v35, v13;
	v8 =	vld [tilespmem:$0x1FFE0]  }
0x1f2: {  	v11 =	vor.u32 v3, v52  }
0x1f3: {  	v4 =	vor.u32 v27, v5;
	v5 =	vld.idx.msk [tilespmem:v18+s11+$0x0], $0xffff  }
0x1f4: {  	v18 =	vor.u32 v29, v20;
	v9 =	vld.idx.msk [tilespmem:v9+s11+$0x0], $0xffff  }
0x1f5: {  	v7 =	vor.u32 v31, v15;
	v15 =	vld.idx.msk [tilespmem:v43+s11+$0x0], $0xffff  }
0x1f6: {  	[tilespmem:v44+s14+$0x0] =	vst.idx.msk $0xffff, v17;
	v1 =	vor.u32 s23, v8  }
0x1f7: {  	v13 =	vor.u32 v33, v13;
	v11 =	vld.idx.msk [tilespmem:v11+s11+$0x0], $0xffff;
	v20 =	vor.u32 s24, v8;
	v17 =	vshll.u32 v1, $0x5  }
0x1f8: {  	[tilespmem:v4+s14+$0x0] =	vst.idx.msk $0xffff, v5;
	v47 =	vor.u32 s26, v8;
	v45 =	vshll.u32 v20, $0x5;
	v21 =	vor.u32 v0, v17  }
0x1f9: {  	v46 =	vor.u32 s25, v8;
	[tilespmem:v18+s14+$0x0] =	vst.idx.msk $0xffff, v9;
	v18 =	vshll.u32 v47, $0x5;
	v4 =	vor.u32 v0, v45  }
0x1fa: {  	[tilespmem:v7+s14+$0x0] =	vst.idx.msk $0xffff, v15;
	v5 =	vshll.u32 v46, $0x5;
	v7 =	vor.u32 v0, v18  }
0x1fb: {  	v1 =	vand.u32 $0x78, v1;
	v15 =	vand.u32 $0x78, v20;
	v48 =	vor.u32 v0, v5  }
0x1fc: {  	v49 =	vld.idx.msk [tilespmem:v41+s11+$0x0], $0xffff;
	[tilespmem:v13+s14+$0x0] =	vst.idx.msk $0xffff, v11;
	v1 =	vor.u32 v10, v1;
	v15 =	vor.u32 v10, v15  }
0x1fd: {  	v13 =	vor.u32 v28, v1;
	v28 =	vor.u32 v30, v15;
	v30 =	vand.u32 $0x78, v47;
	v20 =	vld.idx.msk [tilespmem:v21+s11+$0x0], $0xffff  }
0x1fe: {  	v17 =	vor.u32 v3, v17;
	v30 =	vor.u32 v10, v30;
	v21 =	vand.u32 $0x78, v46;
	v4 =	vld.idx.msk [tilespmem:v4+s11+$0x0], $0xffff  }
0x1ff: {  	v34 =	vor.u32 v3, v45;
	v53 =	vor.u32 v35, v30;
	v7 =	vld.idx.msk [tilespmem:v7+s11+$0x0], $0xffff;
	v21 =	vor.u32 v10, v21  }
0x200: {  	v54 =	vor.u32 v3, v18;
	v9 =	vld.idx.msk [tilespmem:v48+s11+$0x0], $0xffff;
	v52 =	vor.u32 v32, v21  }
0x201: {  	[tilespmem:v42+s14+$0x0] =	vst.idx.msk $0xffff, v49;
	v5 =	vor.u32 v3, v5  }
0x202: {  	[tilespmem:v13+s14+$0x0] =	vst.idx.msk $0xffff, v20;
	v13 =	vld.idx.msk [tilespmem:v39+s11+$0x0], $0xffff  }
0x203: {  	v1 =	vor.u32 v27, v1;
	[tilespmem:v28+s14+$0x0] =	vst.idx.msk $0xffff, v4;
	v4 =	vld.idx.msk [tilespmem:v17+s11+$0x0], $0xffff  }
0x204: {  	v57 =	vor.u32 v29, v15;
	[tilespmem:v53+s14+$0x0] =	vst.idx.msk $0xffff, v7;
	v15 =	vld.idx.msk [tilespmem:v34+s11+$0x0], $0xffff  }
0x205: {  	v17 =	vor.u32 v33, v30;
	v11 =	vld.idx.msk [tilespmem:v54+s11+$0x0], $0xffff;
	[tilespmem:v52+s14+$0x0] =	vst.idx.msk $0xffff, v9  }
0x206: {  	v7 =	vor.u32 v31, v21;
	v5 =	vld.idx.msk [tilespmem:v5+s11+$0x0], $0xffff  }
0x207: {  	p1 =	sne.s32 s21, $0x18;
	[tilespmem:v40+s14+$0x0] =	vst.idx.msk $0xffff, v13  }
.Ltmp3:
0x208: {  	[tilespmem:v1+s14+$0x0] =	vst.idx.msk $0xffff, v4;
	(pc) =	sbr.rel @p1 .LBB2_10-.Ltmp3, $4  }
0x209: {  	s31 =	sshll.u32 s21, $0x11;
	[tilespmem:v57+s14+$0x0] =	vst.idx.msk $0xffff, v15  }
0x20a: {  	s23 =	sadd.s32 s1, s31;
	[tilespmem:v17+s14+$0x0] =	vst.idx.msk $0xffff, v11  }
0x20b: {  	v16 =	vmovc v19;
	v36 =	vmovc v58;
	v42 =	vmov v60;
	v49 =	vmov v59;
	v60 =	vmov v14;
	s23 =	sadd.s32 s6, s23;
	[tilespmem:v7+s14+$0x0] =	vst.idx.msk $0xffff, v5  }
0x20c: {  	v14 =	vmovc v56;
	v47 =	vmovc v61;
	v30 =	vmov v24;
	v34 =	vmov v10;
	v52 =	vmov v2;
	[hbm4b:s23+s15] =	stream.strided.scatter [tilespmem:s14], [sflag:$0x2], $0x4000, s16, s15, $0x38;
	[tilespmem:$0x16400] =	vst v63  }
.Ltmp4:
0x20d: {  	(pc) =	sbr.rel .LBB2_11-.Ltmp4, $4  }
0x20e: {  	_ =	swait.ge [sflag:s13], $0x4000  }
0x20f: {  	v8 =	vld [tilespmem:$0x1FEE0]  }
0x210: {  	[sflag:s13] =	ssyncset.done $0x0;
	v57 =	vld [tilespmem:$0x1FEF0]  }
0x211: {  	v58 =	vld [tilespmem:$0x1FF00];
	[sflag:s13] =	ssyncadd.s32 $0xFFFFC000  }
.LBB2_10:
0x212: {  	s23 =	sshll.u32 s21, $0xA  }
0x213: {  	s23 =	sand.u32 $0x3FFFFC00, s23  }
0x214: {  	s23 =	sadd.s32 $0x400, s23  }
0x215: {  	[tilespmem:s11], [sflag:$0x1] =	stream.indirect.gather [hbm4b:s4+s8], $0x20, s23, s8, $0xb8;
	[tilespmem:$0x16400] =	vst v63  }
.Ltmp5:
0x216: {  	_ = 	snop;
	(pc) =	sbr.rel @p0 .LBB2_12-.Ltmp5, $4  }
0x217: {  	_ =	swait.ge [sflag:s13], $0x4000  }
0x218: {  	v8 =	vld [tilespmem:$0x1FEE0]  }
0x219: {  	[sflag:s13] =	ssyncset.done $0x0;
	v57 =	vld [tilespmem:$0x1FEF0]  }
0x21a: {  	v58 =	vld [tilespmem:$0x1FF00];
	[sflag:s13] =	ssyncadd.s32 $0xFFFFC000  }
.LBB2_11:
0x21b: {  	_ =	swait.ge [sflag:s17], $0x4000  }
0x21c: {  	[sflag:s17] =	ssyncset.done $0x0  }
0x21d: {  	[sflag:s17] =	ssyncadd.s32 $0xFFFFC000  }
.LBB2_12:
0x21e: {  	s28 =	simm.s32 $0x0  }
0x21f: {  	v1 =	vor.u32 s28, v0  }
0x220: {  	v4 =	vshll.u32 v1, $0x5  }
0x221: {  	v5 =	vor.u32 v0, v4  }
0x222: {  	v7 =	vmov s28  }
0x223: {  	v7 =	vshll.u32 v7, $0x3  }
0x224: {  	v1 =	vand.u32 $0x78, v1;
	v7 =	vand.u32 $0xC00, v7  }
0x225: {  	v1 =	vor.u32 v52, v1;
	v39 =	vor.u32 v51, v7  }
0x226: {  	v9 =	vor.u32 v39, v1;
	v5 =	vld.idx.msk [tilespmem:v5+s12+$0x0], $0xffff  }
0x227: {  	v4 =	vor.u32 v3, v4;
	_ =	sdelay $0x3  }
0x228: {  	v40 =	vor.u32 v8, v7;
	v7 =	vor.u32 s28, v57;
	[tilespmem:v9+s18+$0x0] =	vst.idx.msk $0xffff, v5  }
0x229: {  	v1 =	vor.u32 v40, v1;
	v5 =	vshll.u32 v7, $0x5;
	v4 =	vld.idx.msk [tilespmem:v4+s12+$0x0], $0xffff  }
0x22a: {  	v9 =	vor.u32 v0, v5;
	_ =	sdelay $0x2  }
0x22b: {  	v7 =	vand.u32 $0x78, v7  }
0x22c: {  	v7 =	vor.u32 v6, v7;
	[tilespmem:v1+s18+$0x0] =	vst.idx.msk $0xffff, v4  }
0x22d: {  	v1 =	vor.u32 v39, v7;
	v4 =	vld.idx.msk [tilespmem:v9+s12+$0x0], $0xffff  }
0x22e: {  	v5 =	vor.u32 v3, v5;
	_ =	sdelay $0x3  }
0x22f: {  	v9 =	vor.u32 s28, v58;
	[tilespmem:v1+s18+$0x0] =	vst.idx.msk $0xffff, v4  }
0x230: {  	v1 =	vor.u32 v40, v7;
	v4 =	vshll.u32 v9, $0x5;
	v5 =	vld.idx.msk [tilespmem:v5+s12+$0x0], $0xffff  }
0x231: {  	v7 =	vor.u32 v0, v4;
	_ =	sdelay $0x2  }
0x232: {  	v9 =	vand.u32 $0x78, v9  }
0x233: {  	v9 =	vor.u32 v25, v9;
	[tilespmem:v1+s18+$0x0] =	vst.idx.msk $0xffff, v5  }
0x234: {  	v1 =	vor.u32 v39, v9;
	v5 =	vld.idx.msk [tilespmem:v7+s12+$0x0], $0xffff  }
0x235: {  	v4 =	vor.u32 v3, v4;
	_ =	sdelay $0x3  }
0x236: {  	v7 =	vor.u32 s28, v22;
	[tilespmem:v1+s18+$0x0] =	vst.idx.msk $0xffff, v5  }
0x237: {  	v1 =	vor.u32 v40, v9;
	v5 =	vshll.u32 v7, $0x5;
	v4 =	vld.idx.msk [tilespmem:v4+s12+$0x0], $0xffff  }
0x238: {  	v9 =	vor.u32 v0, v5;
	_ =	sdelay $0x1  }
0x239: {  	s23 =	simm.s32 $0x10  }
0x23a: {  	v11 =	vor.u32 s23, v0;
	v7 =	vand.u32 $0x78, v7  }
0x23b: {  	v13 =	vshll.u32 v11, $0x5;
	v7 =	vor.u32 v50, v7;
	[tilespmem:v1+s18+$0x0] =	vst.idx.msk $0xffff, v4  }
0x23c: {  	v15 =	vor.u32 v0, v13;
	v4 =	vor.u32 v39, v7;
	v9 =	vld.idx.msk [tilespmem:v9+s12+$0x0], $0xffff  }
0x23d: {  	v5 =	vor.u32 v3, v5;
	v1 =	vmov s23  }
0x23e: {  	v1 =	vshll.u32 v1, $0x3  }
0x23f: {  	v11 =	vand.u32 $0x78, v11;
	v1 =	vand.u32 $0xC00, v1  }
0x240: {  	v11 =	vor.u32 v52, v11;
	v28 =	vor.u32 v51, v1  }
0x241: {  	v18 =	vor.u32 s28, v60;
	v15 =	vld.idx.msk [tilespmem:v15+s12+$0x0], $0xffff;
	v17 =	vor.u32 v28, v11;
	[tilespmem:v4+s18+$0x0] =	vst.idx.msk $0xffff, v9  }
0x242: {  	v13 =	vor.u32 v3, v13;
	v4 =	vor.u32 v40, v7;
	v7 =	vshll.u32 v18, $0x5;
	v5 =	vld.idx.msk [tilespmem:v5+s12+$0x0], $0xffff  }
0x243: {  	v9 =	vor.u32 v0, v7;
	_ =	sdelay $0x1  }
0x244: {  	v27 =	vor.u32 v8, v1  }
0x245: {  	v1 =	vor.u32 s23, v57;
	v11 =	vor.u32 v27, v11;
	[tilespmem:v17+s18+$0x0] =	vst.idx.msk $0xffff, v15;
	v15 =	vand.u32 $0x78, v18  }
0x246: {  	v17 =	vshll.u32 v1, $0x5;
	v13 =	vld.idx.msk [tilespmem:v13+s12+$0x0], $0xffff;
	v15 =	vor.u32 v62, v15;
	[tilespmem:v4+s18+$0x0] =	vst.idx.msk $0xffff, v5  }
0x247: {  	v18 =	vor.u32 v0, v17;
	v4 =	vor.u32 v39, v15;
	v5 =	vld.idx.msk [tilespmem:v9+s12+$0x0], $0xffff  }
0x248: {  	v7 =	vor.u32 v3, v7  }
0x249: {  	v1 =	vand.u32 $0x78, v1  }
0x24a: {  	v1 =	vor.u32 v6, v1  }
0x24b: {  	v9 =	vor.u32 v28, v1;
	[tilespmem:v11+s18+$0x0] =	vst.idx.msk $0xffff, v13  }
0x24c: {  	v13 =	vor.u32 v3, v17;
	v17 =	vor.u32 s28, v12;
	v11 =	vld.idx.msk [tilespmem:v18+s12+$0x0], $0xffff;
	[tilespmem:v4+s18+$0x0] =	vst.idx.msk $0xffff, v5  }
0x24d: {  	v4 =	vor.u32 v40, v15;
	v5 =	vshll.u32 v17, $0x5;
	v7 =	vld.idx.msk [tilespmem:v7+s12+$0x0], $0xffff  }
0x24e: {  	v15 =	vor.u32 v0, v5;
	_ =	sdelay $0x2  }
0x24f: {  	v1 =	vor.u32 v27, v1;
	v18 =	vor.u32 s23, v58;
	[tilespmem:v9+s18+$0x0] =	vst.idx.msk $0xffff, v11;
	v9 =	vand.u32 $0x78, v17  }
0x250: {  	v11 =	vshll.u32 v18, $0x5;
	v13 =	vld.idx.msk [tilespmem:v13+s12+$0x0], $0xffff;
	v9 =	vor.u32 v14, v9;
	[tilespmem:v4+s18+$0x0] =	vst.idx.msk $0xffff, v7  }
0x251: {  	v17 =	vor.u32 v0, v11;
	v4 =	vor.u32 v39, v9;
	v7 =	vld.idx.msk [tilespmem:v15+s12+$0x0], $0xffff  }
0x252: {  	v5 =	vor.u32 v3, v5;
	_ =	sdelay $0x1  }
0x253: {  	v15 =	vand.u32 $0x78, v18  }
0x254: {  	v15 =	vor.u32 v25, v15;
	[tilespmem:v1+s18+$0x0] =	vst.idx.msk $0xffff, v13  }
0x255: {  	v1 =	vor.u32 v28, v15;
	v13 =	vld.idx.msk [tilespmem:v17+s12+$0x0], $0xffff;
	v17 =	vor.u32 s28, v55;
	[tilespmem:v4+s18+$0x0] =	vst.idx.msk $0xffff, v7  }
0x256: {  	v11 =	vor.u32 v3, v11;
	v4 =	vor.u32 v40, v9;
	v7 =	vshll.u32 v17, $0x5;
	v5 =	vld.idx.msk [tilespmem:v5+s12+$0x0], $0xffff  }
0x257: {  	v9 =	vor.u32 v0, v7;
	_ =	sdelay $0x2  }
0x258: {  	v18 =	vor.u32 s23, v22;
	[tilespmem:v1+s18+$0x0] =	vst.idx.msk $0xffff, v13;
	v1 =	vor.u32 v27, v15;
	v13 =	vand.u32 $0x78, v17  }
0x259: {  	s24 =	simm.s32 $0x20;
	v15 =	vshll.u32 v18, $0x5;
	v11 =	vld.idx.msk [tilespmem:v11+s12+$0x0], $0xffff;
	v13 =	vor.u32 v16, v13;
	[tilespmem:v4+s18+$0x0] =	vst.idx.msk $0xffff, v5  }
0x25a: {  	v17 =	vor.u32 v0, v15;
	v4 =	vor.u32 v39, v13;
	v5 =	vor.u32 s24, v0;
	v9 =	vld.idx.msk [tilespmem:v9+s12+$0x0], $0xffff  }
0x25b: {  	v7 =	vor.u32 v3, v7;
	v20 =	vshll.u32 v5, $0x5  }
0x25c: {  	v18 =	vand.u32 $0x78, v18;
	v21 =	vor.u32 v0, v20  }
0x25d: {  	v29 =	vmov s24;
	v31 =	vor.u32 s28, v30;
	v18 =	vor.u32 v50, v18  }
0x25e: {  	v15 =	vor.u32 v3, v15;
	v13 =	vor.u32 v40, v13;
	[tilespmem:v1+s18+$0x0] =	vst.idx.msk $0xffff, v11;
	v1 =	vshll.u32 v29, $0x3  }
0x25f: {  	v5 =	vand.u32 $0x78, v5;
	v11 =	vor.u32 v28, v18;
	v17 =	vld.idx.msk [tilespmem:v17+s12+$0x0], $0xffff;
	v1 =	vand.u32 $0xC00, v1;
	[tilespmem:v4+s18+$0x0] =	vst.idx.msk $0xffff, v9  }
0x260: {  	v61 =	vmovc v30;
	v30 =	vor.u32 v51, v1;
	v4 =	vor.u32 v52, v5;
	v5 =	vshll.u32 v31, $0x5;
	v7 =	vld.idx.msk [tilespmem:v7+s12+$0x0], $0xffff  }
0x261: {  	v9 =	vor.u32 v30, v4;
	v32 =	vor.u32 v0, v5;
	v21 =	vld.idx.msk [tilespmem:v21+s12+$0x0], $0xffff  }
0x262: {  	v20 =	vor.u32 v3, v20  }
0x263: {  	v33 =	vor.u32 s23, v60;
	v18 =	vor.u32 v27, v18  }
0x264: {  	v29 =	vor.u32 v8, v1;
	v1 =	vand.u32 $0x78, v31;
	[tilespmem:v11+s18+$0x0] =	vst.idx.msk $0xffff, v17;
	v11 =	vshll.u32 v33, $0x5  }
0x265: {  	v1 =	vor.u32 v34, v1;
	v15 =	vld.idx.msk [tilespmem:v15+s12+$0x0], $0xffff;
	v17 =	vor.u32 v0, v11;
	[tilespmem:v13+s18+$0x0] =	vst.idx.msk $0xffff, v7  }
0x266: {  	v7 =	vor.u32 v39, v1;
	v13 =	vor.u32 s24, v57;
	[tilespmem:v9+s18+$0x0] =	vst.idx.msk $0xffff, v21;
	v9 =	vld.idx.msk [tilespmem:v32+s12+$0x0], $0xffff  }
0x267: {  	v4 =	vor.u32 v29, v4;
	v5 =	vor.u32 v3, v5;
	v21 =	vshll.u32 v13, $0x5;
	v20 =	vld.idx.msk [tilespmem:v20+s12+$0x0], $0xffff  }
0x268: {  	v31 =	vand.u32 $0x78, v33;
	v44 =	vor.u32 v0, v21  }
0x269: {  	v31 =	vor.u32 v62, v31  }
0x26a: {  	v11 =	vor.u32 v3, v11;
	v1 =	vor.u32 v40, v1;
	[tilespmem:v18+s18+$0x0] =	vst.idx.msk $0xffff, v15  }
0x26b: {  	v13 =	vand.u32 $0x78, v13;
	v15 =	vor.u32 v28, v31;
	v18 =	vor.u32 s28, v36;
	v17 =	vld.idx.msk [tilespmem:v17+s12+$0x0], $0xffff;
	[tilespmem:v7+s18+$0x0] =	vst.idx.msk $0xffff, v9  }
0x26c: {  	v7 =	vor.u32 v6, v13;
	v9 =	vshll.u32 v18, $0x5;
	[tilespmem:v4+s18+$0x0] =	vst.idx.msk $0xffff, v20;
	v4 =	vld.idx.msk [tilespmem:v5+s12+$0x0], $0xffff  }
0x26d: {  	v5 =	vor.u32 v27, v31;
	v13 =	vor.u32 v30, v7;
	v20 =	vor.u32 v0, v9;
	v31 =	vld.idx.msk [tilespmem:v44+s12+$0x0], $0xffff  }
0x26e: {  	v21 =	vor.u32 v3, v21  }
0x26f: {  	v45 =	vor.u32 s23, v12;
	v48 =	vor.u32 s28, v63;
	v54 =	vor.u32 s28, v42  }
0x270: {  	v32 =	vshll.u32 v45, $0x5;
	v18 =	vand.u32 $0x78, v18;
	v7 =	vor.u32 v29, v7;
	[tilespmem:v15+s18+$0x0] =	vst.idx.msk $0xffff, v17  }
0x271: {  	v15 =	vor.u32 v52, v18;
	v17 =	vor.u32 v0, v32;
	v11 =	vld.idx.msk [tilespmem:v11+s12+$0x0], $0xffff;
	[tilespmem:v1+s18+$0x0] =	vst.idx.msk $0xffff, v4  }
0x272: {  	v46 =	vand.u32 $0x78, v45;
	v1 =	vor.u32 v39, v15;
	v4 =	vor.u32 s24, v58;
	[tilespmem:v13+s18+$0x0] =	vst.idx.msk $0xffff, v31;
	v13 =	vld.idx.msk [tilespmem:v20+s12+$0x0], $0xffff  }
0x273: {  	v9 =	vor.u32 v3, v9;
	v20 =	vand.u32 $0x78, v4;
	v4 =	vshll.u32 v4, $0x5;
	v21 =	vld.idx.msk [tilespmem:v21+s12+$0x0], $0xffff  }
0x274: {  	v53 =	vshll.u32 v48, $0x5;
	v43 =	vshll.u32 v54, $0x5;
	v31 =	vor.u32 v0, v4  }
0x275: {  	s25 =	simm.s32 $0x30;
	v37 =	vor.u32 v0, v53;
	v41 =	vor.u32 v3, v53;
	v18 =	vor.u32 v14, v46  }
0x276: {  	v53 =	vor.u32 s23, v61;
	v46 =	vor.u32 s25, v0;
	v35 =	vor.u32 v28, v18;
	[tilespmem:v5+s18+$0x0] =	vst.idx.msk $0xffff, v11  }
0x277: {  	v18 =	vor.u32 v27, v18;
	v15 =	vor.u32 v40, v15;
	v17 =	vld.idx.msk [tilespmem:v17+s12+$0x0], $0xffff;
	[tilespmem:v1+s18+$0x0] =	vst.idx.msk $0xffff, v13  }
0x278: {  	v20 =	vor.u32 v25, v20;
	v5 =	vor.u32 v3, v32;
	[tilespmem:v7+s18+$0x0] =	vst.idx.msk $0xffff, v21;
	v9 =	vld.idx.msk [tilespmem:v9+s12+$0x0], $0xffff  }
0x279: {  	v56 =	vmovc v36;
	v4 =	vor.u32 v3, v4;
	v36 =	vor.u32 v30, v20;
	v11 =	vand.u32 $0x78, v48;
	v13 =	vld.idx.msk [tilespmem:v31+s12+$0x0], $0xffff  }
0x27a: {  	v20 =	vor.u32 v29, v20;
	v32 =	vand.u32 $0x78, v46;
	v11 =	vor.u32 v6, v11  }
0x27b: {  	v1 =	vor.u32 v39, v11;
	v7 =	vor.u32 s23, v55;
	v11 =	vor.u32 v40, v11  }
0x27c: {  	v21 =	vand.u32 $0x78, v7;
	v7 =	vshll.u32 v7, $0x5;
	v31 =	vor.u32 s24, v22;
	[tilespmem:v35+s18+$0x0] =	vst.idx.msk $0xffff, v17  }
0x27d: {  	v38 =	vor.u32 v0, v7;
	v21 =	vor.u32 v16, v21;
	v5 =	vld.idx.msk [tilespmem:v5+s12+$0x0], $0xffff;
	[tilespmem:v15+s18+$0x0] =	vst.idx.msk $0xffff, v9  }
0x27e: {  	v24 =	vmovc v63;
	v59 =	vand.u32 $0x78, v31;
	v63 =	vshll.u32 v31, $0x5;
	[tilespmem:v36+s18+$0x0] =	vst.idx.msk $0xffff, v13;
	v36 =	vshll.u32 v46, $0x5  }
0x27f: {  	v31 =	vmov s25;
	v7 =	vor.u32 v3, v7;
	v13 =	vld.idx.msk [tilespmem:v37+s12+$0x0], $0xffff;
	v48 =	vor.u32 v0, v36  }
0x280: {  	v17 =	vor.u32 v27, v21;
	v44 =	vor.u32 v0, v63;
	v45 =	vor.u32 v50, v59;
	v4 =	vld.idx.msk [tilespmem:v4+s12+$0x0], $0xffff  }
0x281: {  	v26 =	vmovc v16;
	v16 =	vmovc v42;
	v21 =	vor.u32 v28, v21;
	v31 =	vshll.u32 v31, $0x3;
	v42 =	vor.u32 v3, v63  }
0x282: {  	v31 =	vand.u32 $0xC00, v31;
	v9 =	vor.u32 v3, v43;
	v15 =	vor.u32 v29, v45;
	[tilespmem:v18+s18+$0x0] =	vst.idx.msk $0xffff, v5  }
0x283: {  	v5 =	vor.u32 v52, v32;
	v32 =	vor.u32 v51, v31;
	v31 =	vor.u32 v8, v31;
	v18 =	vld.idx.msk [tilespmem:v38+s12+$0x0], $0xffff  }
0x284: {  	v46 =	vor.u32 v31, v5;
	v5 =	vor.u32 v32, v5;
	[tilespmem:v1+s18+$0x0] =	vst.idx.msk $0xffff, v13;
	v37 =	vld.idx.msk [tilespmem:v48+s12+$0x0], $0xffff  }
0x285: {  	v36 =	vor.u32 v3, v36;
	v38 =	vand.u32 $0x78, v53;
	v1 =	vand.u32 $0x78, v54;
	[tilespmem:v20+s18+$0x0] =	vst.idx.msk $0xffff, v4;
	v54 =	vld.idx.msk [tilespmem:v41+s12+$0x0], $0xffff  }
0x286: {  	v19 =	vmovc v34;
	v13 =	vshll.u32 v53, $0x5;
	v4 =	vor.u32 v30, v45;
	v20 =	vor.u32 v0, v43;
	v59 =	vld.idx.msk [tilespmem:v44+s12+$0x0], $0xffff  }
0x287: {  	v38 =	vor.u32 v19, v38;
	v1 =	vor.u32 v25, v1;
	v43 =	vor.u32 v0, v13  }
0x288: {  	v48 =	vor.u32 s24, v60;
	v13 =	vor.u32 v3, v13;
	v63 =	vor.u32 v39, v1;
	[tilespmem:v21+s18+$0x0] =	vst.idx.msk $0xffff, v18  }
0x289: {  	v1 =	vor.u32 v40, v1;
	v18 =	vand.u32 $0x78, v48;
	v21 =	vshll.u32 v48, $0x5;
	v7 =	vld.idx.msk [tilespmem:v7+s12+$0x0], $0xffff;
	[tilespmem:v5+s18+$0x0] =	vst.idx.msk $0xffff, v37  }
0x28a: {  	v53 =	vor.u32 s28, v47;
	v45 =	vor.u32 v0, v21;
	v18 =	vor.u32 v62, v18;
	[tilespmem:v11+s18+$0x0] =	vst.idx.msk $0xffff, v54  }
0x28b: {  	v21 =	vor.u32 v3, v21;
	v35 =	vor.u32 v30, v18;
	[tilespmem:v4+s18+$0x0] =	vst.idx.msk $0xffff, v59;
	v20 =	vld.idx.msk [tilespmem:v20+s12+$0x0], $0xffff  }
0x28c: {  	v11 =	vor.u32 v28, v38;
	v4 =	vor.u32 v29, v18;
	v18 =	vor.u32 s25, v57;
	v41 =	vld.idx.msk [tilespmem:v42+s12+$0x0], $0xffff  }
0x28d: {  	v38 =	vor.u32 v27, v38;
	v36 =	vld.idx.msk [tilespmem:v36+s12+$0x0], $0xffff;
	v5 =	vand.u32 $0x78, v18;
	v18 =	vshll.u32 v18, $0x5  }
0x28e: {  	v54 =	vshll.u32 v53, $0x5;
	v42 =	vand.u32 $0x78, v53;
	v37 =	vor.u32 v0, v18;
	[tilespmem:v17+s18+$0x0] =	vst.idx.msk $0xffff, v7  }
0x28f: {  	v44 =	vor.u32 v3, v54;
	v5 =	vor.u32 v6, v5;
	v42 =	vor.u32 v50, v42;
	v43 =	vld.idx.msk [tilespmem:v43+s12+$0x0], $0xffff  }
0x290: {  	v18 =	vor.u32 v3, v18;
	v7 =	vor.u32 v32, v5;
	v17 =	vor.u32 s23, v56;
	[tilespmem:v63+s18+$0x0] =	vst.idx.msk $0xffff, v20  }
0x291: {  	v33 =	vor.u32 s28, v23;
	v5 =	vor.u32 v31, v5;
	v48 =	vshll.u32 v17, $0x5;
	[tilespmem:v15+s18+$0x0] =	vst.idx.msk $0xffff, v41;
	v9 =	vld.idx.msk [tilespmem:v9+s12+$0x0], $0xffff  }
0x292: {  	v17 =	vand.u32 $0x78, v17;
	[tilespmem:v46+s18+$0x0] =	vst.idx.msk $0xffff, v36;
	v15 =	vor.u32 v0, v54;
	v63 =	vor.u32 s24, v12;
	v41 =	vld.idx.msk [tilespmem:v45+s12+$0x0], $0xffff  }
0x293: {  	v10 =	vmovc v50;
	v17 =	vor.u32 v52, v17;
	v20 =	vor.u32 v0, v48;
	v37 =	vld.idx.msk [tilespmem:v37+s12+$0x0], $0xffff;
	v50 =	vand.u32 $0x78, v63  }
0x294: {  	v59 =	vmovc v47;
	v54 =	vor.u32 s25, v58;
	v47 =	vshll.u32 v63, $0x5;
	v53 =	vor.u32 v14, v50;
	[tilespmem:v11+s18+$0x0] =	vst.idx.msk $0xffff, v43  }
0x295: {  	v45 =	vor.u32 v39, v42;
	v11 =	vor.u32 v0, v47;
	v46 =	vor.u32 v30, v53;
	v13 =	vld.idx.msk [tilespmem:v13+s12+$0x0], $0xffff  }
0x296: {  	v63 =	vand.u32 $0x78, v54;
	v43 =	vor.u32 v29, v53;
	[tilespmem:v1+s18+$0x0] =	vst.idx.msk $0xffff, v9;
	v1 =	vor.u32 v28, v17  }
0x297: {  	v9 =	vor.u32 v3, v48;
	v17 =	vor.u32 v27, v17;
	[tilespmem:v35+s18+$0x0] =	vst.idx.msk $0xffff, v41;
	v15 =	vld.idx.msk [tilespmem:v15+s12+$0x0], $0xffff  }
0x298: {  	v35 =	vor.u32 v40, v42;
	v42 =	vshll.u32 v54, $0x5;
	v48 =	vor.u32 s28, v49;
	[tilespmem:v7+s18+$0x0] =	vst.idx.msk $0xffff, v37;
	v21 =	vld.idx.msk [tilespmem:v21+s12+$0x0], $0xffff  }
0x299: {  	v7 =	vor.u32 v25, v63;
	v63 =	vmovc v49;
	v49 =	vor.u32 s23, v24;
	v37 =	vor.u32 v0, v42  }
0x29a: {  	v18 =	vld.idx.msk [tilespmem:v18+s12+$0x0], $0xffff;
	v41 =	vor.u32 v32, v7;
	v7 =	vor.u32 v31, v7;
	[tilespmem:v38+s18+$0x0] =	vst.idx.msk $0xffff, v13  }
0x29b: {  	v2 =	vmovc v22;
	v24 =	vmovc v51;
	v53 =	vand.u32 $0x78, v49;
	v49 =	vshll.u32 v49, $0x5;
	v42 =	vor.u32 v3, v42;
	v20 =	vld.idx.msk [tilespmem:v20+s12+$0x0], $0xffff  }
0x29c: {  	v51 =	vor.u32 s23, v16;
	v13 =	vor.u32 v3, v47;
	v38 =	vor.u32 v0, v49;
	[tilespmem:v45+s18+$0x0] =	vst.idx.msk $0xffff, v15  }
0x29d: {  	v54 =	vshll.u32 v48, $0x5;
	v15 =	vor.u32 v6, v53;
	v53 =	vand.u32 $0x78, v48;
	[tilespmem:v4+s18+$0x0] =	vst.idx.msk $0xffff, v21;
	v44 =	vld.idx.msk [tilespmem:v44+s12+$0x0], $0xffff  }
0x29e: {  	v48 =	vor.u32 v28, v15;
	v4 =	vor.u32 v27, v15;
	v15 =	vor.u32 v0, v54;
	v11 =	vld.idx.msk [tilespmem:v11+s12+$0x0], $0xffff  }
0x29f: {  	v47 =	vor.u32 v3, v54;
	v21 =	vor.u32 s24, v55;
	[tilespmem:v5+s18+$0x0] =	vst.idx.msk $0xffff, v18;
	v45 =	vor.u32 v62, v53  }
0x2a0: {  	v50 =	vshll.u32 v21, $0x5;
	v18 =	vand.u32 $0x78, v21;
	v37 =	vld.idx.msk [tilespmem:v37+s12+$0x0], $0xffff;
	v5 =	vor.u32 v39, v45;
	[tilespmem:v1+s18+$0x0] =	vst.idx.msk $0xffff, v20  }
0x2a1: {  	v21 =	vor.u32 v0, v50;
	v18 =	vor.u32 v26, v18;
	v1 =	vor.u32 v40, v45;
	v9 =	vld.idx.msk [tilespmem:v9+s12+$0x0], $0xffff  }
0x2a2: {  	v20 =	vshll.u32 v33, $0x5;
	v45 =	vor.u32 v3, v49;
	v49 =	vor.u32 s25, v2;
	[tilespmem:v35+s18+$0x0] =	vst.idx.msk $0xffff, v44  }
0x2a3: {  	v33 =	vand.u32 $0x78, v33;
	v54 =	vand.u32 $0x78, v49;
	v44 =	vor.u32 v29, v18;
	[tilespmem:v46+s18+$0x0] =	vst.idx.msk $0xffff, v11;
	v15 =	vld.idx.msk [tilespmem:v15+s12+$0x0], $0xffff  }
0x2a4: {  	v16 =	vmovc v52;
	v11 =	vshll.u32 v49, $0x5;
	v49 =	vor.u32 v10, v54;
	v18 =	vor.u32 v30, v18;
	v13 =	vld.idx.msk [tilespmem:v13+s12+$0x0], $0xffff  }
0x2a5: {  	s26 =	simm.s32 $0x40;
	v46 =	vshll.u32 v51, $0x5;
	[tilespmem:v41+s18+$0x0] =	vst.idx.msk $0xffff, v37;
	v41 =	vor.u32 v14, v33;
	v52 =	vor.u32 v0, v11  }
0x2a6: {  	v35 =	vmov s26;
	v53 =	vor.u32 v3, v46;
	v54 =	vor.u32 v31, v49;
	v42 =	vld.idx.msk [tilespmem:v42+s12+$0x0], $0xffff;
	[tilespmem:v17+s18+$0x0] =	vst.idx.msk $0xffff, v9  }
0x2a7: {  	v22 =	vmovc v8;
	v35 =	vshll.u32 v35, $0x3;
	v9 =	vor.u32 v3, v50;
	v50 =	vor.u32 s26, v0;
	v38 =	vld.idx.msk [tilespmem:v38+s12+$0x0], $0xffff  }
0x2a8: {  	v8 =	vmovc v25;
	v25 =	vmovc v55;
	v55 =	vshll.u32 v50, $0x5;
	[tilespmem:v5+s18+$0x0] =	vst.idx.msk $0xffff, v15;
	v5 =	vand.u32 $0x78, v50;
	v15 =	vand.u32 $0xC00, v35  }
0x2a9: {  	v50 =	vor.u32 v0, v55;
	[tilespmem:v43+s18+$0x0] =	vst.idx.msk $0xffff, v13;
	v33 =	vor.u32 v22, v15;
	v13 =	vld.idx.msk [tilespmem:v47+s12+$0x0], $0xffff  }
0x2aa: {  	v35 =	vor.u32 v24, v15;
	v15 =	vor.u32 s24, v61;
	v61 =	vand.u32 $0x78, v51  }
0x2ab: {  	v49 =	vor.u32 v32, v49;
	[tilespmem:v7+s18+$0x0] =	vst.idx.msk $0xffff, v42;
	v21 =	vld.idx.msk [tilespmem:v21+s12+$0x0], $0xffff;
	v47 =	vor.u32 v8, v61  }
0x2ac: {  	[tilespmem:v48+s18+$0x0] =	vst.idx.msk $0xffff, v38;
	v7 =	vor.u32 v28, v47;
	v42 =	vor.u32 v27, v47;
	v47 =	vld.idx.msk [tilespmem:v52+s12+$0x0], $0xffff  }
0x2ad: {  	v46 =	vor.u32 v0, v46;
	v17 =	vor.u32 v0, v20;
	v5 =	vor.u32 v16, v5;
	v45 =	vld.idx.msk [tilespmem:v45+s12+$0x0], $0xffff  }
0x2ae: {  	v43 =	vor.u32 v33, v5;
	v5 =	vor.u32 v35, v5;
	[tilespmem:v1+s18+$0x0] =	vst.idx.msk $0xffff, v13;
	v13 =	vld.idx.msk [tilespmem:v50+s12+$0x0], $0xffff  }
0x2af: {  	v34 =	vor.u32 s23, v23  }
0x2b0: {  	v60 =	vor.u32 s25, v60;
	v36 =	vor.u32 s24, v23;
	v11 =	vor.u32 v3, v11;
	[tilespmem:v18+s18+$0x0] =	vst.idx.msk $0xffff, v21  }
0x2b1: {  	v37 =	vor.u32 s25, v23;
	v61 =	vor.u32 v3, v55;
	v48 =	vshll.u32 v15, $0x5;
	v9 =	vld.idx.msk [tilespmem:v9+s12+$0x0], $0xffff;
	[tilespmem:v49+s18+$0x0] =	vst.idx.msk $0xffff, v47  }
0x2b2: {  	v38 =	vor.u32 s26, v23;
	v15 =	vand.u32 $0x78, v15;
	v1 =	vor.u32 v39, v41;
	v17 =	vld.idx.msk [tilespmem:v17+s12+$0x0], $0xffff;
	[tilespmem:v4+s18+$0x0] =	vst.idx.msk $0xffff, v45  }
0x2b3: {  	v51 =	vor.u32 v0, v48;
	v15 =	vor.u32 v19, v15;
	v46 =	vld.idx.msk [tilespmem:v46+s12+$0x0], $0xffff;
	[tilespmem:v5+s18+$0x0] =	vst.idx.msk $0xffff, v13  }
0x2b4: {  	v48 =	vor.u32 v3, v48;
	v21 =	vshll.u32 v60, $0x5;
	v13 =	vor.u32 v3, v20;
	v23 =	vld [tilespmem:$0x1FFC0]  }
0x2b5: {  	v18 =	vand.u32 $0x78, v60;
	v41 =	vor.u32 v40, v41;
	v50 =	vor.u32 v0, v21;
	v5 =	vld.idx.msk [tilespmem:v11+s12+$0x0], $0xffff  }
0x2b6: {  	v18 =	vor.u32 v62, v18;
	v4 =	vor.u32 v30, v15;
	v11 =	vor.u32 s26, v57;
	v2 =	vld [tilespmem:$0x1FFE0];
	[tilespmem:v44+s18+$0x0] =	vst.idx.msk $0xffff, v9  }
0x2b7: {  	v24 =	vmov v57;
	v45 =	vor.u32 v32, v18;
	v47 =	vld.idx.msk [tilespmem:v61+s12+$0x0], $0xffff;
	v57 =	vand.u32 $0x78, v11;
	[tilespmem:v1+s18+$0x0] =	vst.idx.msk $0xffff, v17  }
0x2b8: {  	v11 =	vshll.u32 v11, $0x5;
	v61 =	vor.u32 s23, v59;
	[tilespmem:v7+s18+$0x0] =	vst.idx.msk $0xffff, v46;
	v7 =	vor.u32 v3, v21;
	v21 =	vld.idx.msk [tilespmem:v51+s12+$0x0], $0xffff  }
0x2b9: {  	v9 =	vor.u32 v0, v11;
	v60 =	vor.u32 v6, v57;
	v13 =	vld.idx.msk [tilespmem:v13+s12+$0x0], $0xffff;
	v52 =	vor.u32 s28, v23  }
0x2ba: {  	v1 =	vor.u32 v35, v60;
	v17 =	vor.u32 v33, v60;
	v60 =	vld.idx.msk [tilespmem:v53+s12+$0x0], $0xffff;
	v59 =	vshll.u32 v52, $0x5  }
0x2bb: {  	v18 =	vor.u32 v31, v18;
	[tilespmem:v54+s18+$0x0] =	vst.idx.msk $0xffff, v5;
	v54 =	vor.u32 v0, v59  }
0x2bc: {  	v15 =	vor.u32 v29, v15;
	v44 =	vshll.u32 v61, $0x5;
	v57 =	vor.u32 s24, v56;
	[tilespmem:v43+s18+$0x0] =	vst.idx.msk $0xffff, v47  }
0x2bd: {  	v49 =	vand.u32 $0x78, v61;
	v11 =	vor.u32 v3, v11;
	v50 =	vld.idx.msk [tilespmem:v50+s12+$0x0], $0xffff;
	[tilespmem:v4+s18+$0x0] =	vst.idx.msk $0xffff, v21;
	v4 =	vor.u32 s25, v12  }
0x2be: {  	v61 =	vor.u32 v0, v44;
	v52 =	vand.u32 $0x78, v52;
	v9 =	vld.idx.msk [tilespmem:v9+s12+$0x0], $0xffff;
	[tilespmem:v41+s18+$0x0] =	vst.idx.msk $0xffff, v13;
	v13 =	vand.u32 $0x78, v4  }
0x2bf: {  	v56 =	vor.u32 v26, v52;
	[tilespmem:v42+s18+$0x0] =	vst.idx.msk $0xffff, v60;
	v60 =	vld.idx.msk [tilespmem:v48+s12+$0x0], $0xffff;
	v13 =	vor.u32 v14, v13  }
0x2c0: {  	v41 =	vor.u32 v39, v56;
	v55 =	vor.u32 v32, v13;
	v52 =	vor.u32 v31, v13;
	v13 =	vld.idx.msk [tilespmem:v54+s12+$0x0], $0xffff  }
0x2c1: {  	v49 =	vor.u32 v10, v49;
	v46 =	vshll.u32 v57, $0x5;
	v5 =	vand.u32 $0x78, v57  }
0x2c2: {  	v43 =	vor.u32 v0, v46;
	v5 =	vor.u32 v16, v5;
	[tilespmem:v45+s18+$0x0] =	vst.idx.msk $0xffff, v50  }
0x2c3: {  	v21 =	vor.u32 v28, v49;
	v48 =	vor.u32 v29, v5;
	v7 =	vld.idx.msk [tilespmem:v7+s12+$0x0], $0xffff;
	[tilespmem:v1+s18+$0x0] =	vst.idx.msk $0xffff, v9  }
0x2c4: {  	v54 =	vor.u32 v30, v5;
	v5 =	vld.idx.msk [tilespmem:v61+s12+$0x0], $0xffff;
	v61 =	vor.u32 s26, v58;
	[tilespmem:v15+s18+$0x0] =	vst.idx.msk $0xffff, v60  }
0x2c5: {  	v44 =	vor.u32 v3, v44;
	v11 =	vld.idx.msk [tilespmem:v11+s12+$0x0], $0xffff;
	v1 =	vand.u32 $0x78, v61;
	[tilespmem:v41+s18+$0x0] =	vst.idx.msk $0xffff, v13  }
0x2c6: {  	v57 =	vor.u32 v3, v46;
	v51 =	vor.u32 v3, v59;
	v1 =	vor.u32 v8, v1;
	v53 =	vld [tilespmem:$0x1FFA0]  }
0x2c7: {  	v46 =	vor.u32 v40, v56;
	v59 =	vor.u32 v35, v1;
	v56 =	vor.u32 v33, v1;
	v1 =	vld.idx.msk [tilespmem:v43+s12+$0x0], $0xffff  }
0x2c8: {  	v20 =	vor.u32 s28, v2;
	v49 =	vor.u32 v27, v49;
	v4 =	vshll.u32 v4, $0x5  }
0x2c9: {  	v23 =	vmovc v58;
	v42 =	vor.u32 v0, v4;
	v50 =	vor.u32 s23, v63;
	v9 =	vshll.u32 v61, $0x5;
	[tilespmem:v21+s18+$0x0] =	vst.idx.msk $0xffff, v5  }
0x2ca: {  	v58 =	vor.u32 v3, v4;
	v15 =	vor.u32 v0, v9;
	v13 =	vshll.u32 v50, $0x5;
	[tilespmem:v18+s18+$0x0] =	vst.idx.msk $0xffff, v7  }
0x2cb: {  	v5 =	vld.idx.msk [tilespmem:v51+s12+$0x0], $0xffff;
	v21 =	vshll.u32 v20, $0x5;
	[tilespmem:v17+s18+$0x0] =	vst.idx.msk $0xffff, v11;
	v11 =	vand.u32 $0x78, v50;
	v4 =	vor.u32 s24, v53  }
0x2cc: {  	[tilespmem:v54+s18+$0x0] =	vst.idx.msk $0xffff, v1;
	v1 =	vand.u32 $0x78, v20;
	v63 =	vand.u32 $0x78, v4;
	v47 =	vshll.u32 v4, $0x5;
	v4 =	vld.idx.msk [tilespmem:v44+s12+$0x0], $0xffff  }
0x2cd: {  	v41 =	vor.u32 v0, v21;
	v11 =	vor.u32 v62, v11;
	v17 =	vor.u32 v19, v1  }
0x2ce: {  	v12 =	vmovc v62;
	v62 =	vor.u32 v3, v9;
	v40 =	vor.u32 v40, v17;
	v7 =	vor.u32 v6, v63  }
0x2cf: {  	v1 =	vld.idx.msk [tilespmem:v42+s12+$0x0], $0xffff;
	v50 =	vor.u32 v30, v7;
	v45 =	vor.u32 v29, v7;
	v7 =	vor.u32 v0, v13  }
0x2d0: {  	v57 =	vld.idx.msk [tilespmem:v57+s12+$0x0], $0xffff;
	v42 =	vor.u32 v39, v17;
	v39 =	vor.u32 v3, v21;
	[tilespmem:v46+s18+$0x0] =	vst.idx.msk $0xffff, v5  }
0x2d1: {  	v43 =	vshll.u32 v34, $0x5;
	v5 =	vor.u32 s25, v25;
	v46 =	vor.u32 v28, v11;
	[tilespmem:v49+s18+$0x0] =	vst.idx.msk $0xffff, v4;
	v4 =	vld.idx.msk [tilespmem:v15+s12+$0x0], $0xffff  }
0x2d2: {  	v16 =	vmovc v14;
	v14 =	vmovc v25;
	v9 =	vand.u32 $0x78, v5;
	v61 =	vshll.u32 v5, $0x5;
	v44 =	vor.u32 v27, v11;
	v2 =	vld [tilespmem:$0x1FFF0]  }
0x2d3: {  	v25 =	vmovc v23;
	v53 =	vor.u32 v0, v47;
	v60 =	vor.u32 v0, v61;
	v63 =	vor.u32 v26, v9;
	v23 =	vld [tilespmem:$0x1FED0]  }
0x2d4: {  	s28 =	simm.s32 $0x50;
	v19 =	vmovc v26;
	v54 =	vor.u32 v3, v47;
	v47 =	vor.u32 v3, v13;
	v26 =	vmov v22;
	v49 =	vld.idx.msk [tilespmem:v7+s12+$0x0], $0xffff  }
.LBB2_13:
0x2d5: {  	[tilespmem:v55+s18+$0x0] =	vst.idx.msk $0xffff, v1;
	v22 =	vld [tilespmem:$0x1FF40]  }
0x2d6: {  	v9 =	vld.idx.msk [tilespmem:v41+s12+$0x0], $0xffff  }
0x2d7: {  	v13 =	vld.idx.msk [tilespmem:v58+s12+$0x0], $0xffff  }
0x2d8: {  	v7 =	vld [tilespmem:$0x1FF80];
	[tilespmem:v48+s18+$0x0] =	vst.idx.msk $0xffff, v57  }
0x2d9: {  	v5 =	vor.u32 s26, v2;
	v1 =	vor.u32 v31, v63;
	[tilespmem:v59+s18+$0x0] =	vst.idx.msk $0xffff, v4;
	v4 =	vor.u32 v3, v61;
	v61 =	vld [tilespmem:$0x1FEC0]  }
0x2da: {  	v51 =	vmovc v28;
	v28 =	vmov v30;
	v30 =	vmov v32;
	v20 =	vand.u32 $0x78, v34;
	v34 =	vld.idx.msk [tilespmem:v53+s12+$0x0], $0xffff;
	[tilespmem:v46+s18+$0x0] =	vst.idx.msk $0xffff, v49  }
0x2db: {  	s29 =	smov.u32 s28;
	v11 =	vand.u32 $0x78, v5;
	v5 =	vshll.u32 v5, $0x5;
	v18 =	vor.u32 v30, v63;
	v49 =	vld.idx.msk [tilespmem:v62+s12+$0x0], $0xffff;
	[tilespmem:v42+s18+$0x0] =	vst.idx.msk $0xffff, v9  }
0x2dc: {  	v21 =	vmov s29;
	v58 =	vor.u32 s29, v0;
	v62 =	vor.u32 s25, v22;
	v22 =	vld [tilespmem:$0x1FF30];
	[tilespmem:v52+s18+$0x0] =	vst.idx.msk $0xffff, v13  }
0x2dd: {  	v20 =	vor.u32 v16, v20;
	v17 =	vor.u32 v0, v5;
	v11 =	vor.u32 v10, v11;
	v13 =	vld.idx.msk [tilespmem:v47+s12+$0x0], $0xffff  }
0x2de: {  	v32 =	vmovc v35;
	v48 =	vor.u32 v0, v43;
	v41 =	vor.u32 v33, v11;
	v46 =	vshll.u32 v58, $0x5;
	v60 =	vld.idx.msk [tilespmem:v60+s12+$0x0], $0xffff  }
0x2df: {  	v21 =	vshll.u32 v21, $0x3;
	v59 =	vand.u32 $0x78, v58;
	v9 =	vor.u32 v0, v46;
	v39 =	vld.idx.msk [tilespmem:v39+s12+$0x0], $0xffff;
	[tilespmem:v50+s18+$0x0] =	vst.idx.msk $0xffff, v34  }
0x2e0: {  	v21 =	vand.u32 $0xC00, v21;
	v11 =	vor.u32 v32, v11;
	v7 =	vor.u32 s24, v7;
	v34 =	vld.idx.msk [tilespmem:v54+s12+$0x0], $0xffff  }
0x2e1: {  	v35 =	vor.u32 v23, v21;
	v15 =	vshll.u32 v7, $0x5;
	v54 =	vor.u32 s29, v22;
	v22 =	vld [tilespmem:$0x1FF10]  }
0x2e2: {  	v58 =	vshll.u32 v62, $0x5;
	v55 =	vor.u32 v3, v15;
	v52 =	vand.u32 $0x78, v62;
	v62 =	vld [tilespmem:$0x1FFD0];
	[tilespmem:v56+s18+$0x0] =	vst.idx.msk $0xffff, v49  }
0x2e3: {  	v15 =	vor.u32 v0, v15;
	v63 =	vor.u32 v61, v59;
	v17 =	vld.idx.msk [tilespmem:v17+s12+$0x0], $0xffff;
	[tilespmem:v44+s18+$0x0] =	vst.idx.msk $0xffff, v13  }
0x2e4: {  	v5 =	vor.u32 v3, v5;
	v53 =	vor.u32 v35, v63;
	v9 =	vld.idx.msk [tilespmem:v9+s12+$0x0], $0xffff;
	[tilespmem:v18+s18+$0x0] =	vst.idx.msk $0xffff, v60  }
0x2e5: {  	v21 =	vor.u32 v26, v21;
	v42 =	vmovc v27;
	v27 =	vmov v29;
	v7 =	vand.u32 $0x78, v7;
	v4 =	vld.idx.msk [tilespmem:v4+s12+$0x0], $0xffff  }
0x2e6: {  	v7 =	vor.u32 v8, v7;
	v57 =	vor.u32 v21, v63;
	v63 =	vor.u32 s26, v22;
	[tilespmem:v40+s18+$0x0] =	vst.idx.msk $0xffff, v39;
	v22 =	vld [tilespmem:$0x1FFC0]  }
0x2e7: {  	v50 =	vor.u32 v0, v58;
	v49 =	vor.u32 v28, v7;
	v47 =	vld.idx.msk [tilespmem:v48+s12+$0x0], $0xffff;
	[tilespmem:v45+s18+$0x0] =	vst.idx.msk $0xffff, v34  }
0x2e8: {  	v7 =	vor.u32 v27, v7;
	v44 =	vor.u32 v3, v46;
	v15 =	vld.idx.msk [tilespmem:v15+s12+$0x0], $0xffff;
	[tilespmem:v11+s18+$0x0] =	vst.idx.msk $0xffff, v17  }
0x2e9: {  	v29 =	vmov v31;
	v52 =	vor.u32 v62, v52;
	v13 =	vor.u32 v51, v20;
	v17 =	vld [tilespmem:$0x1FFE0];
	[tilespmem:v53+s18+$0x0] =	vst.idx.msk $0xffff, v9  }
0x2ea: {  	v46 =	vor.u32 v29, v52;
	v20 =	vor.u32 v42, v20;
	v60 =	vor.u32 s29, v24;
	v5 =	vld.idx.msk [tilespmem:v5+s12+$0x0], $0xffff  }
0x2eb: {  	v40 =	vor.u32 v30, v52;
	v18 =	vand.u32 $0x78, v63;
	v11 =	vor.u32 v3, v43;
	[tilespmem:v1+s18+$0x0] =	vst.idx.msk $0xffff, v4;
	v1 =	vld [tilespmem:$0x1FF50]  }
0x2ec: {  	v31 =	vmovc v33;
	v33 =	vmovc v21;
	v21 =	vshll.u32 v63, $0x5;
	v45 =	vor.u32 v3, v58;
	v48 =	vor.u32 s23, v22;
	v22 =	vld [tilespmem:$0x1FF90]  }
0x2ed: {  	v39 =	vor.u32 v0, v21;
	v18 =	vor.u32 v12, v18;
	v21 =	vor.u32 v3, v21;
	v4 =	vld.idx.msk [tilespmem:v44+s12+$0x0], $0xffff  }
0x2ee: {  	v56 =	vor.u32 v32, v18;
	v9 =	vand.u32 $0x78, v60;
	v50 =	vld.idx.msk [tilespmem:v50+s12+$0x0], $0xffff;
	[tilespmem:v13+s18+$0x0] =	vst.idx.msk $0xffff, v47  }
0x2ef: {  	v43 =	vshll.u32 v60, $0x5;
	v18 =	vor.u32 v31, v18;
	v9 =	vor.u32 v6, v9;
	[tilespmem:v49+s18+$0x0] =	vst.idx.msk $0xffff, v15  }
0x2f0: {  	v34 =	vmovc v36;
	v52 =	vor.u32 v0, v43;
	v44 =	vor.u32 v35, v9;
	v13 =	vshll.u32 v48, $0x5;
	v11 =	vld.idx.msk [tilespmem:v11+s12+$0x0], $0xffff  }
0x2f1: {  	v36 =	vmovc v37;
	v9 =	vor.u32 v33, v9;
	v17 =	vor.u32 s23, v17;
	s23 =	smov.u32 s24;
	s24 =	smov.u32 s25;
	v15 =	vor.u32 v0, v13;
	v58 =	vld.idx.msk [tilespmem:v55+s12+$0x0], $0xffff  }
0x2f2: {  	v37 =	vmovc v38;
	v13 =	vor.u32 v3, v13;
	v1 =	vor.u32 s23, v1;
	v59 =	vor.u32 s24, v22;
	[tilespmem:v41+s18+$0x0] =	vst.idx.msk $0xffff, v5;
	v22 =	vld [tilespmem:$0x1FF20]  }
0x2f3: {  	v38 =	vmovc v54;
	v63 =	vshll.u32 v1, $0x5;
	v60 =	vand.u32 $0x78, v59;
	v54 =	vshll.u32 v59, $0x5;
	v39 =	vld.idx.msk [tilespmem:v39+s12+$0x0], $0xffff;
	[tilespmem:v57+s18+$0x0] =	vst.idx.msk $0xffff, v4  }
0x2f4: {  	v4 =	vor.u32 v3, v43;
	v49 =	vor.u32 v0, v54;
	v59 =	vor.u32 v0, v63  }
0x2f5: {  	v1 =	vand.u32 $0x78, v1;
	v5 =	vor.u32 v61, v60;
	v61 =	vand.u32 $0x78, v48;
	v57 =	vld.idx.msk [tilespmem:v52+s12+$0x0], $0xffff;
	[tilespmem:v40+s18+$0x0] =	vst.idx.msk $0xffff, v50  }
0x2f6: {  	s25 =	smov.u32 s26;
	v1 =	vor.u32 v10, v1;
	v47 =	vor.u32 v3, v63;
	v45 =	vld.idx.msk [tilespmem:v45+s12+$0x0], $0xffff;
	[tilespmem:v20+s18+$0x0] =	vst.idx.msk $0xffff, v11  }
0x2f7: {  	s26 =	smov.u32 s29;
	v41 =	vor.u32 v19, v61;
	v53 =	vor.u32 v28, v1;
	[tilespmem:v7+s18+$0x0] =	vst.idx.msk $0xffff, v58;
	v63 =	vor.u32 s25, v22  }
0x2f8: {  	v11 =	vor.u32 v30, v5;
	v20 =	vor.u32 s26, v25;
	v7 =	vld.idx.msk [tilespmem:v15+s12+$0x0], $0xffff;
	v55 =	vand.u32 $0x78, v63  }
0x2f9: {  	v40 =	vor.u32 v51, v41;
	v15 =	vor.u32 v3, v54;
	v22 =	vld [tilespmem:$0x1FF60];
	v48 =	vor.u32 v16, v55  }
0x2fa: {  	v55 =	vor.u32 v32, v48;
	v52 =	vor.u32 v31, v48;
	v48 =	vor.u32 v29, v5  }
0x2fb: {  	v43 =	vshll.u32 v63, $0x5;
	v5 =	vld.idx.msk [tilespmem:v59+s12+$0x0], $0xffff;
	[tilespmem:v56+s18+$0x0] =	vst.idx.msk $0xffff, v39;
	v39 =	vor.u32 v27, v1;
	v1 =	vand.u32 $0x78, v20  }
0x2fc: {  	v54 =	vor.u32 v42, v41;
	v60 =	vor.u32 v0, v43;
	v21 =	vld.idx.msk [tilespmem:v21+s12+$0x0], $0xffff;
	v1 =	vor.u32 v8, v1  }
0x2fd: {  	[tilespmem:v44+s18+$0x0] =	vst.idx.msk $0xffff, v57;
	v59 =	vor.u32 v35, v1;
	v56 =	vor.u32 v33, v1;
	v1 =	vld [tilespmem:$0x1FFA0]  }
0x2fe: {  	v58 =	vor.u32 v3, v43;
	v20 =	vshll.u32 v20, $0x5;
	v63 =	vor.u32 s23, v22;
	v4 =	vld.idx.msk [tilespmem:v4+s12+$0x0], $0xffff;
	[tilespmem:v46+s18+$0x0] =	vst.idx.msk $0xffff, v45  }
0x2ff: {  	v44 =	vor.u32 v0, v20;
	v22 =	vshll.u32 v63, $0x5;
	v57 =	vld.idx.msk [tilespmem:v49+s12+$0x0], $0xffff;
	[tilespmem:v40+s18+$0x0] =	vst.idx.msk $0xffff, v7  }
0x300: {  	v7 =	vshll.u32 v17, $0x5;
	v63 =	vand.u32 $0x78, v63;
	v17 =	vand.u32 $0x78, v17;
	[tilespmem:v53+s18+$0x0] =	vst.idx.msk $0xffff, v5  }
0x301: {  	v41 =	vor.u32 v0, v7;
	v17 =	vor.u32 v62, v17;
	v62 =	vor.u32 v3, v20;
	v5 =	vld.idx.msk [tilespmem:v13+s12+$0x0], $0xffff  }
0x302: {  	v40 =	vor.u32 v42, v17;
	v42 =	vor.u32 v51, v17;
	v13 =	vld.idx.msk [tilespmem:v47+s12+$0x0], $0xffff;
	v1 =	vor.u32 s24, v1  }
0x303: {  	[tilespmem:v18+s18+$0x0] =	vst.idx.msk $0xffff, v21;
	v18 =	vor.u32 v0, v22;
	v21 =	vor.u32 v12, v63;
	v61 =	vand.u32 $0x78, v1  }
0x304: {  	p0 =	sne.s32 s28, $0x1F0;
	v47 =	vor.u32 v3, v22;
	v49 =	vshll.u32 v1, $0x5;
	v1 =	vor.u32 v6, v61  }
.Ltmp6:
0x305: {  	v50 =	vor.u32 v30, v1;
	v45 =	vor.u32 v29, v1;
	v1 =	vld.idx.msk [tilespmem:v60+s12+$0x0], $0xffff;
	[tilespmem:v9+s18+$0x0] =	vst.idx.msk $0xffff, v4;
	(pc) =	sbr.rel @p0 .LBB2_13-.Ltmp6, $4  }
0x306: {  	v46 =	vor.u32 v28, v21;
	v9 =	vor.u32 s25, v14;
	v4 =	vld.idx.msk [tilespmem:v44+s12+$0x0], $0xffff;
	[tilespmem:v11+s18+$0x0] =	vst.idx.msk $0xffff, v57  }
0x307: {  	v43 =	vshll.u32 v34, $0x5;
	v53 =	vor.u32 v0, v49;
	v61 =	vshll.u32 v9, $0x5;
	v57 =	vld.idx.msk [tilespmem:v15+s12+$0x0], $0xffff;
	[tilespmem:v54+s18+$0x0] =	vst.idx.msk $0xffff, v5  }
0x308: {  	v20 =	vand.u32 $0x78, v9;
	v44 =	vor.u32 v27, v21;
	v60 =	vor.u32 v0, v61;
	[tilespmem:v39+s18+$0x0] =	vst.idx.msk $0xffff, v13  }
0x309: {  	s28 =	sadd.s32 $0x10, s28;
	v63 =	vor.u32 v19, v20;
	v54 =	vor.u32 v3, v49;
	v39 =	vor.u32 v3, v7;
	v49 =	vld.idx.msk [tilespmem:v18+s12+$0x0], $0xffff  }
0x30a: {  	_ =	sdelay $0x3  }
0x30b: {  	v5 =	vor.u32 s26, v2;
	[tilespmem:v59+s18+$0x0] =	vst.idx.msk $0xffff, v4  }
0x30c: {  	v4 =	vshll.u32 v5, $0x5;
	v7 =	vld.idx.msk [tilespmem:v62+s12+$0x0], $0xffff  }
0x30d: {  	v9 =	vor.u32 v0, v4;
	_ =	sdelay $0x3  }
0x30e: {  	v5 =	vand.u32 $0x78, v5;
	[tilespmem:v56+s18+$0x0] =	vst.idx.msk $0xffff, v7  }
0x30f: {  	v5 =	vor.u32 v10, v5;
	v9 =	vld.idx.msk [tilespmem:v9+s12+$0x0], $0xffff  }
0x310: {  	v7 =	vor.u32 v35, v5;
	v11 =	vld [tilespmem:$0x1FF10]  }
0x311: {  	v4 =	vor.u32 v3, v4;
	_ =	sdelay $0x3  }
0x312: {  	v11 =	vor.u32 s26, v11;
	[tilespmem:v7+s18+$0x0] =	vst.idx.msk $0xffff, v9  }
0x313: {  	v5 =	vor.u32 v33, v5;
	v7 =	vshll.u32 v11, $0x5;
	v4 =	vld.idx.msk [tilespmem:v4+s12+$0x0], $0xffff  }
0x314: {  	v9 =	vor.u32 v0, v7;
	_ =	sdelay $0x3  }
0x315: {  	v11 =	vand.u32 $0x78, v11;
	[tilespmem:v5+s18+$0x0] =	vst.idx.msk $0xffff, v4  }
0x316: {  	v11 =	vor.u32 v12, v11;
	v5 =	vld.idx.msk [tilespmem:v9+s12+$0x0], $0xffff  }
0x317: {  	v4 =	vor.u32 v35, v11;
	v9 =	vld [tilespmem:$0x1FF20]  }
0x318: {  	v7 =	vor.u32 v3, v7;
	_ =	sdelay $0x3  }
0x319: {  	v9 =	vor.u32 s26, v9;
	[tilespmem:v4+s18+$0x0] =	vst.idx.msk $0xffff, v5  }
0x31a: {  	v4 =	vor.u32 v33, v11;
	v5 =	vshll.u32 v9, $0x5;
	v7 =	vld.idx.msk [tilespmem:v7+s12+$0x0], $0xffff  }
0x31b: {  	v11 =	vor.u32 v0, v5;
	_ =	sdelay $0x2  }
0x31c: {  	v9 =	vand.u32 $0x78, v9  }
0x31d: {  	[tilespmem:v4+s18+$0x0] =	vst.idx.msk $0xffff, v7;
	v4 =	vor.u32 v16, v9  }
0x31e: {  	v7 =	vor.u32 v35, v4;
	v9 =	vld.idx.msk [tilespmem:v11+s12+$0x0], $0xffff  }
0x31f: {  	v5 =	vor.u32 v3, v5;
	_ =	sdelay $0x2  }
0x320: {  	[tilespmem:v55+s18+$0x0] =	vst.idx.msk $0xffff, v1  }
0x321: {  	v1 =	vld.idx.msk [tilespmem:v58+s12+$0x0], $0xffff;
	v11 =	vor.u32 s26, v14;
	[tilespmem:v7+s18+$0x0] =	vst.idx.msk $0xffff, v9  }
0x322: {  	v4 =	vor.u32 v33, v4;
	v7 =	vshll.u32 v11, $0x5;
	v5 =	vld.idx.msk [tilespmem:v5+s12+$0x0], $0xffff  }
0x323: {  	v9 =	vor.u32 v0, v7;
	_ =	sdelay $0x2  }
0x324: {  	[tilespmem:v52+s18+$0x0] =	vst.idx.msk $0xffff, v1  }
0x325: {  	v13 =	vld.idx.msk [tilespmem:v60+s12+$0x0], $0xffff;
	v11 =	vand.u32 $0x78, v11;
	[tilespmem:v4+s18+$0x0] =	vst.idx.msk $0xffff, v5  }
0x326: {  	v1 =	vor.u32 v32, v63;
	v11 =	vor.u32 v19, v11;
	v5 =	vld.idx.msk [tilespmem:v9+s12+$0x0], $0xffff  }
0x327: {  	v15 =	vor.u32 v3, v61;
	v4 =	vor.u32 v35, v11;
	v25 =	vld [tilespmem:$0x1FF40];
	_ =	sdelay $0x3  }
0x328: {  	[tilespmem:v1+s18+$0x0] =	vst.idx.msk $0xffff, v13  }
0x329: {  	v7 =	vor.u32 v3, v7;
	v15 =	vld.idx.msk [tilespmem:v15+s12+$0x0], $0xffff;
	v9 =	vor.u32 s25, v25;
	[tilespmem:v4+s18+$0x0] =	vst.idx.msk $0xffff, v5  }
0x32a: {  	v24 =	vmov v19;
	v1 =	vor.u32 v31, v63;
	v13 =	vshll.u32 v9, $0x5;
	v19 =	vld [tilespmem:$0x1FFD0]  }
0x32b: {  	v17 =	vor.u32 v0, v13;
	_ =	sdelay $0x1  }
0x32c: {  	v18 =	vor.u32 s26, v25  }
0x32d: {  	v4 =	vor.u32 v33, v11;
	v5 =	vshll.u32 v18, $0x5;
	v7 =	vld.idx.msk [tilespmem:v7+s12+$0x0], $0xffff;
	v9 =	vand.u32 $0x78, v9  }
0x32e: {  	[tilespmem:v1+s18+$0x0] =	vst.idx.msk $0xffff, v15;
	v11 =	vor.u32 v0, v5;
	v9 =	vor.u32 v19, v9  }
0x32f: {  	v1 =	vor.u32 v32, v9;
	v15 =	vld.idx.msk [tilespmem:v17+s12+$0x0], $0xffff  }
0x330: {  	v13 =	vor.u32 v3, v13;
	_ =	sdelay $0x1  }
0x331: {  	[tilespmem:v4+s18+$0x0] =	vst.idx.msk $0xffff, v7;
	v17 =	vand.u32 $0x78, v18  }
0x332: {  	v7 =	vld.idx.msk [tilespmem:v11+s12+$0x0], $0xffff;
	v17 =	vor.u32 v19, v17  }
0x333: {  	v2 =	vld [tilespmem:$0x1FF90];
	v4 =	vor.u32 v35, v17;
	[tilespmem:v1+s18+$0x0] =	vst.idx.msk $0xffff, v15  }
0x334: {  	v1 =	vor.u32 v31, v9;
	v13 =	vld.idx.msk [tilespmem:v13+s12+$0x0], $0xffff;
	_ =	sdelay $0x1  }
0x335: {  	v5 =	vor.u32 v3, v5;
	_ =	sdelay $0x1  }
0x336: {  	v11 =	vor.u32 s25, v2;
	[tilespmem:v4+s18+$0x0] =	vst.idx.msk $0xffff, v7  }
0x337: {  	v9 =	vshll.u32 v11, $0x5;
	[tilespmem:v1+s18+$0x0] =	vst.idx.msk $0xffff, v13  }
0x338: {  	v23 =	vmov v14;
	v18 =	vor.u32 s26, v2;
	v15 =	vor.u32 v0, v9;
	v14 =	vld [tilespmem:$0x1FEC0]  }
0x339: {  	v4 =	vor.u32 v33, v17;
	v7 =	vshll.u32 v18, $0x5;
	v5 =	vld.idx.msk [tilespmem:v5+s12+$0x0], $0xffff  }
0x33a: {  	v17 =	vor.u32 v0, v7;
	_ =	sdelay $0x1  }
0x33b: {  	v11 =	vand.u32 $0x78, v11  }
0x33c: {  	v13 =	vld.idx.msk [tilespmem:v15+s12+$0x0], $0xffff;
	v15 =	vand.u32 $0x78, v18;
	v1 =	vor.u32 v14, v11  }
0x33d: {  	[tilespmem:v4+s18+$0x0] =	vst.idx.msk $0xffff, v5;
	v15 =	vor.u32 v14, v15;
	v11 =	vor.u32 v32, v1  }
0x33e: {  	v9 =	vor.u32 v3, v9;
	v5 =	vld.idx.msk [tilespmem:v17+s12+$0x0], $0xffff;
	v4 =	vor.u32 v35, v15  }
0x33f: {  	v7 =	vor.u32 v3, v7;
	v51 =	vld [tilespmem:$0x1FFA0];
	_ =	sdelay $0x2  }
0x340: {  	[tilespmem:v11+s18+$0x0] =	vst.idx.msk $0xffff, v13  }
0x341: {  	v1 =	vor.u32 v31, v1;
	[tilespmem:v4+s18+$0x0] =	vst.idx.msk $0xffff, v5;
	v9 =	vld.idx.msk [tilespmem:v9+s12+$0x0], $0xffff  }
0x342: {  	v17 =	vor.u32 s25, v51;
	v5 =	vor.u32 v33, v15;
	v7 =	vld.idx.msk [tilespmem:v7+s12+$0x0], $0xffff  }
0x343: {  	v11 =	vshll.u32 v17, $0x5;
	v4 =	vor.u32 s26, v51  }
0x344: {  	v13 =	vor.u32 v0, v11;
	v15 =	vshll.u32 v4, $0x5  }
0x345: {  	[tilespmem:v48+s18+$0x0] =	vst.idx.msk $0xffff, v57;
	v18 =	vor.u32 v0, v15  }
0x346: {  	[tilespmem:v1+s18+$0x0] =	vst.idx.msk $0xffff, v9  }
0x347: {  	v20 =	vld.idx.msk [tilespmem:v53+s12+$0x0], $0xffff;
	v17 =	vand.u32 $0x78, v17;
	[tilespmem:v5+s18+$0x0] =	vst.idx.msk $0xffff, v7  }
0x348: {  	v17 =	vor.u32 v6, v17;
	v4 =	vand.u32 $0x78, v4;
	v61 =	vld [tilespmem:$0x1FF80]  }
0x349: {  	v4 =	vor.u32 v6, v4;
	v1 =	vor.u32 v32, v17;
	v9 =	vld.idx.msk [tilespmem:v13+s12+$0x0], $0xffff  }
0x34a: {  	v11 =	vor.u32 v3, v11;
	v5 =	vor.u32 v35, v4;
	v7 =	vld.idx.msk [tilespmem:v18+s12+$0x0], $0xffff  }
0x34b: {  	v15 =	vor.u32 v3, v15;
	_ =	sdelay $0x1  }
0x34c: {  	[tilespmem:v50+s18+$0x0] =	vst.idx.msk $0xffff, v20;
	v13 =	vor.u32 s24, v61  }
0x34d: {  	v20 =	vld.idx.msk [tilespmem:v54+s12+$0x0], $0xffff;
	[tilespmem:v1+s18+$0x0] =	vst.idx.msk $0xffff, v9;
	v18 =	vshll.u32 v13, $0x5  }
0x34e: {  	v9 =	vor.u32 v31, v17;
	[tilespmem:v5+s18+$0x0] =	vst.idx.msk $0xffff, v7;
	v11 =	vld.idx.msk [tilespmem:v11+s12+$0x0], $0xffff;
	v1 =	vor.u32 v0, v18  }
0x34f: {  	v4 =	vor.u32 v33, v4;
	v21 =	vor.u32 s25, v61;
	v15 =	vld.idx.msk [tilespmem:v15+s12+$0x0], $0xffff  }
0x350: {  	v5 =	vor.u32 s26, v61;
	v17 =	vshll.u32 v21, $0x5  }
0x351: {  	v7 =	vand.u32 $0x78, v13;
	v13 =	vshll.u32 v5, $0x5;
	v22 =	vor.u32 v0, v17  }
0x352: {  	[tilespmem:v45+s18+$0x0] =	vst.idx.msk $0xffff, v20;
	v20 =	vand.u32 $0x78, v21;
	v7 =	vor.u32 v8, v7;
	v21 =	vor.u32 v0, v13  }
0x353: {  	v56 =	vor.u32 v30, v7;
	[tilespmem:v9+s18+$0x0] =	vst.idx.msk $0xffff, v11;
	v1 =	vld.idx.msk [tilespmem:v1+s12+$0x0], $0xffff  }
0x354: {  	[tilespmem:v4+s18+$0x0] =	vst.idx.msk $0xffff, v15  }
0x355: {  	v5 =	vand.u32 $0x78, v5;
	v20 =	vor.u32 v8, v20;
	v26 =	vld [tilespmem:$0x1FF50]  }
0x356: {  	v5 =	vor.u32 v8, v5;
	v9 =	vor.u32 v3, v18;
	v11 =	vor.u32 v32, v20;
	v18 =	vld.idx.msk [tilespmem:v22+s12+$0x0], $0xffff  }
0x357: {  	v17 =	vor.u32 v3, v17;
	v4 =	vor.u32 v35, v5;
	v15 =	vld.idx.msk [tilespmem:v21+s12+$0x0], $0xffff  }
0x358: {  	[tilespmem:v56+s18+$0x0] =	vst.idx.msk $0xffff, v1;
	v1 =	vor.u32 v3, v13;
	_ =	sdelay $0x1  }
0x359: {  	v21 =	vor.u32 s24, v26  }
0x35a: {  	v7 =	vor.u32 v29, v7;
	[tilespmem:v11+s18+$0x0] =	vst.idx.msk $0xffff, v18;
	v13 =	vshll.u32 v21, $0x5;
	v9 =	vld.idx.msk [tilespmem:v9+s12+$0x0], $0xffff  }
0x35b: {  	v18 =	vor.u32 v31, v20;
	[tilespmem:v4+s18+$0x0] =	vst.idx.msk $0xffff, v15;
	v17 =	vld.idx.msk [tilespmem:v17+s12+$0x0], $0xffff;
	v11 =	vor.u32 v0, v13  }
0x35c: {  	v5 =	vor.u32 v33, v5;
	v22 =	vor.u32 s25, v26;
	v1 =	vld.idx.msk [tilespmem:v1+s12+$0x0], $0xffff  }
0x35d: {  	v4 =	vor.u32 s26, v26;
	v20 =	vshll.u32 v22, $0x5  }
0x35e: {  	v15 =	vand.u32 $0x78, v21;
	v21 =	vshll.u32 v4, $0x5;
	v57 =	vor.u32 v0, v20  }
0x35f: {  	v15 =	vor.u32 v10, v15;
	[tilespmem:v7+s18+$0x0] =	vst.idx.msk $0xffff, v9;
	v9 =	vor.u32 v0, v21  }
0x360: {  	v7 =	vand.u32 $0x78, v22;
	v22 =	vor.u32 v30, v15;
	[tilespmem:v18+s18+$0x0] =	vst.idx.msk $0xffff, v17;
	v11 =	vld.idx.msk [tilespmem:v11+s12+$0x0], $0xffff  }
0x361: {  	[tilespmem:v5+s18+$0x0] =	vst.idx.msk $0xffff, v1  }
0x362: {  	v4 =	vand.u32 $0x78, v4;
	v7 =	vor.u32 v10, v7;
	v48 =	vld [tilespmem:$0x1FF60]  }
0x363: {  	v13 =	vor.u32 v3, v13;
	v4 =	vor.u32 v10, v4;
	v18 =	vld.idx.msk [tilespmem:v57+s12+$0x0], $0xffff;
	v17 =	vor.u32 v32, v7  }
0x364: {  	v20 =	vor.u32 v3, v20;
	v1 =	vor.u32 v35, v4;
	v5 =	vld.idx.msk [tilespmem:v9+s12+$0x0], $0xffff  }
0x365: {  	[tilespmem:v22+s18+$0x0] =	vst.idx.msk $0xffff, v11;
	v11 =	vor.u32 v3, v21;
	_ =	sdelay $0x1  }
0x366: {  	v15 =	vor.u32 v29, v15;
	v9 =	vor.u32 s24, v48  }
0x367: {  	v7 =	vor.u32 v31, v7;
	v13 =	vld.idx.msk [tilespmem:v13+s12+$0x0], $0xffff;
	[tilespmem:v17+s18+$0x0] =	vst.idx.msk $0xffff, v18;
	v21 =	vshll.u32 v9, $0x5  }
0x368: {  	v20 =	vld.idx.msk [tilespmem:v20+s12+$0x0], $0xffff;
	v22 =	vor.u32 s25, v48;
	[tilespmem:v1+s18+$0x0] =	vst.idx.msk $0xffff, v5;
	v17 =	vor.u32 v0, v21  }
0x369: {  	v4 =	vor.u32 v33, v4;
	v18 =	vshll.u32 v22, $0x5;
	v11 =	vld.idx.msk [tilespmem:v11+s12+$0x0], $0xffff  }
0x36a: {  	v1 =	vor.u32 s26, v48;
	v58 =	vor.u32 v0, v18  }
0x36b: {  	[tilespmem:v46+s18+$0x0] =	vst.idx.msk $0xffff, v49;
	v5 =	vand.u32 $0x78, v9;
	v9 =	vshll.u32 v1, $0x5  }
0x36c: {  	v59 =	vld.idx.msk [tilespmem:v47+s12+$0x0], $0xffff;
	[tilespmem:v15+s18+$0x0] =	vst.idx.msk $0xffff, v13;
	v5 =	vor.u32 v12, v5;
	v15 =	vor.u32 v0, v9  }
0x36d: {  	v13 =	vand.u32 $0x78, v22;
	[tilespmem:v7+s18+$0x0] =	vst.idx.msk $0xffff, v20;
	v7 =	vor.u32 v30, v5;
	v17 =	vld.idx.msk [tilespmem:v17+s12+$0x0], $0xffff  }
0x36e: {  	v13 =	vor.u32 v12, v13;
	[tilespmem:v4+s18+$0x0] =	vst.idx.msk $0xffff, v11;
	v4 =	vor.u32 v0, v43  }
0x36f: {  	v1 =	vand.u32 $0x78, v1;
	v20 =	vor.u32 v3, v21;
	v21 =	vor.u32 v32, v13;
	v22 =	vld.idx.msk [tilespmem:v58+s12+$0x0], $0xffff  }
0x370: {  	v18 =	vor.u32 v3, v18;
	v1 =	vor.u32 v12, v1  }
0x371: {  	[tilespmem:v44+s18+$0x0] =	vst.idx.msk $0xffff, v59;
	v11 =	vor.u32 v35, v1;
	v15 =	vld.idx.msk [tilespmem:v15+s12+$0x0], $0xffff  }
0x372: {  	[tilespmem:v7+s18+$0x0] =	vst.idx.msk $0xffff, v17;
	v7 =	vor.u32 v3, v9  }
0x373: {  	v4 =	vld.idx.msk [tilespmem:v4+s12+$0x0], $0xffff  }
0x374: {  	v5 =	vor.u32 v29, v5;
	v9 =	vand.u32 $0x78, v34;
	[tilespmem:v21+s18+$0x0] =	vst.idx.msk $0xffff, v22;
	v20 =	vld.idx.msk [tilespmem:v20+s12+$0x0], $0xffff  }
0x375: {  	v13 =	vor.u32 v31, v13;
	v17 =	vshll.u32 v36, $0x5;
	v18 =	vld.idx.msk [tilespmem:v18+s12+$0x0], $0xffff;
	v9 =	vor.u32 v16, v9  }
0x376: {  	v22 =	vshll.u32 v37, $0x5;
	[tilespmem:v11+s18+$0x0] =	vst.idx.msk $0xffff, v15;
	v21 =	vor.u32 v0, v17;
	v11 =	vor.u32 v28, v9  }
0x377: {  	v1 =	vor.u32 v33, v1;
	v60 =	vor.u32 v0, v22;
	v7 =	vld.idx.msk [tilespmem:v7+s12+$0x0], $0xffff;
	_ =	sdelay $0x1  }
0x378: {  	v63 =	vshll.u32 v38, $0x5;
	[tilespmem:v5+s18+$0x0] =	vst.idx.msk $0xffff, v20  }
0x379: {  	v62 =	vand.u32 $0x78, v36;
	v45 =	vor.u32 v0, v63;
	v15 =	vor.u32 v3, v43;
	[tilespmem:v13+s18+$0x0] =	vst.idx.msk $0xffff, v18  }
0x37a: {  	v5 =	vor.u32 v16, v62;
	v20 =	vand.u32 $0x78, v37;
	v18 =	vld.idx.msk [tilespmem:v21+s12+$0x0], $0xffff;
	[tilespmem:v11+s18+$0x0] =	vst.idx.msk $0xffff, v4  }
0x37b: {  	v13 =	vor.u32 v30, v5;
	v20 =	vor.u32 v16, v20;
	v34 =	vld.idx.msk [tilespmem:v60+s12+$0x0], $0xffff;
	[tilespmem:v1+s18+$0x0] =	vst.idx.msk $0xffff, v7  }
0x37c: {  	v17 =	vor.u32 v3, v17;
	v21 =	vor.u32 v32, v20;
	v14 =	vld [tilespmem:$0x1FFC0]  }
0x37d: {  	v4 =	vor.u32 v3, v22;
	v11 =	vand.u32 $0x78, v38  }
0x37e: {  	v9 =	vor.u32 v27, v9;
	v15 =	vld.idx.msk [tilespmem:v15+s12+$0x0], $0xffff;
	v11 =	vor.u32 v16, v11  }
0x37f: {  	v1 =	vor.u32 v35, v11;
	v7 =	vld.idx.msk [tilespmem:v45+s12+$0x0], $0xffff  }
0x380: {  	[tilespmem:v13+s18+$0x0] =	vst.idx.msk $0xffff, v18;
	v13 =	vor.u32 v3, v63  }
0x381: {  	v5 =	vor.u32 v29, v5;
	v17 =	vld.idx.msk [tilespmem:v17+s12+$0x0], $0xffff;
	[tilespmem:v21+s18+$0x0] =	vst.idx.msk $0xffff, v34;
	v22 =	vor.u32 s23, v14  }
0x382: {  	v20 =	vor.u32 v31, v20;
	v4 =	vld.idx.msk [tilespmem:v4+s12+$0x0], $0xffff;
	v46 =	vor.u32 s24, v14;
	v18 =	vshll.u32 v22, $0x5  }
0x383: {  	[tilespmem:v9+s18+$0x0] =	vst.idx.msk $0xffff, v15;
	v15 =	vor.u32 s25, v14;
	v9 =	vshll.u32 v46, $0x5;
	v21 =	vor.u32 v0, v18  }
0x384: {  	[tilespmem:v1+s18+$0x0] =	vst.idx.msk $0xffff, v7;
	v49 =	vshll.u32 v15, $0x5;
	v47 =	vor.u32 v0, v9  }
0x385: {  	v7 =	vor.u32 v33, v11;
	v13 =	vld.idx.msk [tilespmem:v13+s12+$0x0], $0xffff;
	v1 =	vor.u32 v0, v49  }
0x386: {  	v22 =	vand.u32 $0x78, v22;
	[tilespmem:v5+s18+$0x0] =	vst.idx.msk $0xffff, v17  }
0x387: {  	v50 =	vor.u32 s26, v14;
	v5 =	vor.u32 v24, v22;
	[tilespmem:v20+s18+$0x0] =	vst.idx.msk $0xffff, v4;
	v20 =	vand.u32 $0x78, v46  }
0x388: {  	v15 =	vand.u32 $0x78, v15;
	v4 =	vor.u32 v28, v5;
	v20 =	vor.u32 v24, v20;
	v21 =	vld.idx.msk [tilespmem:v21+s12+$0x0], $0xffff  }
0x389: {  	v11 =	vshll.u32 v50, $0x5;
	v15 =	vor.u32 v24, v15;
	v22 =	vor.u32 v30, v20;
	v52 =	vld.idx.msk [tilespmem:v47+s12+$0x0], $0xffff  }
0x38a: {  	v17 =	vor.u32 v0, v11;
	[tilespmem:v7+s18+$0x0] =	vst.idx.msk $0xffff, v13;
	v7 =	vor.u32 v32, v15;
	v1 =	vld.idx.msk [tilespmem:v1+s12+$0x0], $0xffff;
	_ =	sdelay $0x2  }
0x38b: {  	v53 =	vand.u32 $0x78, v50;
	v18 =	vor.u32 v3, v18;
	[tilespmem:v4+s18+$0x0] =	vst.idx.msk $0xffff, v21  }
0x38c: {  	v9 =	vor.u32 v3, v9;
	v13 =	vor.u32 v24, v53;
	[tilespmem:v22+s18+$0x0] =	vst.idx.msk $0xffff, v52  }
0x38d: {  	v54 =	vor.u32 v3, v49;
	v55 =	vor.u32 v35, v13;
	v17 =	vld.idx.msk [tilespmem:v17+s12+$0x0], $0xffff;
	[tilespmem:v7+s18+$0x0] =	vst.idx.msk $0xffff, v1  }
0x38e: {  	v11 =	vor.u32 v3, v11;
	v56 =	vld [tilespmem:$0x1FFE0];
	_ =	sdelay $0x1  }
0x38f: {  	v4 =	vor.u32 v27, v5;
	v5 =	vld.idx.msk [tilespmem:v18+s12+$0x0], $0xffff  }
0x390: {  	v18 =	vor.u32 v29, v20;
	v9 =	vld.idx.msk [tilespmem:v9+s12+$0x0], $0xffff  }
0x391: {  	v7 =	vor.u32 v31, v15;
	v15 =	vld.idx.msk [tilespmem:v54+s12+$0x0], $0xffff;
	[tilespmem:v55+s18+$0x0] =	vst.idx.msk $0xffff, v17  }
0x392: {  	v13 =	vor.u32 v33, v13;
	v11 =	vld.idx.msk [tilespmem:v11+s12+$0x0], $0xffff;
	v1 =	vor.u32 s23, v56  }
0x393: {  	v20 =	vor.u32 s24, v56;
	v17 =	vshll.u32 v1, $0x5  }
0x394: {  	[tilespmem:v4+s18+$0x0] =	vst.idx.msk $0xffff, v5;
	v58 =	vor.u32 s26, v56;
	v22 =	vshll.u32 v20, $0x5;
	v21 =	vor.u32 v0, v17  }
0x395: {  	[tilespmem:v18+s18+$0x0] =	vst.idx.msk $0xffff, v9;
	v18 =	vshll.u32 v58, $0x5;
	v4 =	vor.u32 v0, v22  }
0x396: {  	v57 =	vor.u32 s25, v56;
	[tilespmem:v7+s18+$0x0] =	vst.idx.msk $0xffff, v15;
	v7 =	vor.u32 v0, v18  }
0x397: {  	v5 =	vshll.u32 v57, $0x5;
	v1 =	vand.u32 $0x78, v1;
	[tilespmem:v13+s18+$0x0] =	vst.idx.msk $0xffff, v11;
	v11 =	vld.idx.msk [tilespmem:v41+s12+$0x0], $0xffff  }
0x398: {  	v15 =	vand.u32 $0x78, v20;
	v9 =	vor.u32 v0, v5;
	v1 =	vor.u32 v19, v1  }
0x399: {  	v60 =	vand.u32 $0x78, v58;
	v15 =	vor.u32 v19, v15;
	v13 =	vor.u32 v28, v1;
	v20 =	vld.idx.msk [tilespmem:v21+s12+$0x0], $0xffff  }
0x39a: {  	v59 =	vor.u32 v30, v15;
	v30 =	vor.u32 v19, v60;
	v4 =	vld.idx.msk [tilespmem:v4+s12+$0x0], $0xffff  }
0x39b: {  	v17 =	vor.u32 v3, v17;
	v63 =	vor.u32 v35, v30;
	v21 =	vand.u32 $0x78, v57;
	v7 =	vld.idx.msk [tilespmem:v7+s12+$0x0], $0xffff  }
0x39c: {  	[tilespmem:v42+s18+$0x0] =	vst.idx.msk $0xffff, v11;
	v11 =	vor.u32 v3, v18;
	v21 =	vor.u32 v19, v21  }
0x39d: {  	v22 =	vor.u32 v3, v22;
	v9 =	vld.idx.msk [tilespmem:v9+s12+$0x0], $0xffff;
	v62 =	vor.u32 v32, v21  }
0x39e: {  	v5 =	vor.u32 v3, v5;
	[tilespmem:v13+s18+$0x0] =	vst.idx.msk $0xffff, v20  }
0x39f: {  	v13 =	vld.idx.msk [tilespmem:v39+s12+$0x0], $0xffff;
	[tilespmem:v59+s18+$0x0] =	vst.idx.msk $0xffff, v4  }
0x3a0: {  	v1 =	vor.u32 v27, v1;
	[tilespmem:v63+s18+$0x0] =	vst.idx.msk $0xffff, v7;
	v4 =	vld.idx.msk [tilespmem:v17+s12+$0x0], $0xffff  }
0x3a1: {  	v17 =	vor.u32 v33, v30;
	v11 =	vld.idx.msk [tilespmem:v11+s12+$0x0], $0xffff  }
0x3a2: {  	[tilespmem:v62+s18+$0x0] =	vst.idx.msk $0xffff, v9;
	v9 =	vor.u32 v29, v15;
	v15 =	vld.idx.msk [tilespmem:v22+s12+$0x0], $0xffff  }
0x3a3: {  	v7 =	vor.u32 v31, v21;
	v5 =	vld.idx.msk [tilespmem:v5+s12+$0x0], $0xffff  }
0x3a4: {  	s21 =	sadd.s32 $0x1, s21;
	[tilespmem:v40+s18+$0x0] =	vst.idx.msk $0xffff, v13  }
0x3a5: {  	p0 =	sne.s32 s21, $0x19;
	[tilespmem:v1+s18+$0x0] =	vst.idx.msk $0xffff, v4  }
.Ltmp7:
0x3a6: {  	[tilespmem:v17+s18+$0x0] =	vst.idx.msk $0xffff, v11;
	(pc) =	sbr.rel @p0 .LBB2_6-.Ltmp7, $4  }
0x3a7: {  	s22 =	sshll.u32 s22, $0x10;
	[tilespmem:v9+s18+$0x0] =	vst.idx.msk $0xffff, v15  }
0x3a8: {  	s22 =	sadd.s32 s1, s22;
	v21 =	vmov v6;
	[tilespmem:v7+s18+$0x0] =	vst.idx.msk $0xffff, v5  }
0x3a9: {  	s22 =	sadd.s32 s6, s22;
	v39 =	vmovc v8;
	v6 =	vmovc v26;
	v8 =	vmov v48;
	v22 =	vmov v24;
	v40 =	vmov v10;
	v18 =	vld [tilespmem:$0x1FFF0]  }
0x3aa: {  	v10 =	vmovc v16;
	v11 =	vmovc v51;
	v9 =	vmov v2;
	v5 =	vmov v23;
	v7 =	vmov v25;
	[hbm4b:s22+s15] =	stream.strided.scatter [tilespmem:s18], [sflag:$0x2], $0x4000, s16, s15, $0x38;
	v15 =	vld [tilespmem:$0x1FF30]  }
0x3ab: {  	s19 =	sadd.s32 $0x1, s19  }
0x3ac: {  	_ =	swait.ge [sflag:s17], $0x4000;
	p0 =	sne.s32 s19, s7  }
.Ltmp8:
0x3ad: {  	[sflag:s17] =	ssyncset.done $0x0;
	(pc) =	sbr.rel @p0 .LBB2_1-.Ltmp8, $4  }
0x3ae: {  	[sflag:s17] =	ssyncadd.s32 $0xFFFFC000  }
0x3af: {  	_ =	swait.ge [sflag:s17], $0x4000  }
0x3b0: {  	[sflag:s17] =	ssyncset.done $0x0  }
0x3b1: {  	[sflag:s17] =	ssyncadd.s32 $0xFFFFC000  }
0x3b2: {  	_ =	sfence.sel $0x180000  }
0x3b3: {  	[bflag:$0x0] =	sbarrier.arrive $0xFFFF  }
0x3b4: {  	p0 =	sne.s32 s2, $0x0;
	_ =	strace $0x9000004A  }
0x3b5: {  	s0 =	sadd.s32 @!p0 $0x100000, s0;
	[bflag:$0x2] =	sbarrier.arrive $0xFFFF  }
0x3b6: {  	[sflag:s0] =	ssyncadd.tile.s32 @!p0 $0x1;
	_ =	shalt  }
.Lfunc_end2:
_tile_overlayer_lowered:
.L_overlay_start_2:
0x3b7: {  	(tag) =	ssettag $0x2  }
0x3b8: {  	s0 =	rddreg [dreg:$0x0];
	s2 =	stileid.u32  }
0x3b9: {  	s1 =	rddreg [dreg:$0x1];
	p0 =	sne.s32 s2, $0x0  }
0x3ba: {  	s3 =	rddreg [dreg:$0x2];
	[bflag:$0x3] =	sbarrier.arrive $0xFFFF;
	s2 =	simm.s32 @!p0 $0x1C03  }
0x3bb: {  	[timem:s3], [sflag:s2] =	dma.local @!p0 [hbm:s0], s1  }
0x3bc: {  	s0 =	simm.s32 @!p0 $0x3  }
0x3bd: {  	_ =	swait.ge @!p0 [sflag:s0], s1  }
0x3be: {  	s1 =	ssub.s32 @!p0 $0x0, s1;
	[sflag:s0] =	ssyncset.done @!p0 $0x0  }
0x3bf: {  	[sflag:s0] =	ssyncadd.s32 @!p0 s1  }
0x3c0: {  	[bflag:$0x3] =	sbarrier.arrive $0xFFFF  }
0x3c1: {  	_ =	shalt  }

// kernel: sparse-core-data-format-call.cloned.1.call-start
scs
called_computation_lowered:
.L_overlay_start_0:
0x0: {  	s2 =	sld [smem:$0x3FD9]  }
0x1: {  	s3 =	sld [smem:$0x3FFE];
	_ =	sdelay $0x1  }
0x2: {  	s1 =	srdreg.scid  }
0x3: {  	s0 =	sand.u32 $0x1, s1  }
0x4: {  	s18 =	sshll.u32 s0, $0xA;
	s2 =	sadd.s32 s3, s2  }
0x5: {  	s2 =	sadd.s32 s2, s18  }
0x6: {  	[smem:$0x3FC6] =	sst s2  }
0x7: {  	_ = 	snop  }
0x8: {  	s2 =	sld [smem:$0x3FC8];
	(tm) =	ssettm $0x1  }
0x9: {  	s19 =	sld [smem:$0x3FFB];
	_ =	sdelay $0x3  }
0xa: {  	_ =	strace s19  }
0xb: {  	s3 =	sld [smem:$0x3FFC];
	_ =	sdelay $0x3  }
0xc: {  	_ =	strace s3  }
0xd: {  	s3 =	sld [smem:$0x3FFD];
	_ =	sdelay $0x3  }
0xe: {  	_ =	strace s3  }
0xf: {  	_ =	strace $0x8FFFFFFF  }
0x10: {  	s20 =	sld [smem:$0x3FDB];
	_ =	sdelay $0x1  }
0x11: {  	s4 =	simm.s32 $_scs_section_size  }
0x12: {  	s5 =	simm.s32 $_size__tile_overlayer_lowered;
	s6 =	simm.s32 $_tile_overlayer_lowered  }
0x13: {  	s23 =	simm.s32 $0x1BFF;
	s22 =	sshll.u32 s6, $0x1;
	s3 =	sadd.s32 s4, s20  }
0x14: {  	s7 =	simm.s32 $0x0;
	s21 =	sshll.u32 s5, $0x1;
	s5 =	sadd.s32 s22, s3  }
0x15: {  	[timem:s7], [sflag:s23] =	dma.local [hbm:s5], s21  }
0x16: {  	_ =	swait.ge [sflag:s23], s21  }
0x17: {  	s4 =	ssub.s32 $0x0, s21;
	[sflag:s23] =	ssyncset.done $0x0  }
0x18: {  	[sflag:s23] =	ssyncadd.s32 s4;
	_ =	sdelay $0x1  }
0x19: {  	s24 =	simm.s32 $0x1B8B  }
0x1a: {  	_ =	swait.ge [sflag:s24], $0x1  }
0x1b: {  	[sflag:s24] =	ssyncset.done $0x0  }
0x1c: {  	s26 =	simm.s32 $0x1B8E;
	s25 =	sld [smem:$0x3FFE];
	[sflag:s24] =	ssyncadd.s32 $0xFFFFFFFF  }
0x1d: {  	s27 =	simm.s32 $execute0_lowered;
	[smem:$0x3FD2] =	sst s26  }
0x1e: {  	s5 =	sshll.u32 s27, $0x1;
	_ =	strace $0x80000046;
	[dreg:$0x1] =	wrdreg $0xFFFFFFFF  }
0x1f: {  	s28 =	simm.s32 $_size_execute0_lowered;
	s3 =	sadd.s32 s3, s5;
	[dreg:$0x0] =	wrdreg $0x0  }
0x20: {  	s5 =	sshll.u32 s28, $0x1;
	[dreg:$0x2] =	wrdreg s3  }
0x21: {  	[dreg:$0x3] =	wrdreg s5  }
0x22: {  	[dreg:$0x4] =	wrdreg $0xC0  }
0x23: {  	_ =	task [dreg:s7], $0x5FFFF  }
0x24: {  	[dreg:$0x1] =	wrdreg $0xFFFFFFFF  }
0x25: {  	[dreg:$0x0] =	wrdreg $0x60  }
0x26: {  	[dreg:$0x2] =	wrdreg s2  }
0x27: {  	[dreg:$0x3] =	wrdreg s25  }
0x28: {  	[dreg:$0x4] =	wrdreg $0x9  }
0x29: {  	_ =	task.clear_ibuf [dreg:s7], $0x5FFFF;
	_ =	strace $0x90000046  }
0x2a: {  	s29 =	simm.s32 $0x9;
	_ =	strace $0x80000048  }
0x2b: {  	_ =	swait.ge [sflag:s29], $0x1  }
0x2c: {  	[sflag:s29] =	ssyncadd.s32 $0xFFFFFFFF  }
0x2d: {  	_ =	strace $0x90000048  }
0x2e: {  	_ =	sfence  }
0x2f: {  	s30 =	sld [smem:$0x0];
	_ =	sdelay $0x2  }
0x30: {  	s31 =	sshll.u32 s1, $0xD;
	s1 =	sshrl.u32 s1, $0x2  }
0x31: {  	s3 =	sand.u32 $0x4000, s31;
	s1 =	sadd.s32 s1, s30  }
0x32: {  	s0 =	sor.u32 s3, s0;
	s1 =	sshll.u32 s1, $0x11  }
0x33: {  	s0 =	sor.u32 s1, s0  }
0x34: {  	s0 =	sadd.s32 $0x8F2B, s0  }
0x35: {  	[sflag:s0] =	ssyncadd.remote.s32 $0x1  }
0x36: {  	_ =	sfence.sel $0xFFFF  }
0x37: {  	[dreg:$0x0] =	wrdreg $0xFFFFFFFF;
	(pc) =	sbr.abs _section_cstart, $3  }
0x38: {  	[dreg:$0x1] =	wrdreg $0xFFFFFFFF  }
0x39: {  	_ =	task.clear_ibuf [dreg:s7], $0x2FFFF;
	_ =	strace $0x9FFFFFFF  }
0x3a: {  	(tm) =	ssettm $0x7FFFFFFF  }
0x3b: {  	_ =	shalt  }
tec
execute0_lowered:
.L_overlay_start_1:
0x0: {  	(tag) =	ssettag $0x1  }
0x1: {  	s0 =	srdreg.scid;
	s2 =	rddreg [dreg:$0x0]  }
0x2: {  	s5 =	rddreg [dreg:$0x1];
	s1 =	stileid.u32  }
0x3: {  	s4 =	simm.s32 $0x1;
	s6 =	simm.s32 $0x2;
	s15 =	simm.s32 $0x0  }
0x4: {  	p0 =	por $0x0, $0x0;
	s8 =	simm.s32 $0x80;
	s0 =	sshll.u32 s0, $0x4  }
0x5: {  	s14 =	simm.s32 $0x0;
	s9 =	simm.s32 $0x0;
	s3 =	sand.u32 $0x10, s0  }
.Ltmp0:
0x6: {  	s10 =	simm.s32 $0x0;
	s3 =	sor.u32 s1, s3;
	(pc) =	sbr.rel .LBB1_1-.Ltmp0, $4  }
0x7: {  	s0 =	rddreg [dreg:$0x2];
	_ =	strace $0x80000047;
	s3 =	sshll.u32 s3, $0x7  }
0x8: {  	s12 =	simm.s32 $0x0;
	[sflag:s4] =	ssyncpa.u1 $0x0;
	s7 =	ssub.s32 $0xF4200, s3  }
0x9: {  	s13 =	simm.s32 $0x0;
	[sflag:s6] =	ssyncpa.u1 $0x0;
	s6 =	sshrl.u32 s7, $0xC  }
0xa: {  	s5 =	sadd.s32 $0xA00, s5;
	s11 =	smov.u32 s3;
	s7 =	sadd.s32 $0x2, s6  }
.LBB1_5:
0xb: {  	p1 =	slt.u32 s13, $0x2  }
0xc: {  	s17 =	smov.u32 s15;
	p2 =	sgt.s32 @!p1 s15, $0xF41C0;
	s16 =	sshra.s32 @!p1 s15, $0x1F  }
0xd: {  	p3 =	sgt.s32 @!p1 s14, $0x60;
	s18 =	sshra.s32 @!p1 s14, $0x1F;
	p2 =	por !p2, p1  }
0xe: {  	s15 =	sand.u32 @!p1 s16, s15;
	p3 =	por !p3, p1;
	s16 =	smov.u32 s14  }
0xf: {  	s14 =	sand.u32 @!p1 s18, s14;
	s17 =	simm.s32 @p2 $0xF41C0;
	s16 =	simm.s32 @p3 $0x60  }
0x10: {  	s15 =	ssub.s32 @!p1 s17, s15;
	s14 =	ssub.s32 @!p1 s16, s14  }
0x11: {  	s18 =	smov.u32 s12;
	s16 =	sadd.s32 @!p1 $0xFFF0BE40, s15;
	s17 =	sadd.s32 @!p1 $0xFFFFFFA0, s14  }
0x12: {  	s15 =	ssub.s32 @!p1 $0xF4240, s15;
	p2 =	sgt.s32 @!p1 s16, $0x7F;
	p3 =	sgt.s32 @!p1 s17, $0x1F  }
0x13: {  	s14 =	ssub.s32 @!p1 $0x80, s14;
	p2 =	por !p2, p1;
	p3 =	por !p3, p1  }
0x14: {  	s16 =	sadd.s32 $0x1000, s11;
	s15 =	simm.s32 @!p2 $0x0;
	s14 =	simm.s32 @!p3 $0x0  }
0x15: {  	p2 =	sgt.s32 s16, $0xF423F;
	s14 =	smul.u32 @!p1 s14, s15;
	s15 =	sadd.s32 $0x20, s12  }
0x16: {  	s18 =	smov.u32 @p2 s15  }
0x17: {  	s16 =	smov.u32 @p2 s3;
	p2 =	sgt.s32 s18, $0x1F  }
0x18: {  	s18 =	simm.s32 @p2 $0x0;
	p2 =	sne.s32 s13, s7  }
.Ltmp1:
0x19: {  	p0 =	por !p0, !p0;
	s17 =	simm.s32 @!p1 $0x2;
	(pc) =	sbr.rel @!p2 .LBB1_6-.Ltmp1, $4  }
0x1a: {  	s15 =	smov.u32 s9;
	s9 =	smov.u32 s11;
	s14 =	sand.u32 @!p1 $0x3FFFFFFF, s14  }
0x1b: {  	s11 =	smov.u32 s16;
	_ =	swait.ge @!p1 [sflag:s17], s14;
	s19 =	ssub.s32 @!p1 $0x0, s14  }
0x1c: {  	s14 =	smov.u32 s10;
	s13 =	sadd.s32 $0x1, s13;
	[sflag:s17] =	ssyncset.done @!p1 $0x0  }
0x1d: {  	s10 =	smov.u32 s12;
	s12 =	smov.u32 s18;
	[sflag:s17] =	ssyncadd.s32 @!p1 s19  }
.LBB1_1:
0x1e: {  	p1 =	sgt.u32 s13, s6  }
0x1f: {  	s16 =	sshrl.u32 @!p1 s12, $0x3  }
0x20: {  	s17 =	sshll.u32 @!p1 s11, $0x3;
	s16 =	smul.u32 @!p1 $0x7A1400, s16  }
0x21: {  	s18 =	sshll.u32 @!p1 s12, $0x7;
	s17 =	sand.u32 @!p1 $0xFFFFFC00, s17  }
0x22: {  	s16 =	sadd.s32 @!p1 s16, s17;
	s17 =	sand.u32 @!p1 $0x380, s18  }
0x23: {  	s18 =	sand.u32 @!p1 $0x7F, s11;
	s16 =	sor.u32 @!p1 s17, s16  }
0x24: {  	s17 =	sor.u32 @!p1 s18, s16  }
0x25: {  	s18 =	smulhi.u32 @!p1 $0x218D6287, s17;
	_ =	sdelay $0x1  }
0x26: {  	s16 =	smulhi.u32 @!p1 $0x218D6287, s16;
	s18 =	sshrl.u32 @!p1 s18, $0x11  }
0x27: {  	s18 =	smul.u32 @!p1 $0xF4280, s18  }
0x28: {  	s19 =	sxor.u32 @!p1 $0xFFFFFFFF, s13;
	s16 =	sshrl.u32 @!p1 s16, $0x11  }
0x29: {  	s19 =	sshll.u32 @!p1 s19, $0xC;
	s16 =	sand.u32 @!p1 $0x1F, s16;
	s17 =	ssub.s32 @!p1 s17, s18  }
0x2a: {  	s16 =	smul.u32 @!p1 $0x1E850, s16;
	s18 =	sshrl.u32 @!p1 s17, $0x3;
	s17 =	sand.u32 @!p1 $0x7, s17  }
0x2b: {  	s19 =	sand.u32 @!p1 $0x1000, s19;
	s18 =	sadd.s32 @!p1 s2, s18;
	s17 =	sshll.u32 @!p1 s17, $0x12  }
0x2c: {  	s16 =	sadd.s32 @!p1 s16, s18;
	s17 =	sor.u32 @!p1 $0x400, s17;
	s18 =	simm.s32 @!p1 $0x7A1400  }
0x2d: {  	[tilespmem:s19], [sflag:$0x1] =	stream.strided.gather @!p1 [hbm4b:s16+s17], $0x1000, s18, s17, $0x38;
	[tilespmem:$0x4100] =	vst v63  }
0x2e: {  	p1 =	seq.s32 s13, $0x0  }
0x2f: {  	p2 =	sge.u32 @!p1 s13, s7  }
0x30: {  	p1 =	por p1, p2  }
.Ltmp2:
0x31: {  	_ = 	snop;
	(pc) =	sbr.rel @p1 .LBB1_5-.Ltmp2, $1  }
0x32: {  	_ =	sdelay $0x3  }
0x33: {  	s16 =	simm.s32 $0x1  }
0x34: {  	_ =	swait.ge [sflag:s4], $0x1000;
	s16 =	simm.s32 @!p0 $0x0  }
0x35: {  	[sflag:s4] =	ssyncset.done $0x0;
	s17 =	sshll.u32 s16, $0xC  }
0x36: {  	[sflag:s4] =	ssyncadd.s32 $0xFFFFF000;
	s17 =	sor.u32 $0x40, s17  }
0x37: {  	s16 =	smul.u32 $0x4200, s16;
	v0 =	vld [tilespmem:s17+$0x30]  }
0x38: {  	v1 =	vld [tilespmem:s17+$0xFFFFFFD0]  }
0x39: {  	s16 =	sshrl.u32 s16, $0x2;
	v5 =	vld [tilespmem:s17+$0xFFFFFFE0]  }
0x3a: {  	v6 =	vld [tilespmem:s17+$0xFFFFFFF0];
	s19 =	sor.u32 $0x2000, s16  }
0x3b: {  	s31 =	sand.u32 $0x1, s13;
	v4 =	vld [tilespmem:s17+$0x0];
	s18 =	sadd.s32 $0x0, s19  }
0x3c: {  	v3 =	vld [tilespmem:s17+$0x10];
	s16 =	smul.u32 $0x4200, s31;
	[tilespmem:s18+$0xE70 ss:$0x21] =	vst.msk $0xffff, v0  }
0x3d: {  	v2 =	vld [tilespmem:s17+$0x20];
	[tilespmem:s18+$0x210 ss:$0x21] =	vst.msk $0xffff, v1  }
0x3e: {  	s16 =	sshrl.u32 s16, $0x2;
	v1 =	vld [tilespmem:s17+$0xFFFFFFC0];
	[tilespmem:s18+$0x420 ss:$0x21] =	vst.msk $0xffff, v5;
	s17 =	sadd.s32 $0x80, s17  }
0x3f: {  	s20 =	simm.s32 $0x4;
	s21 =	simm.s32 $0x8;
	s16 =	sor.u32 $0x2000, s16;
	[tilespmem:s18+$0x630 ss:$0x21] =	vst.msk $0xffff, v6;
	v0 =	vld [tilespmem:s17+$0x30]  }
.LBB1_3:
0x40: {  	p1 =	sne.s32 s21, $0x7C;
	v5 =	vld [tilespmem:s17+$0xFFFFFFD0];
	[tilespmem:s18+$0x840 ss:$0x21] =	vst.msk $0xffff, v4  }
0x41: {  	v6 =	vld [tilespmem:s17+$0xFFFFFFE0];
	[tilespmem:s18+$0xA50 ss:$0x21] =	vst.msk $0xffff, v3  }
0x42: {  	s22 =	sshra.s32 s20, $0x2;
	s20 =	smov.u32 s21;
	v7 =	vld [tilespmem:s17+$0xFFFFFFF0];
	[tilespmem:s18+$0xC60 ss:$0x21] =	vst.msk $0xffff, v2  }
.Ltmp3:
0x43: {  	v4 =	vld [tilespmem:s17+$0x0];
	[tilespmem:s18+$0x0 ss:$0x21] =	vst.msk $0xffff, v1;
	s18 =	sadd.s32 s22, s19;
	(pc) =	sbr.rel @p1 .LBB1_3-.Ltmp3, $4  }
0x44: {  	v3 =	vld [tilespmem:s17+$0x10];
	[tilespmem:s18+$0xE70 ss:$0x21] =	vst.msk $0xffff, v0  }
0x45: {  	[tilespmem:s18+$0x210 ss:$0x21] =	vst.msk $0xffff, v5;
	v2 =	vld [tilespmem:s17+$0x20]  }
0x46: {  	v1 =	vld [tilespmem:s17+$0xFFFFFFC0];
	[tilespmem:s18+$0x420 ss:$0x21] =	vst.msk $0xffff, v6;
	s17 =	sadd.s32 $0x80, s17  }
0x47: {  	s21 =	sadd.s32 $0x4, s21;
	v0 =	vld [tilespmem:s17+$0x30];
	[tilespmem:s18+$0x630 ss:$0x21] =	vst.msk $0xffff, v7  }
0x48: {  	s21 =	sshll.u32 s9, $0x7;
	s22 =	sshll.u32 s10, $0x3;
	s20 =	sshra.s32 s20, $0x2  }
0x49: {  	p1 =	sgt.s32 s9, $0xF41C0;
	s30 =	sshra.s32 s9, $0x1F;
	s25 =	sshra.s32 s10, $0x1F  }
0x4a: {  	v5 =	vld [tilespmem:s17+$0xFFFFFFD0];
	s28 =	sshrl.u32 s10, $0x3;
	s23 =	sand.u32 $0xFFFFFC00, s21;
	s22 =	sand.u32 $0xFFFFFC00, s22  }
0x4b: {  	[tilespmem:s18+$0x840 ss:$0x21] =	vst.msk $0xffff, v4;
	v58 =	vld [tilespmem:s17+$0xFFFFFFE0];
	s21 =	sand.u32 $0x380, s21;
	s19 =	sadd.s32 s20, s19;
	s22 =	sadd.s32 s22, s23  }
0x4c: {  	v59 =	vld [tilespmem:s17+$0xFFFFFFF0];
	[tilespmem:s18+$0xA50 ss:$0x21] =	vst.msk $0xffff, v3;
	s29 =	sor.u32 s21, s22;
	s21 =	smov.u32 s9;
	s22 =	sand.u32 s30, s9  }
0x4d: {  	v60 =	vld [tilespmem:s17+$0x0];
	[tilespmem:s18+$0xC60 ss:$0x21] =	vst.msk $0xffff, v2;
	s30 =	sand.u32 $0x7, s10;
	s20 =	sshrl.u32 s29, $0x7;
	s21 =	simm.s32 @!p1 $0xF41C0  }
0x4e: {  	v61 =	vld [tilespmem:s17+$0x10];
	[tilespmem:s18+$0x0 ss:$0x21] =	vst.msk $0xffff, v1;
	p1 =	sgt.s32 s10, $0x60;
	s24 =	ssub.s32 s21, s22;
	s21 =	smov.u32 s10  }
0x4f: {  	v62 =	vld [tilespmem:s17+$0x20];
	[tilespmem:s19+$0xE70 ss:$0x21] =	vst.msk $0xffff, v0;
	s31 =	smulhi.u32 $0x218DEF5, s20;
	s22 =	sand.u32 s25, s10;
	s21 =	simm.s32 @!p1 $0x60  }
0x50: {  	v63 =	vld [tilespmem:s17+$0xFFFFFFC0];
	[tilespmem:s19+$0x210 ss:$0x21] =	vst.msk $0xffff, v5;
	s26 =	sadd.s32 $0xFFF0BE40, s24;
	s17 =	ssub.s32 $0xF4240, s24;
	s21 =	ssub.s32 s21, s22  }
0x51: {  	[tilespmem:s19+$0x420 ss:$0x21] =	vst.msk $0xffff, v58;
	s23 =	sshrl.u32 s31, $0xD;
	p1 =	sgt.s32 s26, $0x7F;
	s27 =	sadd.s32 $0xFFFFFFA0, s21  }
0x52: {  	[tilespmem:s19+$0x630 ss:$0x21] =	vst.msk $0xffff, v59;
	s23 =	smul.u32 $0xF4240, s23;
	s18 =	ssub.s32 $0x80, s21;
	p2 =	sgt.s32 s27, $0x1F  }
.Ltmp4:
0x53: {  	[tilespmem:s19+$0x840 ss:$0x21] =	vst.msk $0xffff, v60;
	s17 =	simm.s32 @p1 $0x0;
	s18 =	simm.s32 @p2 $0x0;
	(pc) =	sbr.rel .LBB1_5-.Ltmp4, $4  }
0x54: {  	s29 =	sand.u32 $0xF, s28;
	[tilespmem:s19+$0xA50 ss:$0x21] =	vst.msk $0xffff, v61;
	s20 =	ssub.s32 s20, s23;
	s17 =	smul.u32 s18, s17  }
0x55: {  	[tilespmem:s19+$0xC60 ss:$0x21] =	vst.msk $0xffff, v62;
	s21 =	sshll.u32 s30, $0x12;
	s20 =	sshll.u32 s20, $0x4;
	s18 =	sadd.s32 s5, s29  }
0x56: {  	[tilespmem:s19+$0x0 ss:$0x21] =	vst.msk $0xffff, v63;
	s31 =	sor.u32 $0x20, s21;
	s18 =	sadd.s32 s20, s18;
	s17 =	sand.u32 $0x3FFFFFFF, s17  }
0x57: {  	[hbm4b:s18+s31] =	stream.strided.scatter [tilespmem:s16], [sflag:$0x2], s17, s8, s31, $0x10;
	[tilespmem:$0x4100] =	vst v63  }
.LBB1_6:
0x58: {  	_ =	sfence.sel $0x180000  }
0x59: {  	s2 =	simm.s32 $0x1;
	[bflag:$0x0] =	sbarrier.arrive $0xFFFF  }
0x5a: {  	s31 =	simm.s32 $0x2;
	[sflag:s2] =	ssyncpa.u1 $0x1  }
0x5b: {  	[sflag:s31] =	ssyncpa.u1 $0x1  }
0x5c: {  	p0 =	sne.s32 s1, $0x0;
	_ =	strace $0x90000047  }
0x5d: {  	s0 =	sadd.s32 @!p0 $0x100000, s0;
	[bflag:$0x2] =	sbarrier.arrive $0xFFFF  }
0x5e: {  	[sflag:s0] =	ssyncadd.tile.s32 @!p0 $0x1;
	_ =	shalt  }
.Lfunc_end1:
_tile_overlayer_lowered:
.L_overlay_start_2:
0x5f: {  	(tag) =	ssettag $0x2  }
0x60: {  	s0 =	rddreg [dreg:$0x0];
	s2 =	stileid.u32  }
0x61: {  	s1 =	rddreg [dreg:$0x1];
	p0 =	sne.s32 s2, $0x0  }
0x62: {  	s3 =	rddreg [dreg:$0x2];
	[bflag:$0x3] =	sbarrier.arrive $0xFFFF;
	s2 =	simm.s32 @!p0 $0x1C01  }
0x63: {  	[timem:s3], [sflag:s2] =	dma.local @!p0 [hbm:s0], s1  }
0x64: {  	s0 =	simm.s32 @!p0 $0x1  }
0x65: {  	_ =	swait.ge @!p0 [sflag:s0], s1  }
0x66: {  	s1 =	ssub.s32 @!p0 $0x0, s1;
	[sflag:s0] =	ssyncset.done @!p0 $0x0  }
0x67: {  	[sflag:s0] =	ssyncadd.s32 @!p0 s1  }
0x68: {  	[bflag:$0x3] =	sbarrier.arrive $0xFFFF  }
0x69: {  	_ =	shalt  }

</sc_bundles>
